<compile_context>
chip_gen: v7x
topology: tpu7x:2x2x1
jax: 0.10.2.dev20260603
libtpu: 0.0.44.dev20260713+nightly
codegen_flags: <defaults>
</compile_context>

<pallas_src>
import jax
import jax.numpy as jnp
from jax import lax
from jax.experimental import pallas as pl
from jax.experimental.pallas import tpu as pltpu
from jax.experimental.pallas import tpu_sc as plsc

N = 10000
D = 128
DH = D // 2
E = 320000
NC = 2
NS = 16
EPT = E // NS
C = 80
NCHUNK = EPT // C
CA = 128
NCHA = 160
EPA = NS * NCHA * CA
NP = 10240
RPT = NP // NS
DEG_L = 16
RB = 2000
GRID = N // RB

_MESH = dict(core_axis_name="c", subcore_axis_name="s",
             num_cores=NC, num_subcores=NS)


DNB = 10


def _deg_body(e_hbm, ones_hbm, zeros_hbm, out_hbm,
              idx_v, ones_v, dsems, acc):
    c = lax.axis_index("c")
    s = lax.axis_index("s")
    pltpu.sync_copy(e_hbm.at[c, s], idx_v)
    pltpu.sync_copy(ones_hbm, ones_v)
    row = pl.ds(s * RPT, RPT)
    pltpu.sync_copy(zeros_hbm, acc.at[row])
    plsc.subcore_barrier()

    def body(jj, carry):
        base = jj * DNB
        for b in range(DNB):
            pltpu.async_copy(ones_v, acc.at[idx_v.at[base + b]], dsems.at[b],
                             add=True)
        for b in range(DNB):
            pltpu.make_async_copy(ones_v, acc.at[idx_v.at[base + b]],
                                  dsems.at[b]).wait()
        return carry

    lax.fori_loop(0, NCHUNK // DNB, body, 0)
    plsc.subcore_barrier()
    pltpu.sync_copy(acc.at[row], out_hbm.at[c, row])


def _deg_call(e2, ones16, zeros16):
    fn = pl.kernel(
        _deg_body,
        out_type=jax.ShapeDtypeStruct((NC, NP, DEG_L), jnp.float32),
        mesh=plsc.VectorSubcoreMesh(**_MESH),
        compiler_params=pltpu.CompilerParams(use_tc_tiling_on_sc=False),
        scratch_types=[
            pltpu.VMEM((NCHUNK, C), jnp.int32),
            pltpu.VMEM((C, DEG_L), jnp.float32),
            pltpu.SemaphoreType.DMA((DNB,)),
            pltpu.VMEM_SHARED((NP, DEG_L), jnp.float32),
        ],
    )
    return fn(e2, ones16, zeros16)


NB = 4
NROUND = NCHA // NB


def _agg_body(th_hbm, snd_hbm, rcv_hbm, zeros_hbm, out_hbm,
              snd_v, rcv_v, rbs, gsems, ssems, acc):
    c = lax.axis_index("c")
    s = lax.axis_index("s")
    pltpu.sync_copy(snd_hbm.at[s], snd_v)
    pltpu.sync_copy(rcv_hbm.at[s], rcv_v)
    row = pl.ds(s * RPT, RPT)
    pltpu.sync_copy(zeros_hbm, acc.at[row])
    plsc.subcore_barrier()
    tc_ref = th_hbm.at[c]

    for b in range(NB):
        pltpu.async_copy(tc_ref.at[snd_v.at[b]], rbs.at[b], gsems.at[b])

    def body(jj, carry):
        base = jj * NB
        for b in range(NB):
            j = base + b
            pltpu.make_async_copy(tc_ref.at[snd_v.at[j]], rbs.at[b],
                                  gsems.at[b]).wait()
            pltpu.async_copy(rbs.at[b], acc.at[rcv_v.at[j]], ssems.at[b],
                             add=True)
        for b in range(NB):
            j = base + b
            pltpu.make_async_copy(rbs.at[b], acc.at[rcv_v.at[j]],
                                  ssems.at[b]).wait()

            @pl.when(jj + 1 < NROUND)
            def _():
                pltpu.async_copy(tc_ref.at[snd_v.at[j + NB]], rbs.at[b],
                                 gsems.at[b])

        return carry

    lax.fori_loop(0, NROUND, body, 0)
    plsc.subcore_barrier()
    pltpu.sync_copy(acc.at[row], out_hbm.at[c, row])


EB = 128


def _aggf_body(th_hbm, snd_hbm, rcv_hbm, zeros_hbm, nrb_hbm, out_hbm,
               snd_v, rcv_v, rbs, gsems, ssems, nrb_v, buf_v, acc):
    c = lax.axis_index("c")
    s = lax.axis_index("s")
    pltpu.sync_copy(snd_hbm.at[s], snd_v)
    pltpu.sync_copy(rcv_hbm.at[s], rcv_v)
    row = pl.ds(s * RPT, RPT)
    pltpu.sync_copy(zeros_hbm, acc.at[row])
    plsc.subcore_barrier()
    tc_ref = th_hbm.at[c]

    for b in range(NB):
        pltpu.async_copy(tc_ref.at[snd_v.at[b]], rbs.at[b], gsems.at[b])

    def body(jj, carry):
        base = jj * NB
        for b in range(NB):
            j = base + b
            pltpu.make_async_copy(tc_ref.at[snd_v.at[j]], rbs.at[b],
                                  gsems.at[b]).wait()
            pltpu.async_copy(rbs.at[b], acc.at[rcv_v.at[j]], ssems.at[b],
                             add=True)
        for b in range(NB):
            j = base + b
            pltpu.make_async_copy(rbs.at[b], acc.at[rcv_v.at[j]],
                                  ssems.at[b]).wait()

            @pl.when(jj + 1 < NROUND)
            def _():
                pltpu.async_copy(tc_ref.at[snd_v.at[j + NB]], rbs.at[b],
                                 gsems.at[b])

        return carry

    lax.fori_loop(0, NROUND, body, 0)
    plsc.subcore_barrier()
    def eblk(t, carry):
        r0 = s * RPT + t * EB
        pltpu.sync_copy(acc.at[pl.ds(r0, EB)], buf_v)
        pltpu.sync_copy(nrb_hbm.at[pl.ds(r0, EB)], nrb_v)

        def srow(r, carry2):
            nv = nrb_v[r]
            for k in range(DH // 16):
                col = pl.ds(k * 16, 16)
                buf_v[r, col] = jnp.maximum(buf_v[r, col] * nv, 0.0)
            return carry2

        lax.fori_loop(0, EB, srow, 0)
        pltpu.sync_copy(buf_v, out_hbm.at[pl.ds(r0, EB), pl.ds(c * DH, DH)])
        return carry

    lax.fori_loop(0, RPT // EB, eblk, 0)


def _aggf_call(th, snd, rcv, zerosH, nrb):
    fn = pl.kernel(
        _aggf_body,
        out_type=jax.ShapeDtypeStruct((NP, D), jnp.float32),
        mesh=plsc.VectorSubcoreMesh(**_MESH),
        compiler_params=pltpu.CompilerParams(use_tc_tiling_on_sc=False),
        scratch_types=[
            pltpu.VMEM((NCHA, CA), jnp.int32),
            pltpu.VMEM((NCHA, CA), jnp.int32),
            pltpu.VMEM((NB, CA, DH), jnp.float32),
            pltpu.SemaphoreType.DMA((NB,)),
            pltpu.SemaphoreType.DMA((NB,)),
            pltpu.VMEM((EB, DEG_L), jnp.float32),
            pltpu.VMEM((EB, DH), jnp.float32),
            pltpu.VMEM_SHARED((NP, DH), jnp.float32),
        ],
    )
    return fn(th, snd, rcv, zerosH, nrb)


def _agg_call(th, snd, rcv, zerosH):
    fn = pl.kernel(
        _agg_body,
        out_type=jax.ShapeDtypeStruct((NC, NP, DH), jnp.float32),
        mesh=plsc.VectorSubcoreMesh(**_MESH),
        compiler_params=pltpu.CompilerParams(use_tc_tiling_on_sc=False),
        scratch_types=[
            pltpu.VMEM((NCHA, CA), jnp.int32),
            pltpu.VMEM((NCHA, CA), jnp.int32),
            pltpu.VMEM((NB, CA, DH), jnp.float32),
            pltpu.SemaphoreType.DMA((NB,)),
            pltpu.SemaphoreType.DMA((NB,)),
            pltpu.VMEM_SHARED((NP, DH), jnp.float32),
        ],
    )
    return fn(th, snd, rcv, zerosH)


def _l1_body(x_ref, w_ref, b_ref, dp_ref, o_ref):
    ns = lax.rsqrt(jnp.maximum(dp_ref[0, :N], 1.0))
    h = jnp.dot(x_ref[...], w_ref[...], preferred_element_type=jnp.float32)
    h = (h + b_ref[...][None, :]) * ns[:, None]
    o_ref[0] = h[:, :DH]
    o_ref[1] = h[:, DH:]


def _l1_call(x, W1, b1, dp):
    return pl.pallas_call(
        _l1_body,
        out_shape=jax.ShapeDtypeStruct((NC, N, DH), jnp.float32),
    )(x, W1, b1, dp)


def _l2_body(p_ref, w_ref, b_ref, dp_ref, o_ref, onr_ref):
    nr_full = lax.rsqrt(jnp.maximum(dp_ref[1], 1.0))
    nr = nr_full[:N]
    ns = lax.rsqrt(jnp.maximum(dp_ref[0, :N], 1.0))
    a = jnp.concatenate([p_ref[0, :N], p_ref[1, :N]], axis=-1)
    h1 = jnp.maximum(a * nr[:, None], 0.0)
    h = jnp.dot(h1, w_ref[...], preferred_element_type=jnp.float32)
    h = (h + b_ref[...][None, :]) * ns[:, None]
    o_ref[0] = h[:, :DH]
    o_ref[1] = h[:, DH:]
    onr_ref[...] = jnp.broadcast_to(nr_full[:, None], (NP, DEG_L))


def _l2_call(p, W2, b2, dp):
    return pl.pallas_call(
        _l2_body,
        out_shape=[jax.ShapeDtypeStruct((NC, N, DH), jnp.float32),
                   jax.ShapeDtypeStruct((NP, DEG_L), jnp.float32)],
    )(p, W2, b2, dp)


def _out_body(p_ref, dp_ref, o_ref):
    nr = lax.rsqrt(jnp.maximum(dp_ref[1, :N], 1.0))
    a = jnp.concatenate([p_ref[0, :N], p_ref[1, :N]], axis=-1)
    o_ref[...] = jnp.maximum(a * nr[:, None], 0.0)


def _out_call(p, dp):
    return pl.pallas_call(
        _out_body,
        out_shape=jax.ShapeDtypeStruct((N, D), jnp.float32),
    )(p, dp)


def kernel(x, edge_index, W1, b1, W2, b2):
    e2 = edge_index.reshape(2, NS, NCHUNK, C)
    npad = EPA - E
    pad_s = (jnp.arange(npad, dtype=jnp.int32) * 61) % N
    pad_r = N + (jnp.arange(npad, dtype=jnp.int32) % (NP - N))
    snd = jnp.concatenate([edge_index[0], pad_s]).reshape(NS, NCHA, CA)
    rcv = jnp.concatenate([edge_index[1], pad_r]).reshape(NS, NCHA, CA)
    ones16 = jnp.ones((C, DEG_L), jnp.float32)
    zeros16 = jnp.zeros((RPT, DEG_L), jnp.float32)
    zerosH = jnp.zeros((RPT, DH), jnp.float32)

    degp = _deg_call(e2, ones16, zeros16)
    dp = degp[..., 0]
    t1 = _l1_call(x, W1, b1, dp)
    p1 = _agg_call(t1, snd, rcv, zerosH)
    t2, nrb = _l2_call(p1, W2, b2, dp)
    out = _aggf_call(t2, snd, rcv, zerosH, nrb)
    return out[:N]

# --- scband reference (transcript-rebuilt; emitter-appended) ---
"""Pipeline reference for scband-gcn-10694468567401 (READ-ONLY COPY).

The authoritative reference and input builder live on the scoring server;
editing this copy changes nothing except your own understanding.
"""

import jax, jax.numpy as jnp
import numpy as np

N_NODES = 10000
N_EDGES = 320000
D_FEAT = 128
FEATURES = [128, 128]


def setup_inputs(seed: int = 0) -> dict:
    key = jax.random.key(seed)
    k_x, k_e, k_w1, k_w2 = jax.random.split(key, 4)
    x = jax.random.normal(k_x, (N_NODES, D_FEAT), dtype=jnp.float32)
    edge_index = jax.random.randint(k_e, (2, N_EDGES), 0, N_NODES, dtype=jnp.int32)
    # Dense layer params (lecun_normal-ish init scale)
    W1 = jax.random.normal(k_w1, (D_FEAT, FEATURES[0]), dtype=jnp.float32) / np.sqrt(D_FEAT)
    b1 = jnp.zeros((FEATURES[0],), dtype=jnp.float32)
    W2 = jax.random.normal(k_w2, (FEATURES[0], FEATURES[1]), dtype=jnp.float32) / np.sqrt(FEATURES[0])
    b2 = jnp.zeros((FEATURES[1],), dtype=jnp.float32)
    return {"x": x, "edge_index": edge_index, "W1": W1, "b1": b1, "W2": W2, "b2": b2}


def _gcn_conv(nodes, senders, receivers, W, b, n_nodes):
    # jraph.GraphConvolution(nn.Dense(latent), add_self_edges=False,
    #                        symmetric_normalization=True)
    h = nodes @ W + b
    ones = jnp.ones((senders.shape[0],), dtype=jnp.float32)
    sender_degree = jax.ops.segment_sum(ones, senders, num_segments=n_nodes)
    receiver_degree = jax.ops.segment_sum(ones, receivers, num_segments=n_nodes)
    h = h * jax.lax.rsqrt(jnp.maximum(sender_degree, 1.0))[:, None]
    h = jax.ops.segment_sum(h[senders], receivers, num_segments=n_nodes)
    h = h * jax.lax.rsqrt(jnp.maximum(receiver_degree, 1.0))[:, None]
    return h


def reference(x, edge_index, W1, b1, W2, b2):
    senders = edge_index[0]
    receivers = edge_index[1]
    n = x.shape[0]
    # Layer 1: GraphConvolution -> activation -> dropout (deterministic eval -> identity)
    h = _gcn_conv(x, senders, receivers, W1, b1, n)
    h = jax.nn.relu(h)
    # Layer 2 (last): GraphConvolution -> activation -> return nodes
    h = _gcn_conv(h, senders, receivers, W2, b2, n)
    h = jax.nn.relu(h)
    return h

if __name__ == "__main__":
    import jax
    _d = setup_inputs()
    print(jax.jit(kernel)(*tuple(_d.values())))

</pallas_src>

<mosaic_0001>
#map = affine_map<(d0, d1) -> (0, 0, 0)>
#map1 = affine_map<(d0, d1) -> (0, 0)>
module attributes {stable_mosaic.version = 14 : i64} {
  func.func @_agg_body(%arg0: i32, %arg1: i32, %arg2: memref<2x10000x64xf32, #tpu.memory_space<hbm>>, %arg3: memref<16x160x128xi32, #tpu.memory_space<hbm>>, %arg4: memref<16x160x128xi32, #tpu.memory_space<hbm>>, %arg5: memref<640x64xf32, #tpu.memory_space<hbm>>, %arg6: memref<2x10240x64xf32, #tpu.memory_space<hbm>>, %arg7: memref<160x128xi32, #tpu.memory_space<vmem>>, %arg8: memref<160x128xi32, #tpu.memory_space<vmem>>, %arg9: memref<4x128x64xf32, #tpu.memory_space<vmem>>, %arg10: memref<4x!tpu.dma_semaphore, #tpu.memory_space<semaphore_mem>>, %arg11: memref<4x!tpu.dma_semaphore, #tpu.memory_space<semaphore_mem>>, %arg12: memref<10240x64xf32, #tpu.memory_space<vmem_shared>>) attributes {dimension_semantics = [#tpu.dimension_semantics<core_parallel>, #tpu.dimension_semantics<subcore_parallel>], iteration_bounds = array<i64: 2, 16>, scalar_prefetch = 0 : i64, scratch_operands = 6 : i64, tpu.core_type = #tpu.core_type<sc_vector_subcore>, window_params = [{transform_indices = #map}, {transform_indices = #map}, {transform_indices = #map}, {transform_indices = #map1}, {transform_indices = #map}]} {
    "tpu.region"() ({
      %run_scoped3A = tpu.sem_alloc : memref<!tpu.dma_semaphore, #tpu.memory_space<semaphore_mem>>
      %dma_start3A_82 = arith.constant 0 : i32
      %dma_start3A_83 = arith.constant 0 : i32
      %dma_start3A_84 = tpu.memref_slice %arg3[%arg1, %dma_start3A_82, %dma_start3A_83] : memref<16x160x128xi32, #tpu.memory_space<hbm>> -> memref<1x160x128xi32, #tpu.memory_space<hbm>>
      %dma_start3A_85 = tpu.memref_squeeze %dma_start3A_84 : memref<1x160x128xi32, #tpu.memory_space<hbm>> -> memref<160x128xi32, #tpu.memory_space<hbm>>
      %dma_start3A_86 = arith.constant 0 : i32
      %dma_start3A_87 = arith.constant 0 : i32
      %dma_start3A_88 = tpu.memref_slice %arg3[%arg1, %dma_start3A_86, %dma_start3A_87] : memref<16x160x128xi32, #tpu.memory_space<hbm>> -> memref<1x160x128xi32, #tpu.memory_space<hbm>>
      %dma_start3A_89 = tpu.memref_squeeze %dma_start3A_88 : memref<1x160x128xi32, #tpu.memory_space<hbm>> -> memref<160x128xi32, #tpu.memory_space<hbm>>
      tpu.enqueue_dma source(%dma_start3A_89 : memref<160x128xi32, #tpu.memory_space<hbm>>) target(%arg7 : memref<160x128xi32, #tpu.memory_space<vmem>>) target_semaphore(%run_scoped3A : memref<!tpu.dma_semaphore, #tpu.memory_space<semaphore_mem>>)
      %dma_wait3A = arith.constant 0 : i32
      %dma_wait3A_90 = arith.constant 0 : i32
      %dma_wait3A_91 = tpu.memref_slice %arg3[%arg1, %dma_wait3A, %dma_wait3A_90] : memref<16x160x128xi32, #tpu.memory_space<hbm>> -> memref<1x160x128xi32, #tpu.memory_space<hbm>>
      %dma_wait3A_92 = tpu.memref_squeeze %dma_wait3A_91 : memref<1x160x128xi32, #tpu.memory_space<hbm>> -> memref<160x128xi32, #tpu.memory_space<hbm>>
      %dma_wait3A_93 = arith.constant 0 : i32
      %dma_wait3A_94 = arith.constant 0 : i32
      %dma_wait3A_95 = tpu.memref_slice %arg3[%arg1, %dma_wait3A_93, %dma_wait3A_94] : memref<16x160x128xi32, #tpu.memory_space<hbm>> -> memref<1x160x128xi32, #tpu.memory_space<hbm>>
      %dma_wait3A_96 = tpu.memref_squeeze %dma_wait3A_95 : memref<1x160x128xi32, #tpu.memory_space<hbm>> -> memref<160x128xi32, #tpu.memory_space<hbm>>
      tpu.wait_dma2 semaphore(%run_scoped3A : memref<!tpu.dma_semaphore, #tpu.memory_space<semaphore_mem>>) src(%dma_wait3A_96 : memref<160x128xi32, #tpu.memory_space<hbm>>) dst(%arg7 : memref<160x128xi32, #tpu.memory_space<vmem>>)
      tpu.yield
    }) : () -> ()
    "tpu.region"() ({
      %run_scoped3A = tpu.sem_alloc : memref<!tpu.dma_semaphore, #tpu.memory_space<semaphore_mem>>
      %dma_start3A_82 = arith.constant 0 : i32
      %dma_start3A_83 = arith.constant 0 : i32
      %dma_start3A_84 = tpu.memref_slice %arg4[%arg1, %dma_start3A_82, %dma_start3A_83] : memref<16x160x128xi32, #tpu.memory_space<hbm>> -> memref<1x160x128xi32, #tpu.memory_space<hbm>>
      %dma_start3A_85 = tpu.memref_squeeze %dma_start3A_84 : memref<1x160x128xi32, #tpu.memory_space<hbm>> -> memref<160x128xi32, #tpu.memory_space<hbm>>
      %dma_start3A_86 = arith.constant 0 : i32
      %dma_start3A_87 = arith.constant 0 : i32
      %dma_start3A_88 = tpu.memref_slice %arg4[%arg1, %dma_start3A_86, %dma_start3A_87] : memref<16x160x128xi32, #tpu.memory_space<hbm>> -> memref<1x160x128xi32, #tpu.memory_space<hbm>>
      %dma_start3A_89 = tpu.memref_squeeze %dma_start3A_88 : memref<1x160x128xi32, #tpu.memory_space<hbm>> -> memref<160x128xi32, #tpu.memory_space<hbm>>
      tpu.enqueue_dma source(%dma_start3A_89 : memref<160x128xi32, #tpu.memory_space<hbm>>) target(%arg8 : memref<160x128xi32, #tpu.memory_space<vmem>>) target_semaphore(%run_scoped3A : memref<!tpu.dma_semaphore, #tpu.memory_space<semaphore_mem>>)
      %dma_wait3A = arith.constant 0 : i32
      %dma_wait3A_90 = arith.constant 0 : i32
      %dma_wait3A_91 = tpu.memref_slice %arg4[%arg1, %dma_wait3A, %dma_wait3A_90] : memref<16x160x128xi32, #tpu.memory_space<hbm>> -> memref<1x160x128xi32, #tpu.memory_space<hbm>>
      %dma_wait3A_92 = tpu.memref_squeeze %dma_wait3A_91 : memref<1x160x128xi32, #tpu.memory_space<hbm>> -> memref<160x128xi32, #tpu.memory_space<hbm>>
      %dma_wait3A_93 = arith.constant 0 : i32
      %dma_wait3A_94 = arith.constant 0 : i32
      %dma_wait3A_95 = tpu.memref_slice %arg4[%arg1, %dma_wait3A_93, %dma_wait3A_94] : memref<16x160x128xi32, #tpu.memory_space<hbm>> -> memref<1x160x128xi32, #tpu.memory_space<hbm>>
      %dma_wait3A_96 = tpu.memref_squeeze %dma_wait3A_95 : memref<1x160x128xi32, #tpu.memory_space<hbm>> -> memref<160x128xi32, #tpu.memory_space<hbm>>
      tpu.wait_dma2 semaphore(%run_scoped3A : memref<!tpu.dma_semaphore, #tpu.memory_space<semaphore_mem>>) src(%dma_wait3A_96 : memref<160x128xi32, #tpu.memory_space<hbm>>) dst(%arg8 : memref<160x128xi32, #tpu.memory_space<vmem>>)
      tpu.yield
    }) : () -> ()
    %mul3A = arith.constant 640 : i32
    %mul3A_0 = arith.muli %arg1, %mul3A : i32
    "tpu.region"() ({
      %run_scoped3A = tpu.sem_alloc : memref<!tpu.dma_semaphore, #tpu.memory_space<semaphore_mem>>
      %dma_start3A_82 = arith.constant 0 : i32
      %dma_start3A_83 = tpu.memref_slice %arg12[%mul3A_0, %dma_start3A_82] : memref<10240x64xf32, #tpu.memory_space<vmem_shared>> -> memref<640x64xf32, #tpu.memory_space<vmem_shared>>
      tpu.enqueue_dma source(%arg5 : memref<640x64xf32, #tpu.memory_space<hbm>>) target(%dma_start3A_83 : memref<640x64xf32, #tpu.memory_space<vmem_shared>>) target_semaphore(%run_scoped3A : memref<!tpu.dma_semaphore, #tpu.memory_space<semaphore_mem>>)
      %dma_wait3A = arith.constant 0 : i32
      %dma_wait3A_84 = tpu.memref_slice %arg12[%mul3A_0, %dma_wait3A] : memref<10240x64xf32, #tpu.memory_space<vmem_shared>> -> memref<640x64xf32, #tpu.memory_space<vmem_shared>>
      tpu.wait_dma2 semaphore(%run_scoped3A : memref<!tpu.dma_semaphore, #tpu.memory_space<semaphore_mem>>) src(%arg5 : memref<640x64xf32, #tpu.memory_space<hbm>>) dst(%dma_wait3A_84 : memref<640x64xf32, #tpu.memory_space<vmem_shared>>)
      tpu.yield
    }) : () -> ()
    %barrier3A = arith.constant 0 : index
    tpu.barrier barrier_id(%barrier3A)
    %dma_start3A = arith.constant 0 : i32
    %dma_start3A_1 = arith.constant 0 : i32
    %dma_start3A_2 = arith.constant 0 : i32
    %dma_start3A_3 = arith.constant 0 : i32
    %dma_start3A_4 = arith.constant 0 : i32
    %dma_start3A_5 = tpu.memref_slice %arg9[%dma_start3A_1, %dma_start3A_3, %dma_start3A_4] : memref<4x128x64xf32, #tpu.memory_space<vmem>> -> memref<1x128x64xf32, #tpu.memory_space<vmem>>
    %dma_start3A_6 = tpu.memref_squeeze %dma_start3A_5 : memref<1x128x64xf32, #tpu.memory_space<vmem>> -> memref<128x64xf32, #tpu.memory_space<vmem>>
    %dma_start3A_7 = arith.constant 0 : i32
    %dma_start3A_8 = tpu.memref_slice %arg7[%dma_start3A, %dma_start3A_7] : memref<160x128xi32, #tpu.memory_space<vmem>> -> memref<1x128xi32, #tpu.memory_space<vmem>>
    %dma_start3A_9 = tpu.memref_squeeze %dma_start3A_8 : memref<1x128xi32, #tpu.memory_space<vmem>> -> memref<128xi32, #tpu.memory_space<vmem>>
    %dma_start3A_10 = arith.constant 0 : i32
    %dma_start3A_11 = arith.constant 0 : i32
    %dma_start3A_12 = tpu.memref_slice %arg2[%arg0, %dma_start3A_10, %dma_start3A_11] : memref<2x10000x64xf32, #tpu.memory_space<hbm>> -> memref<1x10000x64xf32, #tpu.memory_space<hbm>>
    %dma_start3A_13 = tpu.memref_squeeze %dma_start3A_12 : memref<1x10000x64xf32, #tpu.memory_space<hbm>> -> memref<10000x64xf32, #tpu.memory_space<hbm>>
    %dma_start3A_14 = arith.constant 0 : i32
    %dma_start3A_15 = arith.constant 0 : i32
    %dma_start3A_16 = tpu.memref_slice %dma_start3A_13[%dma_start3A_14, %dma_start3A_15] : memref<10000x64xf32, #tpu.memory_space<hbm>> -> memref<10000x64xf32, #tpu.memory_space<hbm>>
    %dma_start3A_17 = tpu.memref_slice %arg10[%dma_start3A_2] : memref<4x!tpu.dma_semaphore, #tpu.memory_space<semaphore_mem>> -> memref<1x!tpu.dma_semaphore, #tpu.memory_space<semaphore_mem>>
    %dma_start3A_18 = tpu.memref_squeeze %dma_start3A_17 : memref<1x!tpu.dma_semaphore, #tpu.memory_space<semaphore_mem>> -> memref<!tpu.dma_semaphore, #tpu.memory_space<semaphore_mem>>
    tpu.enqueue_indirect_dma source(%dma_start3A_16 : memref<10000x64xf32, #tpu.memory_space<hbm>>) target(%dma_start3A_6 : memref<128x64xf32, #tpu.memory_space<vmem>>) offsets(%dma_start3A_9 : memref<128xi32, #tpu.memory_space<vmem>>) semaphore(%dma_start3A_18 : memref<!tpu.dma_semaphore, #tpu.memory_space<semaphore_mem>>)
    %dma_start3A_19 = arith.constant 1 : i32
    %dma_start3A_20 = arith.constant 1 : i32
    %dma_start3A_21 = arith.constant 1 : i32
    %dma_start3A_22 = arith.constant 0 : i32
    %dma_start3A_23 = arith.constant 0 : i32
    %dma_start3A_24 = tpu.memref_slice %arg9[%dma_start3A_20, %dma_start3A_22, %dma_start3A_23] : memref<4x128x64xf32, #tpu.memory_space<vmem>> -> memref<1x128x64xf32, #tpu.memory_space<vmem>>
    %dma_start3A_25 = tpu.memref_squeeze %dma_start3A_24 : memref<1x128x64xf32, #tpu.memory_space<vmem>> -> memref<128x64xf32, #tpu.memory_space<vmem>>
    %dma_start3A_26 = arith.constant 0 : i32
    %dma_start3A_27 = tpu.memref_slice %arg7[%dma_start3A_19, %dma_start3A_26] : memref<160x128xi32, #tpu.memory_space<vmem>> -> memref<1x128xi32, #tpu.memory_space<vmem>>
    %dma_start3A_28 = tpu.memref_squeeze %dma_start3A_27 : memref<1x128xi32, #tpu.memory_space<vmem>> -> memref<128xi32, #tpu.memory_space<vmem>>
    %dma_start3A_29 = arith.constant 0 : i32
    %dma_start3A_30 = arith.constant 0 : i32
    %dma_start3A_31 = tpu.memref_slice %arg2[%arg0, %dma_start3A_29, %dma_start3A_30] : memref<2x10000x64xf32, #tpu.memory_space<hbm>> -> memref<1x10000x64xf32, #tpu.memory_space<hbm>>
    %dma_start3A_32 = tpu.memref_squeeze %dma_start3A_31 : memref<1x10000x64xf32, #tpu.memory_space<hbm>> -> memref<10000x64xf32, #tpu.memory_space<hbm>>
    %dma_start3A_33 = arith.constant 0 : i32
    %dma_start3A_34 = arith.constant 0 : i32
    %dma_start3A_35 = tpu.memref_slice %dma_start3A_32[%dma_start3A_33, %dma_start3A_34] : memref<10000x64xf32, #tpu.memory_space<hbm>> -> memref<10000x64xf32, #tpu.memory_space<hbm>>
    %dma_start3A_36 = tpu.memref_slice %arg10[%dma_start3A_21] : memref<4x!tpu.dma_semaphore, #tpu.memory_space<semaphore_mem>> -> memref<1x!tpu.dma_semaphore, #tpu.memory_space<semaphore_mem>>
    %dma_start3A_37 = tpu.memref_squeeze %dma_start3A_36 : memref<1x!tpu.dma_semaphore, #tpu.memory_space<semaphore_mem>> -> memref<!tpu.dma_semaphore, #tpu.memory_space<semaphore_mem>>
    tpu.enqueue_indirect_dma source(%dma_start3A_35 : memref<10000x64xf32, #tpu.memory_space<hbm>>) target(%dma_start3A_25 : memref<128x64xf32, #tpu.memory_space<vmem>>) offsets(%dma_start3A_28 : memref<128xi32, #tpu.memory_space<vmem>>) semaphore(%dma_start3A_37 : memref<!tpu.dma_semaphore, #tpu.memory_space<semaphore_mem>>)
    %dma_start3A_38 = arith.constant 2 : i32
    %dma_start3A_39 = arith.constant 2 : i32
    %dma_start3A_40 = arith.constant 2 : i32
    %dma_start3A_41 = arith.constant 0 : i32
    %dma_start3A_42 = arith.constant 0 : i32
    %dma_start3A_43 = tpu.memref_slice %arg9[%dma_start3A_39, %dma_start3A_41, %dma_start3A_42] : memref<4x128x64xf32, #tpu.memory_space<vmem>> -> memref<1x128x64xf32, #tpu.memory_space<vmem>>
    %dma_start3A_44 = tpu.memref_squeeze %dma_start3A_43 : memref<1x128x64xf32, #tpu.memory_space<vmem>> -> memref<128x64xf32, #tpu.memory_space<vmem>>
    %dma_start3A_45 = arith.constant 0 : i32
    %dma_start3A_46 = tpu.memref_slice %arg7[%dma_start3A_38, %dma_start3A_45] : memref<160x128xi32, #tpu.memory_space<vmem>> -> memref<1x128xi32, #tpu.memory_space<vmem>>
    %dma_start3A_47 = tpu.memref_squeeze %dma_start3A_46 : memref<1x128xi32, #tpu.memory_space<vmem>> -> memref<128xi32, #tpu.memory_space<vmem>>
    %dma_start3A_48 = arith.constant 0 : i32
    %dma_start3A_49 = arith.constant 0 : i32
    %dma_start3A_50 = tpu.memref_slice %arg2[%arg0, %dma_start3A_48, %dma_start3A_49] : memref<2x10000x64xf32, #tpu.memory_space<hbm>> -> memref<1x10000x64xf32, #tpu.memory_space<hbm>>
    %dma_start3A_51 = tpu.memref_squeeze %dma_start3A_50 : memref<1x10000x64xf32, #tpu.memory_space<hbm>> -> memref<10000x64xf32, #tpu.memory_space<hbm>>
    %dma_start3A_52 = arith.constant 0 : i32
    %dma_start3A_53 = arith.constant 0 : i32
    %dma_start3A_54 = tpu.memref_slice %dma_start3A_51[%dma_start3A_52, %dma_start3A_53] : memref<10000x64xf32, #tpu.memory_space<hbm>> -> memref<10000x64xf32, #tpu.memory_space<hbm>>
    %dma_start3A_55 = tpu.memref_slice %arg10[%dma_start3A_40] : memref<4x!tpu.dma_semaphore, #tpu.memory_space<semaphore_mem>> -> memref<1x!tpu.dma_semaphore, #tpu.memory_space<semaphore_mem>>
    %dma_start3A_56 = tpu.memref_squeeze %dma_start3A_55 : memref<1x!tpu.dma_semaphore, #tpu.memory_space<semaphore_mem>> -> memref<!tpu.dma_semaphore, #tpu.memory_space<semaphore_mem>>
    tpu.enqueue_indirect_dma source(%dma_start3A_54 : memref<10000x64xf32, #tpu.memory_space<hbm>>) target(%dma_start3A_44 : memref<128x64xf32, #tpu.memory_space<vmem>>) offsets(%dma_start3A_47 : memref<128xi32, #tpu.memory_space<vmem>>) semaphore(%dma_start3A_56 : memref<!tpu.dma_semaphore, #tpu.memory_space<semaphore_mem>>)
    %dma_start3A_57 = arith.constant 3 : i32
    %dma_start3A_58 = arith.constant 3 : i32
    %dma_start3A_59 = arith.constant 3 : i32
    %dma_start3A_60 = arith.constant 0 : i32
    %dma_start3A_61 = arith.constant 0 : i32
    %dma_start3A_62 = tpu.memref_slice %arg9[%dma_start3A_58, %dma_start3A_60, %dma_start3A_61] : memref<4x128x64xf32, #tpu.memory_space<vmem>> -> memref<1x128x64xf32, #tpu.memory_space<vmem>>
    %dma_start3A_63 = tpu.memref_squeeze %dma_start3A_62 : memref<1x128x64xf32, #tpu.memory_space<vmem>> -> memref<128x64xf32, #tpu.memory_space<vmem>>
    %dma_start3A_64 = arith.constant 0 : i32
    %dma_start3A_65 = tpu.memref_slice %arg7[%dma_start3A_57, %dma_start3A_64] : memref<160x128xi32, #tpu.memory_space<vmem>> -> memref<1x128xi32, #tpu.memory_space<vmem>>
    %dma_start3A_66 = tpu.memref_squeeze %dma_start3A_65 : memref<1x128xi32, #tpu.memory_space<vmem>> -> memref<128xi32, #tpu.memory_space<vmem>>
    %dma_start3A_67 = arith.constant 0 : i32
    %dma_start3A_68 = arith.constant 0 : i32
    %dma_start3A_69 = tpu.memref_slice %arg2[%arg0, %dma_start3A_67, %dma_start3A_68] : memref<2x10000x64xf32, #tpu.memory_space<hbm>> -> memref<1x10000x64xf32, #tpu.memory_space<hbm>>
    %dma_start3A_70 = tpu.memref_squeeze %dma_start3A_69 : memref<1x10000x64xf32, #tpu.memory_space<hbm>> -> memref<10000x64xf32, #tpu.memory_space<hbm>>
    %dma_start3A_71 = arith.constant 0 : i32
    %dma_start3A_72 = arith.constant 0 : i32
    %dma_start3A_73 = tpu.memref_slice %dma_start3A_70[%dma_start3A_71, %dma_start3A_72] : memref<10000x64xf32, #tpu.memory_space<hbm>> -> memref<10000x64xf32, #tpu.memory_space<hbm>>
    %dma_start3A_74 = tpu.memref_slice %arg10[%dma_start3A_59] : memref<4x!tpu.dma_semaphore, #tpu.memory_space<semaphore_mem>> -> memref<1x!tpu.dma_semaphore, #tpu.memory_space<semaphore_mem>>
    %dma_start3A_75 = tpu.memref_squeeze %dma_start3A_74 : memref<1x!tpu.dma_semaphore, #tpu.memory_space<semaphore_mem>> -> memref<!tpu.dma_semaphore, #tpu.memory_space<semaphore_mem>>
    tpu.enqueue_indirect_dma source(%dma_start3A_73 : memref<10000x64xf32, #tpu.memory_space<hbm>>) target(%dma_start3A_63 : memref<128x64xf32, #tpu.memory_space<vmem>>) offsets(%dma_start3A_66 : memref<128xi32, #tpu.memory_space<vmem>>) semaphore(%dma_start3A_75 : memref<!tpu.dma_semaphore, #tpu.memory_space<semaphore_mem>>)
    %scan3A = arith.constant 0 : i32
    %scan3A_76 = arith.constant 0 : i32
    %scan3A_77 = arith.constant 40 : i32
    %scan3A_78 = arith.addi %scan3A_76, %scan3A_77 : i32
    %scan3A_79 = arith.constant 1 : i32
    scf.for %scan3A_82 = %scan3A_76 to %scan3A_78 step %scan3A_79  : i32 {
      %mul3A_83 = arith.constant 4 : i32
      %mul3A_84 = arith.muli %scan3A_82, %mul3A_83 : i32
      %add3A = arith.constant 0 : i32
      %add3A_85 = arith.addi %mul3A_84, %add3A : i32
      %dma_wait3A = arith.constant 0 : i32
      %dma_wait3A_86 = arith.constant 0 : i32
      %dma_wait3A_87 = arith.constant 0 : i32
      %dma_wait3A_88 = arith.constant 0 : i32
      %dma_wait3A_89 = tpu.memref_slice %arg9[%dma_wait3A, %dma_wait3A_87, %dma_wait3A_88] : memref<4x128x64xf32, #tpu.memory_space<vmem>> -> memref<1x128x64xf32, #tpu.memory_space<vmem>>
      %dma_wait3A_90 = tpu.memref_squeeze %dma_wait3A_89 : memref<1x128x64xf32, #tpu.memory_space<vmem>> -> memref<128x64xf32, #tpu.memory_space<vmem>>
      %dma_wait3A_91 = arith.constant 0 : i32
      %dma_wait3A_92 = tpu.memref_slice %arg7[%add3A_85, %dma_wait3A_91] : memref<160x128xi32, #tpu.memory_space<vmem>> -> memref<1x128xi32, #tpu.memory_space<vmem>>
      %dma_wait3A_93 = tpu.memref_squeeze %dma_wait3A_92 : memref<1x128xi32, #tpu.memory_space<vmem>> -> memref<128xi32, #tpu.memory_space<vmem>>
      %dma_wait3A_94 = arith.constant 0 : i32
      %dma_wait3A_95 = arith.constant 0 : i32
      %dma_wait3A_96 = tpu.memref_slice %arg2[%arg0, %dma_wait3A_94, %dma_wait3A_95] : memref<2x10000x64xf32, #tpu.memory_space<hbm>> -> memref<1x10000x64xf32, #tpu.memory_space<hbm>>
      %dma_wait3A_97 = tpu.memref_squeeze %dma_wait3A_96 : memref<1x10000x64xf32, #tpu.memory_space<hbm>> -> memref<10000x64xf32, #tpu.memory_space<hbm>>
      %dma_wait3A_98 = arith.constant 0 : i32
      %dma_wait3A_99 = arith.constant 0 : i32
      %dma_wait3A_100 = tpu.memref_slice %dma_wait3A_97[%dma_wait3A_98, %dma_wait3A_99] : memref<10000x64xf32, #tpu.memory_space<hbm>> -> memref<10000x64xf32, #tpu.memory_space<hbm>>
      %dma_wait3A_101 = tpu.memref_slice %arg10[%dma_wait3A_86] : memref<4x!tpu.dma_semaphore, #tpu.memory_space<semaphore_mem>> -> memref<1x!tpu.dma_semaphore, #tpu.memory_space<semaphore_mem>>
      %dma_wait3A_102 = tpu.memref_squeeze %dma_wait3A_101 : memref<1x!tpu.dma_semaphore, #tpu.memory_space<semaphore_mem>> -> memref<!tpu.dma_semaphore, #tpu.memory_space<semaphore_mem>>
      tpu.wait_indirect_dma semaphore(%dma_wait3A_102 : memref<!tpu.dma_semaphore, #tpu.memory_space<semaphore_mem>>) src(%dma_wait3A_100 : memref<10000x64xf32, #tpu.memory_space<hbm>>) dst(%dma_wait3A_90 : memref<128x64xf32, #tpu.memory_space<vmem>>)
      %dma_start3A_103 = arith.constant 0 : i32
      %dma_start3A_104 = arith.constant 0 : i32
      %dma_start3A_105 = arith.constant 0 : i32
      %dma_start3A_106 = arith.constant 0 : i32
      %dma_start3A_107 = tpu.memref_slice %arg9[%dma_start3A_103, %dma_start3A_105, %dma_start3A_106] : memref<4x128x64xf32, #tpu.memory_space<vmem>> -> memref<1x128x64xf32, #tpu.memory_space<vmem>>
      %dma_start3A_108 = tpu.memref_squeeze %dma_start3A_107 : memref<1x128x64xf32, #tpu.memory_space<vmem>> -> memref<128x64xf32, #tpu.memory_space<vmem>>
      %dma_start3A_109 = arith.constant 0 : i32
      %dma_start3A_110 = tpu.memref_slice %arg8[%add3A_85, %dma_start3A_109] : memref<160x128xi32, #tpu.memory_space<vmem>> -> memref<1x128xi32, #tpu.memory_space<vmem>>
      %dma_start3A_111 = tpu.memref_squeeze %dma_start3A_110 : memref<1x128xi32, #tpu.memory_space<vmem>> -> memref<128xi32, #tpu.memory_space<vmem>>
      %dma_start3A_112 = arith.constant 0 : i32
      %dma_start3A_113 = arith.constant 0 : i32
      %dma_start3A_114 = tpu.memref_slice %arg12[%dma_start3A_112, %dma_start3A_113] : memref<10240x64xf32, #tpu.memory_space<vmem_shared>> -> memref<10240x64xf32, #tpu.memory_space<vmem_shared>>
      %dma_start3A_115 = tpu.memref_slice %arg11[%dma_start3A_104] : memref<4x!tpu.dma_semaphore, #tpu.memory_space<semaphore_mem>> -> memref<1x!tpu.dma_semaphore, #tpu.memory_space<semaphore_mem>>
      %dma_start3A_116 = tpu.memref_squeeze %dma_start3A_115 : memref<1x!tpu.dma_semaphore, #tpu.memory_space<semaphore_mem>> -> memref<!tpu.dma_semaphore, #tpu.memory_space<semaphore_mem>>
      tpu.enqueue_indirect_dma source(%dma_start3A_108 : memref<128x64xf32, #tpu.memory_space<vmem>>) target(%dma_start3A_114 : memref<10240x64xf32, #tpu.memory_space<vmem_shared>>) offsets(%dma_start3A_111 : memref<128xi32, #tpu.memory_space<vmem>>) semaphore(%dma_start3A_116 : memref<!tpu.dma_semaphore, #tpu.memory_space<semaphore_mem>>) {add = true}
      %add3A_117 = arith.constant 1 : i32
      %add3A_118 = arith.addi %mul3A_84, %add3A_117 : i32
      %dma_wait3A_119 = arith.constant 1 : i32
      %dma_wait3A_120 = arith.constant 1 : i32
      %dma_wait3A_121 = arith.constant 0 : i32
      %dma_wait3A_122 = arith.constant 0 : i32
      %dma_wait3A_123 = tpu.memref_slice %arg9[%dma_wait3A_119, %dma_wait3A_121, %dma_wait3A_122] : memref<4x128x64xf32, #tpu.memory_space<vmem>> -> memref<1x128x64xf32, #tpu.memory_space<vmem>>
      %dma_wait3A_124 = tpu.memref_squeeze %dma_wait3A_123 : memref<1x128x64xf32, #tpu.memory_space<vmem>> -> memref<128x64xf32, #tpu.memory_space<vmem>>
      %dma_wait3A_125 = arith.constant 0 : i32
      %dma_wait3A_126 = tpu.memref_slice %arg7[%add3A_118, %dma_wait3A_125] : memref<160x128xi32, #tpu.memory_space<vmem>> -> memref<1x128xi32, #tpu.memory_space<vmem>>
      %dma_wait3A_127 = tpu.memref_squeeze %dma_wait3A_126 : memref<1x128xi32, #tpu.memory_space<vmem>> -> memref<128xi32, #tpu.memory_space<vmem>>
      %dma_wait3A_128 = arith.constant 0 : i32
      %dma_wait3A_129 = arith.constant 0 : i32
      %dma_wait3A_130 = tpu.memref_slice %arg2[%arg0, %dma_wait3A_128, %dma_wait3A_129] : memref<2x10000x64xf32, #tpu.memory_space<hbm>> -> memref<1x10000x64xf32, #tpu.memory_space<hbm>>
      %dma_wait3A_131 = tpu.memref_squeeze %dma_wait3A_130 : memref<1x10000x64xf32, #tpu.memory_space<hbm>> -> memref<10000x64xf32, #tpu.memory_space<hbm>>
      %dma_wait3A_132 = arith.constant 0 : i32
      %dma_wait3A_133 = arith.constant 0 : i32
      %dma_wait3A_134 = tpu.memref_slice %dma_wait3A_131[%dma_wait3A_132, %dma_wait3A_133] : memref<10000x64xf32, #tpu.memory_space<hbm>> -> memref<10000x64xf32, #tpu.memory_space<hbm>>
      %dma_wait3A_135 = tpu.memref_slice %arg10[%dma_wait3A_120] : memref<4x!tpu.dma_semaphore, #tpu.memory_space<semaphore_mem>> -> memref<1x!tpu.dma_semaphore, #tpu.memory_space<semaphore_mem>>
      %dma_wait3A_136 = tpu.memref_squeeze %dma_wait3A_135 : memref<1x!tpu.dma_semaphore, #tpu.memory_space<semaphore_mem>> -> memref<!tpu.dma_semaphore, #tpu.memory_space<semaphore_mem>>
      tpu.wait_indirect_dma semaphore(%dma_wait3A_136 : memref<!tpu.dma_semaphore, #tpu.memory_space<semaphore_mem>>) src(%dma_wait3A_134 : memref<10000x64xf32, #tpu.memory_space<hbm>>) dst(%dma_wait3A_124 : memref<128x64xf32, #tpu.memory_space<vmem>>)
      %dma_start3A_137 = arith.constant 1 : i32
      %dma_start3A_138 = arith.constant 1 : i32
      %dma_start3A_139 = arith.constant 0 : i32
      %dma_start3A_140 = arith.constant 0 : i32
      %dma_start3A_141 = tpu.memref_slice %arg9[%dma_start3A_137, %dma_start3A_139, %dma_start3A_140] : memref<4x128x64xf32, #tpu.memory_space<vmem>> -> memref<1x128x64xf32, #tpu.memory_space<vmem>>
      %dma_start3A_142 = tpu.memref_squeeze %dma_start3A_141 : memref<1x128x64xf32, #tpu.memory_space<vmem>> -> memref<128x64xf32, #tpu.memory_space<vmem>>
      %dma_start3A_143 = arith.constant 0 : i32
      %dma_start3A_144 = tpu.memref_slice %arg8[%add3A_118, %dma_start3A_143] : memref<160x128xi32, #tpu.memory_space<vmem>> -> memref<1x128xi32, #tpu.memory_space<vmem>>
      %dma_start3A_145 = tpu.memref_squeeze %dma_start3A_144 : memref<1x128xi32, #tpu.memory_space<vmem>> -> memref<128xi32, #tpu.memory_space<vmem>>
      %dma_start3A_146 = arith.constant 0 : i32
      %dma_start3A_147 = arith.constant 0 : i32
      %dma_start3A_148 = tpu.memref_slice %arg12[%dma_start3A_146, %dma_start3A_147] : memref<10240x64xf32, #tpu.memory_space<vmem_shared>> -> memref<10240x64xf32, #tpu.memory_space<vmem_shared>>
      %dma_start3A_149 = tpu.memref_slice %arg11[%dma_start3A_138] : memref<4x!tpu.dma_semaphore, #tpu.memory_space<semaphore_mem>> -> memref<1x!tpu.dma_semaphore, #tpu.memory_space<semaphore_mem>>
      %dma_start3A_150 = tpu.memref_squeeze %dma_start3A_149 : memref<1x!tpu.dma_semaphore, #tpu.memory_space<semaphore_mem>> -> memref<!tpu.dma_semaphore, #tpu.memory_space<semaphore_mem>>
      tpu.enqueue_indirect_dma source(%dma_start3A_142 : memref<128x64xf32, #tpu.memory_space<vmem>>) target(%dma_start3A_148 : memref<10240x64xf32, #tpu.memory_space<vmem_shared>>) offsets(%dma_start3A_145 : memref<128xi32, #tpu.memory_space<vmem>>) semaphore(%dma_start3A_150 : memref<!tpu.dma_semaphore, #tpu.memory_space<semaphore_mem>>) {add = true}
      %add3A_151 = arith.constant 2 : i32
      %add3A_152 = arith.addi %mul3A_84, %add3A_151 : i32
      %dma_wait3A_153 = arith.constant 2 : i32
      %dma_wait3A_154 = arith.constant 2 : i32
      %dma_wait3A_155 = arith.constant 0 : i32
      %dma_wait3A_156 = arith.constant 0 : i32
      %dma_wait3A_157 = tpu.memref_slice %arg9[%dma_wait3A_153, %dma_wait3A_155, %dma_wait3A_156] : memref<4x128x64xf32, #tpu.memory_space<vmem>> -> memref<1x128x64xf32, #tpu.memory_space<vmem>>
      %dma_wait3A_158 = tpu.memref_squeeze %dma_wait3A_157 : memref<1x128x64xf32, #tpu.memory_space<vmem>> -> memref<128x64xf32, #tpu.memory_space<vmem>>
      %dma_wait3A_159 = arith.constant 0 : i32
      %dma_wait3A_160 = tpu.memref_slice %arg7[%add3A_152, %dma_wait3A_159] : memref<160x128xi32, #tpu.memory_space<vmem>> -> memref<1x128xi32, #tpu.memory_space<vmem>>
      %dma_wait3A_161 = tpu.memref_squeeze %dma_wait3A_160 : memref<1x128xi32, #tpu.memory_space<vmem>> -> memref<128xi32, #tpu.memory_space<vmem>>
      %dma_wait3A_162 = arith.constant 0 : i32
      %dma_wait3A_163 = arith.constant 0 : i32
      %dma_wait3A_164 = tpu.memref_slice %arg2[%arg0, %dma_wait3A_162, %dma_wait3A_163] : memref<2x10000x64xf32, #tpu.memory_space<hbm>> -> memref<1x10000x64xf32, #tpu.memory_space<hbm>>
      %dma_wait3A_165 = tpu.memref_squeeze %dma_wait3A_164 : memref<1x10000x64xf32, #tpu.memory_space<hbm>> -> memref<10000x64xf32, #tpu.memory_space<hbm>>
      %dma_wait3A_166 = arith.constant 0 : i32
      %dma_wait3A_167 = arith.constant 0 : i32
      %dma_wait3A_168 = tpu.memref_slice %dma_wait3A_165[%dma_wait3A_166, %dma_wait3A_167] : memref<10000x64xf32, #tpu.memory_space<hbm>> -> memref<10000x64xf32, #tpu.memory_space<hbm>>
      %dma_wait3A_169 = tpu.memref_slice %arg10[%dma_wait3A_154] : memref<4x!tpu.dma_semaphore, #tpu.memory_space<semaphore_mem>> -> memref<1x!tpu.dma_semaphore, #tpu.memory_space<semaphore_mem>>
      %dma_wait3A_170 = tpu.memref_squeeze %dma_wait3A_169 : memref<1x!tpu.dma_semaphore, #tpu.memory_space<semaphore_mem>> -> memref<!tpu.dma_semaphore, #tpu.memory_space<semaphore_mem>>
      tpu.wait_indirect_dma semaphore(%dma_wait3A_170 : memref<!tpu.dma_semaphore, #tpu.memory_space<semaphore_mem>>) src(%dma_wait3A_168 : memref<10000x64xf32, #tpu.memory_space<hbm>>) dst(%dma_wait3A_158 : memref<128x64xf32, #tpu.memory_space<vmem>>)
      %dma_start3A_171 = arith.constant 2 : i32
      %dma_start3A_172 = arith.constant 2 : i32
      %dma_start3A_173 = arith.constant 0 : i32
      %dma_start3A_174 = arith.constant 0 : i32
      %dma_start3A_175 = tpu.memref_slice %arg9[%dma_start3A_171, %dma_start3A_173, %dma_start3A_174] : memref<4x128x64xf32, #tpu.memory_space<vmem>> -> memref<1x128x64xf32, #tpu.memory_space<vmem>>
      %dma_start3A_176 = tpu.memref_squeeze %dma_start3A_175 : memref<1x128x64xf32, #tpu.memory_space<vmem>> -> memref<128x64xf32, #tpu.memory_space<vmem>>
      %dma_start3A_177 = arith.constant 0 : i32
      %dma_start3A_178 = tpu.memref_slice %arg8[%add3A_152, %dma_start3A_177] : memref<160x128xi32, #tpu.memory_space<vmem>> -> memref<1x128xi32, #tpu.memory_space<vmem>>
      %dma_start3A_179 = tpu.memref_squeeze %dma_start3A_178 : memref<1x128xi32, #tpu.memory_space<vmem>> -> memref<128xi32, #tpu.memory_space<vmem>>
      %dma_start3A_180 = arith.constant 0 : i32
      %dma_start3A_181 = arith.constant 0 : i32
      %dma_start3A_182 = tpu.memref_slice %arg12[%dma_start3A_180, %dma_start3A_181] : memref<10240x64xf32, #tpu.memory_space<vmem_shared>> -> memref<10240x64xf32, #tpu.memory_space<vmem_shared>>
      %dma_start3A_183 = tpu.memref_slice %arg11[%dma_start3A_172] : memref<4x!tpu.dma_semaphore, #tpu.memory_space<semaphore_mem>> -> memref<1x!tpu.dma_semaphore, #tpu.memory_space<semaphore_mem>>
      %dma_start3A_184 = tpu.memref_squeeze %dma_start3A_183 : memref<1x!tpu.dma_semaphore, #tpu.memory_space<semaphore_mem>> -> memref<!tpu.dma_semaphore, #tpu.memory_space<semaphore_mem>>
      tpu.enqueue_indirect_dma source(%dma_start3A_176 : memref<128x64xf32, #tpu.memory_space<vmem>>) target(%dma_start3A_182 : memref<10240x64xf32, #tpu.memory_space<vmem_shared>>) offsets(%dma_start3A_179 : memref<128xi32, #tpu.memory_space<vmem>>) semaphore(%dma_start3A_184 : memref<!tpu.dma_semaphore, #tpu.memory_space<semaphore_mem>>) {add = true}
      %add3A_185 = arith.constant 3 : i32
      %add3A_186 = arith.addi %mul3A_84, %add3A_185 : i32
      %dma_wait3A_187 = arith.constant 3 : i32
      %dma_wait3A_188 = arith.constant 3 : i32
      %dma_wait3A_189 = arith.constant 0 : i32
      %dma_wait3A_190 = arith.constant 0 : i32
      %dma_wait3A_191 = tpu.memref_slice %arg9[%dma_wait3A_187, %dma_wait3A_189, %dma_wait3A_190] : memref<4x128x64xf32, #tpu.memory_space<vmem>> -> memref<1x128x64xf32, #tpu.memory_space<vmem>>
      %dma_wait3A_192 = tpu.memref_squeeze %dma_wait3A_191 : memref<1x128x64xf32, #tpu.memory_space<vmem>> -> memref<128x64xf32, #tpu.memory_space<vmem>>
      %dma_wait3A_193 = arith.constant 0 : i32
      %dma_wait3A_194 = tpu.memref_slice %arg7[%add3A_186, %dma_wait3A_193] : memref<160x128xi32, #tpu.memory_space<vmem>> -> memref<1x128xi32, #tpu.memory_space<vmem>>
      %dma_wait3A_195 = tpu.memref_squeeze %dma_wait3A_194 : memref<1x128xi32, #tpu.memory_space<vmem>> -> memref<128xi32, #tpu.memory_space<vmem>>
      %dma_wait3A_196 = arith.constant 0 : i32
      %dma_wait3A_197 = arith.constant 0 : i32
      %dma_wait3A_198 = tpu.memref_slice %arg2[%arg0, %dma_wait3A_196, %dma_wait3A_197] : memref<2x10000x64xf32, #tpu.memory_space<hbm>> -> memref<1x10000x64xf32, #tpu.memory_space<hbm>>
      %dma_wait3A_199 = tpu.memref_squeeze %dma_wait3A_198 : memref<1x10000x64xf32, #tpu.memory_space<hbm>> -> memref<10000x64xf32, #tpu.memory_space<hbm>>
      %dma_wait3A_200 = arith.constant 0 : i32
      %dma_wait3A_201 = arith.constant 0 : i32
      %dma_wait3A_202 = tpu.memref_slice %dma_wait3A_199[%dma_wait3A_200, %dma_wait3A_201] : memref<10000x64xf32, #tpu.memory_space<hbm>> -> memref<10000x64xf32, #tpu.memory_space<hbm>>
      %dma_wait3A_203 = tpu.memref_slice %arg10[%dma_wait3A_188] : memref<4x!tpu.dma_semaphore, #tpu.memory_space<semaphore_mem>> -> memref<1x!tpu.dma_semaphore, #tpu.memory_space<semaphore_mem>>
      %dma_wait3A_204 = tpu.memref_squeeze %dma_wait3A_203 : memref<1x!tpu.dma_semaphore, #tpu.memory_space<semaphore_mem>> -> memref<!tpu.dma_semaphore, #tpu.memory_space<semaphore_mem>>
      tpu.wait_indirect_dma semaphore(%dma_wait3A_204 : memref<!tpu.dma_semaphore, #tpu.memory_space<semaphore_mem>>) src(%dma_wait3A_202 : memref<10000x64xf32, #tpu.memory_space<hbm>>) dst(%dma_wait3A_192 : memref<128x64xf32, #tpu.memory_space<vmem>>)
      %dma_start3A_205 = arith.constant 3 : i32
      %dma_start3A_206 = arith.constant 3 : i32
      %dma_start3A_207 = arith.constant 0 : i32
      %dma_start3A_208 = arith.constant 0 : i32
      %dma_start3A_209 = tpu.memref_slice %arg9[%dma_start3A_205, %dma_start3A_207, %dma_start3A_208] : memref<4x128x64xf32, #tpu.memory_space<vmem>> -> memref<1x128x64xf32, #tpu.memory_space<vmem>>
      %dma_start3A_210 = tpu.memref_squeeze %dma_start3A_209 : memref<1x128x64xf32, #tpu.memory_space<vmem>> -> memref<128x64xf32, #tpu.memory_space<vmem>>
      %dma_start3A_211 = arith.constant 0 : i32
      %dma_start3A_212 = tpu.memref_slice %arg8[%add3A_186, %dma_start3A_211] : memref<160x128xi32, #tpu.memory_space<vmem>> -> memref<1x128xi32, #tpu.memory_space<vmem>>
      %dma_start3A_213 = tpu.memref_squeeze %dma_start3A_212 : memref<1x128xi32, #tpu.memory_space<vmem>> -> memref<128xi32, #tpu.memory_space<vmem>>
      %dma_start3A_214 = arith.constant 0 : i32
      %dma_start3A_215 = arith.constant 0 : i32
      %dma_start3A_216 = tpu.memref_slice %arg12[%dma_start3A_214, %dma_start3A_215] : memref<10240x64xf32, #tpu.memory_space<vmem_shared>> -> memref<10240x64xf32, #tpu.memory_space<vmem_shared>>
      %dma_start3A_217 = tpu.memref_slice %arg11[%dma_start3A_206] : memref<4x!tpu.dma_semaphore, #tpu.memory_space<semaphore_mem>> -> memref<1x!tpu.dma_semaphore, #tpu.memory_space<semaphore_mem>>
      %dma_start3A_218 = tpu.memref_squeeze %dma_start3A_217 : memref<1x!tpu.dma_semaphore, #tpu.memory_space<semaphore_mem>> -> memref<!tpu.dma_semaphore, #tpu.memory_space<semaphore_mem>>
      tpu.enqueue_indirect_dma source(%dma_start3A_210 : memref<128x64xf32, #tpu.memory_space<vmem>>) target(%dma_start3A_216 : memref<10240x64xf32, #tpu.memory_space<vmem_shared>>) offsets(%dma_start3A_213 : memref<128xi32, #tpu.memory_space<vmem>>) semaphore(%dma_start3A_218 : memref<!tpu.dma_semaphore, #tpu.memory_space<semaphore_mem>>) {add = true}
      %add3A_219 = arith.constant 0 : i32
      %add3A_220 = arith.addi %mul3A_84, %add3A_219 : i32
      %dma_wait3A_221 = arith.constant 0 : i32
      %dma_wait3A_222 = arith.constant 0 : i32
      %dma_wait3A_223 = arith.constant 0 : i32
      %dma_wait3A_224 = arith.constant 0 : i32
      %dma_wait3A_225 = tpu.memref_slice %arg9[%dma_wait3A_221, %dma_wait3A_223, %dma_wait3A_224] : memref<4x128x64xf32, #tpu.memory_space<vmem>> -> memref<1x128x64xf32, #tpu.memory_space<vmem>>
      %dma_wait3A_226 = tpu.memref_squeeze %dma_wait3A_225 : memref<1x128x64xf32, #tpu.memory_space<vmem>> -> memref<128x64xf32, #tpu.memory_space<vmem>>
      %dma_wait3A_227 = arith.constant 0 : i32
      %dma_wait3A_228 = tpu.memref_slice %arg8[%add3A_220, %dma_wait3A_227] : memref<160x128xi32, #tpu.memory_space<vmem>> -> memref<1x128xi32, #tpu.memory_space<vmem>>
      %dma_wait3A_229 = tpu.memref_squeeze %dma_wait3A_228 : memref<1x128xi32, #tpu.memory_space<vmem>> -> memref<128xi32, #tpu.memory_space<vmem>>
      %dma_wait3A_230 = arith.constant 0 : i32
      %dma_wait3A_231 = arith.constant 0 : i32
      %dma_wait3A_232 = tpu.memref_slice %arg12[%dma_wait3A_230, %dma_wait3A_231] : memref<10240x64xf32, #tpu.memory_space<vmem_shared>> -> memref<10240x64xf32, #tpu.memory_space<vmem_shared>>
      %dma_wait3A_233 = tpu.memref_slice %arg11[%dma_wait3A_222] : memref<4x!tpu.dma_semaphore, #tpu.memory_space<semaphore_mem>> -> memref<1x!tpu.dma_semaphore, #tpu.memory_space<semaphore_mem>>
      %dma_wait3A_234 = tpu.memref_squeeze %dma_wait3A_233 : memref<1x!tpu.dma_semaphore, #tpu.memory_space<semaphore_mem>> -> memref<!tpu.dma_semaphore, #tpu.memory_space<semaphore_mem>>
      tpu.wait_indirect_dma semaphore(%dma_wait3A_234 : memref<!tpu.dma_semaphore, #tpu.memory_space<semaphore_mem>>) src(%dma_wait3A_226 : memref<128x64xf32, #tpu.memory_space<vmem>>) dst(%dma_wait3A_232 : memref<10240x64xf32, #tpu.memory_space<vmem_shared>>)
      %add3A_235 = arith.constant 1 : i32
      %add3A_236 = arith.addi %scan3A_82, %add3A_235 : i32
      %lt3A = arith.constant 40 : i32
      %lt3A_237 = arith.cmpi slt, %add3A_236, %lt3A : i32
      %convert_element_type3A = arith.extui %lt3A_237 : i1 to i32
      %cond3A = arith.constant 0 : i32
      %cond3A_238 = arith.cmpi ne, %convert_element_type3A, %cond3A : i32
      scf.if %cond3A_238 {
        %add3A_308 = arith.constant 4 : i32
        %add3A_309 = arith.addi %add3A_220, %add3A_308 : i32
        %dma_start3A_310 = arith.constant 0 : i32
        %dma_start3A_311 = arith.constant 0 : i32
        %dma_start3A_312 = arith.constant 0 : i32
        %dma_start3A_313 = arith.constant 0 : i32
        %dma_start3A_314 = tpu.memref_slice %arg9[%dma_start3A_310, %dma_start3A_312, %dma_start3A_313] : memref<4x128x64xf32, #tpu.memory_space<vmem>> -> memref<1x128x64xf32, #tpu.memory_space<vmem>>
        %dma_start3A_315 = tpu.memref_squeeze %dma_start3A_314 : memref<1x128x64xf32, #tpu.memory_space<vmem>> -> memref<128x64xf32, #tpu.memory_space<vmem>>
        %dma_start3A_316 = arith.constant 0 : i32
        %dma_start3A_317 = tpu.memref_slice %arg7[%add3A_309, %dma_start3A_316] : memref<160x128xi32, #tpu.memory_space<vmem>> -> memref<1x128xi32, #tpu.memory_space<vmem>>
        %dma_start3A_318 = tpu.memref_squeeze %dma_start3A_317 : memref<1x128xi32, #tpu.memory_space<vmem>> -> memref<128xi32, #tpu.memory_space<vmem>>
        %dma_start3A_319 = arith.constant 0 : i32
        %dma_start3A_320 = arith.constant 0 : i32
        %dma_start3A_321 = tpu.memref_slice %arg2[%arg0, %dma_start3A_319, %dma_start3A_320] : memref<2x10000x64xf32, #tpu.memory_space<hbm>> -> memref<1x10000x64xf32, #tpu.memory_space<hbm>>
        %dma_start3A_322 = tpu.memref_squeeze %dma_start3A_321 : memref<1x10000x64xf32, #tpu.memory_space<hbm>> -> memref<10000x64xf32, #tpu.memory_space<hbm>>
        %dma_start3A_323 = arith.constant 0 : i32
        %dma_start3A_324 = arith.constant 0 : i32
        %dma_start3A_325 = tpu.memref_slice %dma_start3A_322[%dma_start3A_323, %dma_start3A_324] : memref<10000x64xf32, #tpu.memory_space<hbm>> -> memref<10000x64xf32, #tpu.memory_space<hbm>>
        %dma_start3A_326 = tpu.memref_slice %arg10[%dma_start3A_311] : memref<4x!tpu.dma_semaphore, #tpu.memory_space<semaphore_mem>> -> memref<1x!tpu.dma_semaphore, #tpu.memory_space<semaphore_mem>>
        %dma_start3A_327 = tpu.memref_squeeze %dma_start3A_326 : memref<1x!tpu.dma_semaphore, #tpu.memory_space<semaphore_mem>> -> memref<!tpu.dma_semaphore, #tpu.memory_space<semaphore_mem>>
        tpu.enqueue_indirect_dma source(%dma_start3A_325 : memref<10000x64xf32, #tpu.memory_space<hbm>>) target(%dma_start3A_315 : memref<128x64xf32, #tpu.memory_space<vmem>>) offsets(%dma_start3A_318 : memref<128xi32, #tpu.memory_space<vmem>>) semaphore(%dma_start3A_327 : memref<!tpu.dma_semaphore, #tpu.memory_space<semaphore_mem>>)
      } else {
      }
      %add3A_239 = arith.constant 1 : i32
      %add3A_240 = arith.addi %mul3A_84, %add3A_239 : i32
      %dma_wait3A_241 = arith.constant 1 : i32
      %dma_wait3A_242 = arith.constant 1 : i32
      %dma_wait3A_243 = arith.constant 0 : i32
      %dma_wait3A_244 = arith.constant 0 : i32
      %dma_wait3A_245 = tpu.memref_slice %arg9[%dma_wait3A_241, %dma_wait3A_243, %dma_wait3A_244] : memref<4x128x64xf32, #tpu.memory_space<vmem>> -> memref<1x128x64xf32, #tpu.memory_space<vmem>>
      %dma_wait3A_246 = tpu.memref_squeeze %dma_wait3A_245 : memref<1x128x64xf32, #tpu.memory_space<vmem>> -> memref<128x64xf32, #tpu.memory_space<vmem>>
      %dma_wait3A_247 = arith.constant 0 : i32
      %dma_wait3A_248 = tpu.memref_slice %arg8[%add3A_240, %dma_wait3A_247] : memref<160x128xi32, #tpu.memory_space<vmem>> -> memref<1x128xi32, #tpu.memory_space<vmem>>
      %dma_wait3A_249 = tpu.memref_squeeze %dma_wait3A_248 : memref<1x128xi32, #tpu.memory_space<vmem>> -> memref<128xi32, #tpu.memory_space<vmem>>
      %dma_wait3A_250 = arith.constant 0 : i32
      %dma_wait3A_251 = arith.constant 0 : i32
      %dma_wait3A_252 = tpu.memref_slice %arg12[%dma_wait3A_250, %dma_wait3A_251] : memref<10240x64xf32, #tpu.memory_space<vmem_shared>> -> memref<10240x64xf32, #tpu.memory_space<vmem_shared>>
      %dma_wait3A_253 = tpu.memref_slice %arg11[%dma_wait3A_242] : memref<4x!tpu.dma_semaphore, #tpu.memory_space<semaphore_mem>> -> memref<1x!tpu.dma_semaphore, #tpu.memory_space<semaphore_mem>>
      %dma_wait3A_254 = tpu.memref_squeeze %dma_wait3A_253 : memref<1x!tpu.dma_semaphore, #tpu.memory_space<semaphore_mem>> -> memref<!tpu.dma_semaphore, #tpu.memory_space<semaphore_mem>>
      tpu.wait_indirect_dma semaphore(%dma_wait3A_254 : memref<!tpu.dma_semaphore, #tpu.memory_space<semaphore_mem>>) src(%dma_wait3A_246 : memref<128x64xf32, #tpu.memory_space<vmem>>) dst(%dma_wait3A_252 : memref<10240x64xf32, #tpu.memory_space<vmem_shared>>)
      %add3A_255 = arith.constant 1 : i32
      %add3A_256 = arith.addi %scan3A_82, %add3A_255 : i32
      %lt3A_257 = arith.constant 40 : i32
      %lt3A_258 = arith.cmpi slt, %add3A_256, %lt3A_257 : i32
      %convert_element_type3A_259 = arith.extui %lt3A_258 : i1 to i32
      %cond3A_260 = arith.constant 0 : i32
      %cond3A_261 = arith.cmpi ne, %convert_element_type3A_259, %cond3A_260 : i32
      scf.if %cond3A_261 {
        %add3A_308 = arith.constant 4 : i32
        %add3A_309 = arith.addi %add3A_240, %add3A_308 : i32
        %dma_start3A_310 = arith.constant 1 : i32
        %dma_start3A_311 = arith.constant 1 : i32
        %dma_start3A_312 = arith.constant 0 : i32
        %dma_start3A_313 = arith.constant 0 : i32
        %dma_start3A_314 = tpu.memref_slice %arg9[%dma_start3A_310, %dma_start3A_312, %dma_start3A_313] : memref<4x128x64xf32, #tpu.memory_space<vmem>> -> memref<1x128x64xf32, #tpu.memory_space<vmem>>
        %dma_start3A_315 = tpu.memref_squeeze %dma_start3A_314 : memref<1x128x64xf32, #tpu.memory_space<vmem>> -> memref<128x64xf32, #tpu.memory_space<vmem>>
        %dma_start3A_316 = arith.constant 0 : i32
        %dma_start3A_317 = tpu.memref_slice %arg7[%add3A_309, %dma_start3A_316] : memref<160x128xi32, #tpu.memory_space<vmem>> -> memref<1x128xi32, #tpu.memory_space<vmem>>
        %dma_start3A_318 = tpu.memref_squeeze %dma_start3A_317 : memref<1x128xi32, #tpu.memory_space<vmem>> -> memref<128xi32, #tpu.memory_space<vmem>>
        %dma_start3A_319 = arith.constant 0 : i32
        %dma_start3A_320 = arith.constant 0 : i32
        %dma_start3A_321 = tpu.memref_slice %arg2[%arg0, %dma_start3A_319, %dma_start3A_320] : memref<2x10000x64xf32, #tpu.memory_space<hbm>> -> memref<1x10000x64xf32, #tpu.memory_space<hbm>>
        %dma_start3A_322 = tpu.memref_squeeze %dma_start3A_321 : memref<1x10000x64xf32, #tpu.memory_space<hbm>> -> memref<10000x64xf32, #tpu.memory_space<hbm>>
        %dma_start3A_323 = arith.constant 0 : i32
        %dma_start3A_324 = arith.constant 0 : i32
        %dma_start3A_325 = tpu.memref_slice %dma_start3A_322[%dma_start3A_323, %dma_start3A_324] : memref<10000x64xf32, #tpu.memory_space<hbm>> -> memref<10000x64xf32, #tpu.memory_space<hbm>>
        %dma_start3A_326 = tpu.memref_slice %arg10[%dma_start3A_311] : memref<4x!tpu.dma_semaphore, #tpu.memory_space<semaphore_mem>> -> memref<1x!tpu.dma_semaphore, #tpu.memory_space<semaphore_mem>>
        %dma_start3A_327 = tpu.memref_squeeze %dma_start3A_326 : memref<1x!tpu.dma_semaphore, #tpu.memory_space<semaphore_mem>> -> memref<!tpu.dma_semaphore, #tpu.memory_space<semaphore_mem>>
        tpu.enqueue_indirect_dma source(%dma_start3A_325 : memref<10000x64xf32, #tpu.memory_space<hbm>>) target(%dma_start3A_315 : memref<128x64xf32, #tpu.memory_space<vmem>>) offsets(%dma_start3A_318 : memref<128xi32, #tpu.memory_space<vmem>>) semaphore(%dma_start3A_327 : memref<!tpu.dma_semaphore, #tpu.memory_space<semaphore_mem>>)
      } else {
      }
      %add3A_262 = arith.constant 2 : i32
      %add3A_263 = arith.addi %mul3A_84, %add3A_262 : i32
      %dma_wait3A_264 = arith.constant 2 : i32
      %dma_wait3A_265 = arith.constant 2 : i32
      %dma_wait3A_266 = arith.constant 0 : i32
      %dma_wait3A_267 = arith.constant 0 : i32
      %dma_wait3A_268 = tpu.memref_slice %arg9[%dma_wait3A_264, %dma_wait3A_266, %dma_wait3A_267] : memref<4x128x64xf32, #tpu.memory_space<vmem>> -> memref<1x128x64xf32, #tpu.memory_space<vmem>>
      %dma_wait3A_269 = tpu.memref_squeeze %dma_wait3A_268 : memref<1x128x64xf32, #tpu.memory_space<vmem>> -> memref<128x64xf32, #tpu.memory_space<vmem>>
      %dma_wait3A_270 = arith.constant 0 : i32
      %dma_wait3A_271 = tpu.memref_slice %arg8[%add3A_263, %dma_wait3A_270] : memref<160x128xi32, #tpu.memory_space<vmem>> -> memref<1x128xi32, #tpu.memory_space<vmem>>
      %dma_wait3A_272 = tpu.memref_squeeze %dma_wait3A_271 : memref<1x128xi32, #tpu.memory_space<vmem>> -> memref<128xi32, #tpu.memory_space<vmem>>
      %dma_wait3A_273 = arith.constant 0 : i32
      %dma_wait3A_274 = arith.constant 0 : i32
      %dma_wait3A_275 = tpu.memref_slice %arg12[%dma_wait3A_273, %dma_wait3A_274] : memref<10240x64xf32, #tpu.memory_space<vmem_shared>> -> memref<10240x64xf32, #tpu.memory_space<vmem_shared>>
      %dma_wait3A_276 = tpu.memref_slice %arg11[%dma_wait3A_265] : memref<4x!tpu.dma_semaphore, #tpu.memory_space<semaphore_mem>> -> memref<1x!tpu.dma_semaphore, #tpu.memory_space<semaphore_mem>>
      %dma_wait3A_277 = tpu.memref_squeeze %dma_wait3A_276 : memref<1x!tpu.dma_semaphore, #tpu.memory_space<semaphore_mem>> -> memref<!tpu.dma_semaphore, #tpu.memory_space<semaphore_mem>>
      tpu.wait_indirect_dma semaphore(%dma_wait3A_277 : memref<!tpu.dma_semaphore, #tpu.memory_space<semaphore_mem>>) src(%dma_wait3A_269 : memref<128x64xf32, #tpu.memory_space<vmem>>) dst(%dma_wait3A_275 : memref<10240x64xf32, #tpu.memory_space<vmem_shared>>)
      %add3A_278 = arith.constant 1 : i32
      %add3A_279 = arith.addi %scan3A_82, %add3A_278 : i32
      %lt3A_280 = arith.constant 40 : i32
      %lt3A_281 = arith.cmpi slt, %add3A_279, %lt3A_280 : i32
      %convert_element_type3A_282 = arith.extui %lt3A_281 : i1 to i32
      %cond3A_283 = arith.constant 0 : i32
      %cond3A_284 = arith.cmpi ne, %convert_element_type3A_282, %cond3A_283 : i32
      scf.if %cond3A_284 {
        %add3A_308 = arith.constant 4 : i32
        %add3A_309 = arith.addi %add3A_263, %add3A_308 : i32
        %dma_start3A_310 = arith.constant 2 : i32
        %dma_start3A_311 = arith.constant 2 : i32
        %dma_start3A_312 = arith.constant 0 : i32
        %dma_start3A_313 = arith.constant 0 : i32
        %dma_start3A_314 = tpu.memref_slice %arg9[%dma_start3A_310, %dma_start3A_312, %dma_start3A_313] : memref<4x128x64xf32, #tpu.memory_space<vmem>> -> memref<1x128x64xf32, #tpu.memory_space<vmem>>
        %dma_start3A_315 = tpu.memref_squeeze %dma_start3A_314 : memref<1x128x64xf32, #tpu.memory_space<vmem>> -> memref<128x64xf32, #tpu.memory_space<vmem>>
        %dma_start3A_316 = arith.constant 0 : i32
        %dma_start3A_317 = tpu.memref_slice %arg7[%add3A_309, %dma_start3A_316] : memref<160x128xi32, #tpu.memory_space<vmem>> -> memref<1x128xi32, #tpu.memory_space<vmem>>
        %dma_start3A_318 = tpu.memref_squeeze %dma_start3A_317 : memref<1x128xi32, #tpu.memory_space<vmem>> -> memref<128xi32, #tpu.memory_space<vmem>>
        %dma_start3A_319 = arith.constant 0 : i32
        %dma_start3A_320 = arith.constant 0 : i32
        %dma_start3A_321 = tpu.memref_slice %arg2[%arg0, %dma_start3A_319, %dma_start3A_320] : memref<2x10000x64xf32, #tpu.memory_space<hbm>> -> memref<1x10000x64xf32, #tpu.memory_space<hbm>>
        %dma_start3A_322 = tpu.memref_squeeze %dma_start3A_321 : memref<1x10000x64xf32, #tpu.memory_space<hbm>> -> memref<10000x64xf32, #tpu.memory_space<hbm>>
        %dma_start3A_323 = arith.constant 0 : i32
        %dma_start3A_324 = arith.constant 0 : i32
        %dma_start3A_325 = tpu.memref_slice %dma_start3A_322[%dma_start3A_323, %dma_start3A_324] : memref<10000x64xf32, #tpu.memory_space<hbm>> -> memref<10000x64xf32, #tpu.memory_space<hbm>>
        %dma_start3A_326 = tpu.memref_slice %arg10[%dma_start3A_311] : memref<4x!tpu.dma_semaphore, #tpu.memory_space<semaphore_mem>> -> memref<1x!tpu.dma_semaphore, #tpu.memory_space<semaphore_mem>>
        %dma_start3A_327 = tpu.memref_squeeze %dma_start3A_326 : memref<1x!tpu.dma_semaphore, #tpu.memory_space<semaphore_mem>> -> memref<!tpu.dma_semaphore, #tpu.memory_space<semaphore_mem>>
        tpu.enqueue_indirect_dma source(%dma_start3A_325 : memref<10000x64xf32, #tpu.memory_space<hbm>>) target(%dma_start3A_315 : memref<128x64xf32, #tpu.memory_space<vmem>>) offsets(%dma_start3A_318 : memref<128xi32, #tpu.memory_space<vmem>>) semaphore(%dma_start3A_327 : memref<!tpu.dma_semaphore, #tpu.memory_space<semaphore_mem>>)
      } else {
      }
      %add3A_285 = arith.constant 3 : i32
      %add3A_286 = arith.addi %mul3A_84, %add3A_285 : i32
      %dma_wait3A_287 = arith.constant 3 : i32
      %dma_wait3A_288 = arith.constant 3 : i32
      %dma_wait3A_289 = arith.constant 0 : i32
      %dma_wait3A_290 = arith.constant 0 : i32
      %dma_wait3A_291 = tpu.memref_slice %arg9[%dma_wait3A_287, %dma_wait3A_289, %dma_wait3A_290] : memref<4x128x64xf32, #tpu.memory_space<vmem>> -> memref<1x128x64xf32, #tpu.memory_space<vmem>>
      %dma_wait3A_292 = tpu.memref_squeeze %dma_wait3A_291 : memref<1x128x64xf32, #tpu.memory_space<vmem>> -> memref<128x64xf32, #tpu.memory_space<vmem>>
      %dma_wait3A_293 = arith.constant 0 : i32
      %dma_wait3A_294 = tpu.memref_slice %arg8[%add3A_286, %dma_wait3A_293] : memref<160x128xi32, #tpu.memory_space<vmem>> -> memref<1x128xi32, #tpu.memory_space<vmem>>
      %dma_wait3A_295 = tpu.memref_squeeze %dma_wait3A_294 : memref<1x128xi32, #tpu.memory_space<vmem>> -> memref<128xi32, #tpu.memory_space<vmem>>
      %dma_wait3A_296 = arith.constant 0 : i32
      %dma_wait3A_297 = arith.constant 0 : i32
      %dma_wait3A_298 = tpu.memref_slice %arg12[%dma_wait3A_296, %dma_wait3A_297] : memref<10240x64xf32, #tpu.memory_space<vmem_shared>> -> memref<10240x64xf32, #tpu.memory_space<vmem_shared>>
      %dma_wait3A_299 = tpu.memref_slice %arg11[%dma_wait3A_288] : memref<4x!tpu.dma_semaphore, #tpu.memory_space<semaphore_mem>> -> memref<1x!tpu.dma_semaphore, #tpu.memory_space<semaphore_mem>>
      %dma_wait3A_300 = tpu.memref_squeeze %dma_wait3A_299 : memref<1x!tpu.dma_semaphore, #tpu.memory_space<semaphore_mem>> -> memref<!tpu.dma_semaphore, #tpu.memory_space<semaphore_mem>>
      tpu.wait_indirect_dma semaphore(%dma_wait3A_300 : memref<!tpu.dma_semaphore, #tpu.memory_space<semaphore_mem>>) src(%dma_wait3A_292 : memref<128x64xf32, #tpu.memory_space<vmem>>) dst(%dma_wait3A_298 : memref<10240x64xf32, #tpu.memory_space<vmem_shared>>)
      %add3A_301 = arith.constant 1 : i32
      %add3A_302 = arith.addi %scan3A_82, %add3A_301 : i32
      %lt3A_303 = arith.constant 40 : i32
      %lt3A_304 = arith.cmpi slt, %add3A_302, %lt3A_303 : i32
      %convert_element_type3A_305 = arith.extui %lt3A_304 : i1 to i32
      %cond3A_306 = arith.constant 0 : i32
      %cond3A_307 = arith.cmpi ne, %convert_element_type3A_305, %cond3A_306 : i32
      scf.if %cond3A_307 {
        %add3A_308 = arith.constant 4 : i32
        %add3A_309 = arith.addi %add3A_286, %add3A_308 : i32
        %dma_start3A_310 = arith.constant 3 : i32
        %dma_start3A_311 = arith.constant 3 : i32
        %dma_start3A_312 = arith.constant 0 : i32
        %dma_start3A_313 = arith.constant 0 : i32
        %dma_start3A_314 = tpu.memref_slice %arg9[%dma_start3A_310, %dma_start3A_312, %dma_start3A_313] : memref<4x128x64xf32, #tpu.memory_space<vmem>> -> memref<1x128x64xf32, #tpu.memory_space<vmem>>
        %dma_start3A_315 = tpu.memref_squeeze %dma_start3A_314 : memref<1x128x64xf32, #tpu.memory_space<vmem>> -> memref<128x64xf32, #tpu.memory_space<vmem>>
        %dma_start3A_316 = arith.constant 0 : i32
        %dma_start3A_317 = tpu.memref_slice %arg7[%add3A_309, %dma_start3A_316] : memref<160x128xi32, #tpu.memory_space<vmem>> -> memref<1x128xi32, #tpu.memory_space<vmem>>
        %dma_start3A_318 = tpu.memref_squeeze %dma_start3A_317 : memref<1x128xi32, #tpu.memory_space<vmem>> -> memref<128xi32, #tpu.memory_space<vmem>>
        %dma_start3A_319 = arith.constant 0 : i32
        %dma_start3A_320 = arith.constant 0 : i32
        %dma_start3A_321 = tpu.memref_slice %arg2[%arg0, %dma_start3A_319, %dma_start3A_320] : memref<2x10000x64xf32, #tpu.memory_space<hbm>> -> memref<1x10000x64xf32, #tpu.memory_space<hbm>>
        %dma_start3A_322 = tpu.memref_squeeze %dma_start3A_321 : memref<1x10000x64xf32, #tpu.memory_space<hbm>> -> memref<10000x64xf32, #tpu.memory_space<hbm>>
        %dma_start3A_323 = arith.constant 0 : i32
        %dma_start3A_324 = arith.constant 0 : i32
        %dma_start3A_325 = tpu.memref_slice %dma_start3A_322[%dma_start3A_323, %dma_start3A_324] : memref<10000x64xf32, #tpu.memory_space<hbm>> -> memref<10000x64xf32, #tpu.memory_space<hbm>>
        %dma_start3A_326 = tpu.memref_slice %arg10[%dma_start3A_311] : memref<4x!tpu.dma_semaphore, #tpu.memory_space<semaphore_mem>> -> memref<1x!tpu.dma_semaphore, #tpu.memory_space<semaphore_mem>>
        %dma_start3A_327 = tpu.memref_squeeze %dma_start3A_326 : memref<1x!tpu.dma_semaphore, #tpu.memory_space<semaphore_mem>> -> memref<!tpu.dma_semaphore, #tpu.memory_space<semaphore_mem>>
        tpu.enqueue_indirect_dma source(%dma_start3A_325 : memref<10000x64xf32, #tpu.memory_space<hbm>>) target(%dma_start3A_315 : memref<128x64xf32, #tpu.memory_space<vmem>>) offsets(%dma_start3A_318 : memref<128xi32, #tpu.memory_space<vmem>>) semaphore(%dma_start3A_327 : memref<!tpu.dma_semaphore, #tpu.memory_space<semaphore_mem>>)
      } else {
      }
    }
    %scan3A_80 = arith.constant 40 : i32
    %barrier3A_81 = arith.constant 0 : index
    tpu.barrier barrier_id(%barrier3A_81)
    "tpu.region"() ({
      %run_scoped3A = tpu.sem_alloc : memref<!tpu.dma_semaphore, #tpu.memory_space<semaphore_mem>>
      %dma_start3A_82 = arith.constant 0 : i32
      %dma_start3A_83 = tpu.memref_slice %arg6[%arg0, %mul3A_0, %dma_start3A_82] : memref<2x10240x64xf32, #tpu.memory_space<hbm>> -> memref<1x640x64xf32, #tpu.memory_space<hbm>>
      %dma_start3A_84 = tpu.memref_squeeze %dma_start3A_83 : memref<1x640x64xf32, #tpu.memory_space<hbm>> -> memref<640x64xf32, #tpu.memory_space<hbm>>
      %dma_start3A_85 = arith.constant 0 : i32
      %dma_start3A_86 = tpu.memref_slice %arg12[%mul3A_0, %dma_start3A_85] : memref<10240x64xf32, #tpu.memory_space<vmem_shared>> -> memref<640x64xf32, #tpu.memory_space<vmem_shared>>
      tpu.enqueue_dma source(%dma_start3A_86 : memref<640x64xf32, #tpu.memory_space<vmem_shared>>) target(%dma_start3A_84 : memref<640x64xf32, #tpu.memory_space<hbm>>) target_semaphore(%run_scoped3A : memref<!tpu.dma_semaphore, #tpu.memory_space<semaphore_mem>>)
      %dma_wait3A = arith.constant 0 : i32
      %dma_wait3A_87 = tpu.memref_slice %arg6[%arg0, %mul3A_0, %dma_wait3A] : memref<2x10240x64xf32, #tpu.memory_space<hbm>> -> memref<1x640x64xf32, #tpu.memory_space<hbm>>
      %dma_wait3A_88 = tpu.memref_squeeze %dma_wait3A_87 : memref<1x640x64xf32, #tpu.memory_space<hbm>> -> memref<640x64xf32, #tpu.memory_space<hbm>>
      %dma_wait3A_89 = arith.constant 0 : i32
      %dma_wait3A_90 = tpu.memref_slice %arg12[%mul3A_0, %dma_wait3A_89] : memref<10240x64xf32, #tpu.memory_space<vmem_shared>> -> memref<640x64xf32, #tpu.memory_space<vmem_shared>>
      tpu.wait_dma2 semaphore(%run_scoped3A : memref<!tpu.dma_semaphore, #tpu.memory_space<semaphore_mem>>) src(%dma_wait3A_90 : memref<640x64xf32, #tpu.memory_space<vmem_shared>>) dst(%dma_wait3A_88 : memref<640x64xf32, #tpu.memory_space<hbm>>)
      tpu.yield
    }) : () -> ()
    return
  }
}

#map = affine_map<(d0, d1) -> (0, 0, 0, 0)>
#map1 = affine_map<(d0, d1) -> (0, 0)>
#map2 = affine_map<(d0, d1) -> (0, 0, 0)>
module attributes {stable_mosaic.version = 14 : i64} {
  func.func @_deg_body(%arg0: i32, %arg1: i32, %arg2: memref<2x16x250x80xi32, #tpu.memory_space<hbm>>, %arg3: memref<80x16xf32, #tpu.memory_space<hbm>>, %arg4: memref<640x16xf32, #tpu.memory_space<hbm>>, %arg5: memref<2x10240x16xf32, #tpu.memory_space<hbm>>, %arg6: memref<250x80xi32, #tpu.memory_space<vmem>>, %arg7: memref<80x16xf32, #tpu.memory_space<vmem>>, %arg8: memref<10x!tpu.dma_semaphore, #tpu.memory_space<semaphore_mem>>, %arg9: memref<10240x16xf32, #tpu.memory_space<vmem_shared>>) attributes {dimension_semantics = [#tpu.dimension_semantics<core_parallel>, #tpu.dimension_semantics<subcore_parallel>], iteration_bounds = array<i64: 2, 16>, scalar_prefetch = 0 : i64, scratch_operands = 4 : i64, tpu.core_type = #tpu.core_type<sc_vector_subcore>, window_params = [{transform_indices = #map}, {transform_indices = #map1}, {transform_indices = #map1}, {transform_indices = #map2}]} {
    "tpu.region"() ({
      %run_scoped3A = tpu.sem_alloc : memref<!tpu.dma_semaphore, #tpu.memory_space<semaphore_mem>>
      %dma_start3A = arith.constant 0 : i32
      %dma_start3A_7 = arith.constant 0 : i32
      %dma_start3A_8 = tpu.memref_slice %arg2[%arg0, %arg1, %dma_start3A, %dma_start3A_7] : memref<2x16x250x80xi32, #tpu.memory_space<hbm>> -> memref<1x1x250x80xi32, #tpu.memory_space<hbm>>
      %dma_start3A_9 = tpu.memref_squeeze %dma_start3A_8 : memref<1x1x250x80xi32, #tpu.memory_space<hbm>> -> memref<250x80xi32, #tpu.memory_space<hbm>>
      %dma_start3A_10 = arith.constant 0 : i32
      %dma_start3A_11 = arith.constant 0 : i32
      %dma_start3A_12 = tpu.memref_slice %arg2[%arg0, %arg1, %dma_start3A_10, %dma_start3A_11] : memref<2x16x250x80xi32, #tpu.memory_space<hbm>> -> memref<1x1x250x80xi32, #tpu.memory_space<hbm>>
      %dma_start3A_13 = tpu.memref_squeeze %dma_start3A_12 : memref<1x1x250x80xi32, #tpu.memory_space<hbm>> -> memref<250x80xi32, #tpu.memory_space<hbm>>
      tpu.enqueue_dma source(%dma_start3A_13 : memref<250x80xi32, #tpu.memory_space<hbm>>) target(%arg6 : memref<250x80xi32, #tpu.memory_space<vmem>>) target_semaphore(%run_scoped3A : memref<!tpu.dma_semaphore, #tpu.memory_space<semaphore_mem>>)
      %dma_wait3A = arith.constant 0 : i32
      %dma_wait3A_14 = arith.constant 0 : i32
      %dma_wait3A_15 = tpu.memref_slice %arg2[%arg0, %arg1, %dma_wait3A, %dma_wait3A_14] : memref<2x16x250x80xi32, #tpu.memory_space<hbm>> -> memref<1x1x250x80xi32, #tpu.memory_space<hbm>>
      %dma_wait3A_16 = tpu.memref_squeeze %dma_wait3A_15 : memref<1x1x250x80xi32, #tpu.memory_space<hbm>> -> memref<250x80xi32, #tpu.memory_space<hbm>>
      %dma_wait3A_17 = arith.constant 0 : i32
      %dma_wait3A_18 = arith.constant 0 : i32
      %dma_wait3A_19 = tpu.memref_slice %arg2[%arg0, %arg1, %dma_wait3A_17, %dma_wait3A_18] : memref<2x16x250x80xi32, #tpu.memory_space<hbm>> -> memref<1x1x250x80xi32, #tpu.memory_space<hbm>>
      %dma_wait3A_20 = tpu.memref_squeeze %dma_wait3A_19 : memref<1x1x250x80xi32, #tpu.memory_space<hbm>> -> memref<250x80xi32, #tpu.memory_space<hbm>>
      tpu.wait_dma2 semaphore(%run_scoped3A : memref<!tpu.dma_semaphore, #tpu.memory_space<semaphore_mem>>) src(%dma_wait3A_20 : memref<250x80xi32, #tpu.memory_space<hbm>>) dst(%arg6 : memref<250x80xi32, #tpu.memory_space<vmem>>)
      tpu.yield
    }) : () -> ()
    "tpu.region"() ({
      %run_scoped3A = tpu.sem_alloc : memref<!tpu.dma_semaphore, #tpu.memory_space<semaphore_mem>>
      tpu.enqueue_dma source(%arg3 : memref<80x16xf32, #tpu.memory_space<hbm>>) target(%arg7 : memref<80x16xf32, #tpu.memory_space<vmem>>) target_semaphore(%run_scoped3A : memref<!tpu.dma_semaphore, #tpu.memory_space<semaphore_mem>>)
      tpu.wait_dma2 semaphore(%run_scoped3A : memref<!tpu.dma_semaphore, #tpu.memory_space<semaphore_mem>>) src(%arg3 : memref<80x16xf32, #tpu.memory_space<hbm>>) dst(%arg7 : memref<80x16xf32, #tpu.memory_space<vmem>>)
      tpu.yield
    }) : () -> ()
    %mul3A = arith.constant 640 : i32
    %mul3A_0 = arith.muli %arg1, %mul3A : i32
    "tpu.region"() ({
      %run_scoped3A = tpu.sem_alloc : memref<!tpu.dma_semaphore, #tpu.memory_space<semaphore_mem>>
      %dma_start3A = arith.constant 0 : i32
      %dma_start3A_7 = tpu.memref_slice %arg9[%mul3A_0, %dma_start3A] : memref<10240x16xf32, #tpu.memory_space<vmem_shared>> -> memref<640x16xf32, #tpu.memory_space<vmem_shared>>
      tpu.enqueue_dma source(%arg4 : memref<640x16xf32, #tpu.memory_space<hbm>>) target(%dma_start3A_7 : memref<640x16xf32, #tpu.memory_space<vmem_shared>>) target_semaphore(%run_scoped3A : memref<!tpu.dma_semaphore, #tpu.memory_space<semaphore_mem>>)
      %dma_wait3A = arith.constant 0 : i32
      %dma_wait3A_8 = tpu.memref_slice %arg9[%mul3A_0, %dma_wait3A] : memref<10240x16xf32, #tpu.memory_space<vmem_shared>> -> memref<640x16xf32, #tpu.memory_space<vmem_shared>>
      tpu.wait_dma2 semaphore(%run_scoped3A : memref<!tpu.dma_semaphore, #tpu.memory_space<semaphore_mem>>) src(%arg4 : memref<640x16xf32, #tpu.memory_space<hbm>>) dst(%dma_wait3A_8 : memref<640x16xf32, #tpu.memory_space<vmem_shared>>)
      tpu.yield
    }) : () -> ()
    %barrier3A = arith.constant 0 : index
    tpu.barrier barrier_id(%barrier3A)
    %scan3A = arith.constant 0 : i32
    %scan3A_1 = arith.constant 0 : i32
    %scan3A_2 = arith.constant 25 : i32
    %scan3A_3 = arith.addi %scan3A_1, %scan3A_2 : i32
    %scan3A_4 = arith.constant 1 : i32
    scf.for %scan3A_7 = %scan3A_1 to %scan3A_3 step %scan3A_4  : i32 {
      %mul3A_8 = arith.constant 10 : i32
      %mul3A_9 = arith.muli %scan3A_7, %mul3A_8 : i32
      %add3A = arith.constant 0 : i32
      %add3A_10 = arith.addi %mul3A_9, %add3A : i32
      %dma_start3A = arith.constant 0 : i32
      %dma_start3A_11 = arith.constant 0 : i32
      %dma_start3A_12 = tpu.memref_slice %arg6[%add3A_10, %dma_start3A_11] : memref<250x80xi32, #tpu.memory_space<vmem>> -> memref<1x80xi32, #tpu.memory_space<vmem>>
      %dma_start3A_13 = tpu.memref_squeeze %dma_start3A_12 : memref<1x80xi32, #tpu.memory_space<vmem>> -> memref<80xi32, #tpu.memory_space<vmem>>
      %dma_start3A_14 = arith.constant 0 : i32
      %dma_start3A_15 = arith.constant 0 : i32
      %dma_start3A_16 = tpu.memref_slice %arg9[%dma_start3A_14, %dma_start3A_15] : memref<10240x16xf32, #tpu.memory_space<vmem_shared>> -> memref<10240x16xf32, #tpu.memory_space<vmem_shared>>
      %dma_start3A_17 = tpu.memref_slice %arg8[%dma_start3A] : memref<10x!tpu.dma_semaphore, #tpu.memory_space<semaphore_mem>> -> memref<1x!tpu.dma_semaphore, #tpu.memory_space<semaphore_mem>>
      %dma_start3A_18 = tpu.memref_squeeze %dma_start3A_17 : memref<1x!tpu.dma_semaphore, #tpu.memory_space<semaphore_mem>> -> memref<!tpu.dma_semaphore, #tpu.memory_space<semaphore_mem>>
      tpu.enqueue_indirect_dma source(%arg7 : memref<80x16xf32, #tpu.memory_space<vmem>>) target(%dma_start3A_16 : memref<10240x16xf32, #tpu.memory_space<vmem_shared>>) offsets(%dma_start3A_13 : memref<80xi32, #tpu.memory_space<vmem>>) semaphore(%dma_start3A_18 : memref<!tpu.dma_semaphore, #tpu.memory_space<semaphore_mem>>) {add = true}
      %add3A_19 = arith.constant 1 : i32
      %add3A_20 = arith.addi %mul3A_9, %add3A_19 : i32
      %dma_start3A_21 = arith.constant 1 : i32
      %dma_start3A_22 = arith.constant 0 : i32
      %dma_start3A_23 = tpu.memref_slice %arg6[%add3A_20, %dma_start3A_22] : memref<250x80xi32, #tpu.memory_space<vmem>> -> memref<1x80xi32, #tpu.memory_space<vmem>>
      %dma_start3A_24 = tpu.memref_squeeze %dma_start3A_23 : memref<1x80xi32, #tpu.memory_space<vmem>> -> memref<80xi32, #tpu.memory_space<vmem>>
      %dma_start3A_25 = arith.constant 0 : i32
      %dma_start3A_26 = arith.constant 0 : i32
      %dma_start3A_27 = tpu.memref_slice %arg9[%dma_start3A_25, %dma_start3A_26] : memref<10240x16xf32, #tpu.memory_space<vmem_shared>> -> memref<10240x16xf32, #tpu.memory_space<vmem_shared>>
      %dma_start3A_28 = tpu.memref_slice %arg8[%dma_start3A_21] : memref<10x!tpu.dma_semaphore, #tpu.memory_space<semaphore_mem>> -> memref<1x!tpu.dma_semaphore, #tpu.memory_space<semaphore_mem>>
      %dma_start3A_29 = tpu.memref_squeeze %dma_start3A_28 : memref<1x!tpu.dma_semaphore, #tpu.memory_space<semaphore_mem>> -> memref<!tpu.dma_semaphore, #tpu.memory_space<semaphore_mem>>
      tpu.enqueue_indirect_dma source(%arg7 : memref<80x16xf32, #tpu.memory_space<vmem>>) target(%dma_start3A_27 : memref<10240x16xf32, #tpu.memory_space<vmem_shared>>) offsets(%dma_start3A_24 : memref<80xi32, #tpu.memory_space<vmem>>) semaphore(%dma_start3A_29 : memref<!tpu.dma_semaphore, #tpu.memory_space<semaphore_mem>>) {add = true}
      %add3A_30 = arith.constant 2 : i32
      %add3A_31 = arith.addi %mul3A_9, %add3A_30 : i32
      %dma_start3A_32 = arith.constant 2 : i32
      %dma_start3A_33 = arith.constant 0 : i32
      %dma_start3A_34 = tpu.memref_slice %arg6[%add3A_31, %dma_start3A_33] : memref<250x80xi32, #tpu.memory_space<vmem>> -> memref<1x80xi32, #tpu.memory_space<vmem>>
      %dma_start3A_35 = tpu.memref_squeeze %dma_start3A_34 : memref<1x80xi32, #tpu.memory_space<vmem>> -> memref<80xi32, #tpu.memory_space<vmem>>
      %dma_start3A_36 = arith.constant 0 : i32
      %dma_start3A_37 = arith.constant 0 : i32
      %dma_start3A_38 = tpu.memref_slice %arg9[%dma_start3A_36, %dma_start3A_37] : memref<10240x16xf32, #tpu.memory_space<vmem_shared>> -> memref<10240x16xf32, #tpu.memory_space<vmem_shared>>
      %dma_start3A_39 = tpu.memref_slice %arg8[%dma_start3A_32] : memref<10x!tpu.dma_semaphore, #tpu.memory_space<semaphore_mem>> -> memref<1x!tpu.dma_semaphore, #tpu.memory_space<semaphore_mem>>
      %dma_start3A_40 = tpu.memref_squeeze %dma_start3A_39 : memref<1x!tpu.dma_semaphore, #tpu.memory_space<semaphore_mem>> -> memref<!tpu.dma_semaphore, #tpu.memory_space<semaphore_mem>>
      tpu.enqueue_indirect_dma source(%arg7 : memref<80x16xf32, #tpu.memory_space<vmem>>) target(%dma_start3A_38 : memref<10240x16xf32, #tpu.memory_space<vmem_shared>>) offsets(%dma_start3A_35 : memref<80xi32, #tpu.memory_space<vmem>>) semaphore(%dma_start3A_40 : memref<!tpu.dma_semaphore, #tpu.memory_space<semaphore_mem>>) {add = true}
      %add3A_41 = arith.constant 3 : i32
      %add3A_42 = arith.addi %mul3A_9, %add3A_41 : i32
      %dma_start3A_43 = arith.constant 3 : i32
      %dma_start3A_44 = arith.constant 0 : i32
      %dma_start3A_45 = tpu.memref_slice %arg6[%add3A_42, %dma_start3A_44] : memref<250x80xi32, #tpu.memory_space<vmem>> -> memref<1x80xi32, #tpu.memory_space<vmem>>
      %dma_start3A_46 = tpu.memref_squeeze %dma_start3A_45 : memref<1x80xi32, #tpu.memory_space<vmem>> -> memref<80xi32, #tpu.memory_space<vmem>>
      %dma_start3A_47 = arith.constant 0 : i32
      %dma_start3A_48 = arith.constant 0 : i32
      %dma_start3A_49 = tpu.memref_slice %arg9[%dma_start3A_47, %dma_start3A_48] : memref<10240x16xf32, #tpu.memory_space<vmem_shared>> -> memref<10240x16xf32, #tpu.memory_space<vmem_shared>>
      %dma_start3A_50 = tpu.memref_slice %arg8[%dma_start3A_43] : memref<10x!tpu.dma_semaphore, #tpu.memory_space<semaphore_mem>> -> memref<1x!tpu.dma_semaphore, #tpu.memory_space<semaphore_mem>>
      %dma_start3A_51 = tpu.memref_squeeze %dma_start3A_50 : memref<1x!tpu.dma_semaphore, #tpu.memory_space<semaphore_mem>> -> memref<!tpu.dma_semaphore, #tpu.memory_space<semaphore_mem>>
      tpu.enqueue_indirect_dma source(%arg7 : memref<80x16xf32, #tpu.memory_space<vmem>>) target(%dma_start3A_49 : memref<10240x16xf32, #tpu.memory_space<vmem_shared>>) offsets(%dma_start3A_46 : memref<80xi32, #tpu.memory_space<vmem>>) semaphore(%dma_start3A_51 : memref<!tpu.dma_semaphore, #tpu.memory_space<semaphore_mem>>) {add = true}
      %add3A_52 = arith.constant 4 : i32
      %add3A_53 = arith.addi %mul3A_9, %add3A_52 : i32
      %dma_start3A_54 = arith.constant 4 : i32
      %dma_start3A_55 = arith.constant 0 : i32
      %dma_start3A_56 = tpu.memref_slice %arg6[%add3A_53, %dma_start3A_55] : memref<250x80xi32, #tpu.memory_space<vmem>> -> memref<1x80xi32, #tpu.memory_space<vmem>>
      %dma_start3A_57 = tpu.memref_squeeze %dma_start3A_56 : memref<1x80xi32, #tpu.memory_space<vmem>> -> memref<80xi32, #tpu.memory_space<vmem>>
      %dma_start3A_58 = arith.constant 0 : i32
      %dma_start3A_59 = arith.constant 0 : i32
      %dma_start3A_60 = tpu.memref_slice %arg9[%dma_start3A_58, %dma_start3A_59] : memref<10240x16xf32, #tpu.memory_space<vmem_shared>> -> memref<10240x16xf32, #tpu.memory_space<vmem_shared>>
      %dma_start3A_61 = tpu.memref_slice %arg8[%dma_start3A_54] : memref<10x!tpu.dma_semaphore, #tpu.memory_space<semaphore_mem>> -> memref<1x!tpu.dma_semaphore, #tpu.memory_space<semaphore_mem>>
      %dma_start3A_62 = tpu.memref_squeeze %dma_start3A_61 : memref<1x!tpu.dma_semaphore, #tpu.memory_space<semaphore_mem>> -> memref<!tpu.dma_semaphore, #tpu.memory_space<semaphore_mem>>
      tpu.enqueue_indirect_dma source(%arg7 : memref<80x16xf32, #tpu.memory_space<vmem>>) target(%dma_start3A_60 : memref<10240x16xf32, #tpu.memory_space<vmem_shared>>) offsets(%dma_start3A_57 : memref<80xi32, #tpu.memory_space<vmem>>) semaphore(%dma_start3A_62 : memref<!tpu.dma_semaphore, #tpu.memory_space<semaphore_mem>>) {add = true}
      %add3A_63 = arith.constant 5 : i32
      %add3A_64 = arith.addi %mul3A_9, %add3A_63 : i32
      %dma_start3A_65 = arith.constant 5 : i32
      %dma_start3A_66 = arith.constant 0 : i32
      %dma_start3A_67 = tpu.memref_slice %arg6[%add3A_64, %dma_start3A_66] : memref<250x80xi32, #tpu.memory_space<vmem>> -> memref<1x80xi32, #tpu.memory_space<vmem>>
      %dma_start3A_68 = tpu.memref_squeeze %dma_start3A_67 : memref<1x80xi32, #tpu.memory_space<vmem>> -> memref<80xi32, #tpu.memory_space<vmem>>
      %dma_start3A_69 = arith.constant 0 : i32
      %dma_start3A_70 = arith.constant 0 : i32
      %dma_start3A_71 = tpu.memref_slice %arg9[%dma_start3A_69, %dma_start3A_70] : memref<10240x16xf32, #tpu.memory_space<vmem_shared>> -> memref<10240x16xf32, #tpu.memory_space<vmem_shared>>
      %dma_start3A_72 = tpu.memref_slice %arg8[%dma_start3A_65] : memref<10x!tpu.dma_semaphore, #tpu.memory_space<semaphore_mem>> -> memref<1x!tpu.dma_semaphore, #tpu.memory_space<semaphore_mem>>
      %dma_start3A_73 = tpu.memref_squeeze %dma_start3A_72 : memref<1x!tpu.dma_semaphore, #tpu.memory_space<semaphore_mem>> -> memref<!tpu.dma_semaphore, #tpu.memory_space<semaphore_mem>>
      tpu.enqueue_indirect_dma source(%arg7 : memref<80x16xf32, #tpu.memory_space<vmem>>) target(%dma_start3A_71 : memref<10240x16xf32, #tpu.memory_space<vmem_shared>>) offsets(%dma_start3A_68 : memref<80xi32, #tpu.memory_space<vmem>>) semaphore(%dma_start3A_73 : memref<!tpu.dma_semaphore, #tpu.memory_space<semaphore_mem>>) {add = true}
      %add3A_74 = arith.constant 6 : i32
      %add3A_75 = arith.addi %mul3A_9, %add3A_74 : i32
      %dma_start3A_76 = arith.constant 6 : i32
      %dma_start3A_77 = arith.constant 0 : i32
      %dma_start3A_78 = tpu.memref_slice %arg6[%add3A_75, %dma_start3A_77] : memref<250x80xi32, #tpu.memory_space<vmem>> -> memref<1x80xi32, #tpu.memory_space<vmem>>
      %dma_start3A_79 = tpu.memref_squeeze %dma_start3A_78 : memref<1x80xi32, #tpu.memory_space<vmem>> -> memref<80xi32, #tpu.memory_space<vmem>>
      %dma_start3A_80 = arith.constant 0 : i32
      %dma_start3A_81 = arith.constant 0 : i32
      %dma_start3A_82 = tpu.memref_slice %arg9[%dma_start3A_80, %dma_start3A_81] : memref<10240x16xf32, #tpu.memory_space<vmem_shared>> -> memref<10240x16xf32, #tpu.memory_space<vmem_shared>>
      %dma_start3A_83 = tpu.memref_slice %arg8[%dma_start3A_76] : memref<10x!tpu.dma_semaphore, #tpu.memory_space<semaphore_mem>> -> memref<1x!tpu.dma_semaphore, #tpu.memory_space<semaphore_mem>>
      %dma_start3A_84 = tpu.memref_squeeze %dma_start3A_83 : memref<1x!tpu.dma_semaphore, #tpu.memory_space<semaphore_mem>> -> memref<!tpu.dma_semaphore, #tpu.memory_space<semaphore_mem>>
      tpu.enqueue_indirect_dma source(%arg7 : memref<80x16xf32, #tpu.memory_space<vmem>>) target(%dma_start3A_82 : memref<10240x16xf32, #tpu.memory_space<vmem_shared>>) offsets(%dma_start3A_79 : memref<80xi32, #tpu.memory_space<vmem>>) semaphore(%dma_start3A_84 : memref<!tpu.dma_semaphore, #tpu.memory_space<semaphore_mem>>) {add = true}
      %add3A_85 = arith.constant 7 : i32
      %add3A_86 = arith.addi %mul3A_9, %add3A_85 : i32
      %dma_start3A_87 = arith.constant 7 : i32
      %dma_start3A_88 = arith.constant 0 : i32
      %dma_start3A_89 = tpu.memref_slice %arg6[%add3A_86, %dma_start3A_88] : memref<250x80xi32, #tpu.memory_space<vmem>> -> memref<1x80xi32, #tpu.memory_space<vmem>>
      %dma_start3A_90 = tpu.memref_squeeze %dma_start3A_89 : memref<1x80xi32, #tpu.memory_space<vmem>> -> memref<80xi32, #tpu.memory_space<vmem>>
      %dma_start3A_91 = arith.constant 0 : i32
      %dma_start3A_92 = arith.constant 0 : i32
      %dma_start3A_93 = tpu.memref_slice %arg9[%dma_start3A_91, %dma_start3A_92] : memref<10240x16xf32, #tpu.memory_space<vmem_shared>> -> memref<10240x16xf32, #tpu.memory_space<vmem_shared>>
      %dma_start3A_94 = tpu.memref_slice %arg8[%dma_start3A_87] : memref<10x!tpu.dma_semaphore, #tpu.memory_space<semaphore_mem>> -> memref<1x!tpu.dma_semaphore, #tpu.memory_space<semaphore_mem>>
      %dma_start3A_95 = tpu.memref_squeeze %dma_start3A_94 : memref<1x!tpu.dma_semaphore, #tpu.memory_space<semaphore_mem>> -> memref<!tpu.dma_semaphore, #tpu.memory_space<semaphore_mem>>
      tpu.enqueue_indirect_dma source(%arg7 : memref<80x16xf32, #tpu.memory_space<vmem>>) target(%dma_start3A_93 : memref<10240x16xf32, #tpu.memory_space<vmem_shared>>) offsets(%dma_start3A_90 : memref<80xi32, #tpu.memory_space<vmem>>) semaphore(%dma_start3A_95 : memref<!tpu.dma_semaphore, #tpu.memory_space<semaphore_mem>>) {add = true}
      %add3A_96 = arith.constant 8 : i32
      %add3A_97 = arith.addi %mul3A_9, %add3A_96 : i32
      %dma_start3A_98 = arith.constant 8 : i32
      %dma_start3A_99 = arith.constant 0 : i32
      %dma_start3A_100 = tpu.memref_slice %arg6[%add3A_97, %dma_start3A_99] : memref<250x80xi32, #tpu.memory_space<vmem>> -> memref<1x80xi32, #tpu.memory_space<vmem>>
      %dma_start3A_101 = tpu.memref_squeeze %dma_start3A_100 : memref<1x80xi32, #tpu.memory_space<vmem>> -> memref<80xi32, #tpu.memory_space<vmem>>
      %dma_start3A_102 = arith.constant 0 : i32
      %dma_start3A_103 = arith.constant 0 : i32
      %dma_start3A_104 = tpu.memref_slice %arg9[%dma_start3A_102, %dma_start3A_103] : memref<10240x16xf32, #tpu.memory_space<vmem_shared>> -> memref<10240x16xf32, #tpu.memory_space<vmem_shared>>
      %dma_start3A_105 = tpu.memref_slice %arg8[%dma_start3A_98] : memref<10x!tpu.dma_semaphore, #tpu.memory_space<semaphore_mem>> -> memref<1x!tpu.dma_semaphore, #tpu.memory_space<semaphore_mem>>
      %dma_start3A_106 = tpu.memref_squeeze %dma_start3A_105 : memref<1x!tpu.dma_semaphore, #tpu.memory_space<semaphore_mem>> -> memref<!tpu.dma_semaphore, #tpu.memory_space<semaphore_mem>>
      tpu.enqueue_indirect_dma source(%arg7 : memref<80x16xf32, #tpu.memory_space<vmem>>) target(%dma_start3A_104 : memref<10240x16xf32, #tpu.memory_space<vmem_shared>>) offsets(%dma_start3A_101 : memref<80xi32, #tpu.memory_space<vmem>>) semaphore(%dma_start3A_106 : memref<!tpu.dma_semaphore, #tpu.memory_space<semaphore_mem>>) {add = true}
      %add3A_107 = arith.constant 9 : i32
      %add3A_108 = arith.addi %mul3A_9, %add3A_107 : i32
      %dma_start3A_109 = arith.constant 9 : i32
      %dma_start3A_110 = arith.constant 0 : i32
      %dma_start3A_111 = tpu.memref_slice %arg6[%add3A_108, %dma_start3A_110] : memref<250x80xi32, #tpu.memory_space<vmem>> -> memref<1x80xi32, #tpu.memory_space<vmem>>
      %dma_start3A_112 = tpu.memref_squeeze %dma_start3A_111 : memref<1x80xi32, #tpu.memory_space<vmem>> -> memref<80xi32, #tpu.memory_space<vmem>>
      %dma_start3A_113 = arith.constant 0 : i32
      %dma_start3A_114 = arith.constant 0 : i32
      %dma_start3A_115 = tpu.memref_slice %arg9[%dma_start3A_113, %dma_start3A_114] : memref<10240x16xf32, #tpu.memory_space<vmem_shared>> -> memref<10240x16xf32, #tpu.memory_space<vmem_shared>>
      %dma_start3A_116 = tpu.memref_slice %arg8[%dma_start3A_109] : memref<10x!tpu.dma_semaphore, #tpu.memory_space<semaphore_mem>> -> memref<1x!tpu.dma_semaphore, #tpu.memory_space<semaphore_mem>>
      %dma_start3A_117 = tpu.memref_squeeze %dma_start3A_116 : memref<1x!tpu.dma_semaphore, #tpu.memory_space<semaphore_mem>> -> memref<!tpu.dma_semaphore, #tpu.memory_space<semaphore_mem>>
      tpu.enqueue_indirect_dma source(%arg7 : memref<80x16xf32, #tpu.memory_space<vmem>>) target(%dma_start3A_115 : memref<10240x16xf32, #tpu.memory_space<vmem_shared>>) offsets(%dma_start3A_112 : memref<80xi32, #tpu.memory_space<vmem>>) semaphore(%dma_start3A_117 : memref<!tpu.dma_semaphore, #tpu.memory_space<semaphore_mem>>) {add = true}
      %add3A_118 = arith.constant 0 : i32
      %add3A_119 = arith.addi %mul3A_9, %add3A_118 : i32
      %dma_wait3A = arith.constant 0 : i32
      %dma_wait3A_120 = arith.constant 0 : i32
      %dma_wait3A_121 = tpu.memref_slice %arg6[%add3A_119, %dma_wait3A_120] : memref<250x80xi32, #tpu.memory_space<vmem>> -> memref<1x80xi32, #tpu.memory_space<vmem>>
      %dma_wait3A_122 = tpu.memref_squeeze %dma_wait3A_121 : memref<1x80xi32, #tpu.memory_space<vmem>> -> memref<80xi32, #tpu.memory_space<vmem>>
      %dma_wait3A_123 = arith.constant 0 : i32
      %dma_wait3A_124 = arith.constant 0 : i32
      %dma_wait3A_125 = tpu.memref_slice %arg9[%dma_wait3A_123, %dma_wait3A_124] : memref<10240x16xf32, #tpu.memory_space<vmem_shared>> -> memref<10240x16xf32, #tpu.memory_space<vmem_shared>>
      %dma_wait3A_126 = tpu.memref_slice %arg8[%dma_wait3A] : memref<10x!tpu.dma_semaphore, #tpu.memory_space<semaphore_mem>> -> memref<1x!tpu.dma_semaphore, #tpu.memory_space<semaphore_mem>>
      %dma_wait3A_127 = tpu.memref_squeeze %dma_wait3A_126 : memref<1x!tpu.dma_semaphore, #tpu.memory_space<semaphore_mem>> -> memref<!tpu.dma_semaphore, #tpu.memory_space<semaphore_mem>>
      tpu.wait_indirect_dma semaphore(%dma_wait3A_127 : memref<!tpu.dma_semaphore, #tpu.memory_space<semaphore_mem>>) src(%arg7 : memref<80x16xf32, #tpu.memory_space<vmem>>) dst(%dma_wait3A_125 : memref<10240x16xf32, #tpu.memory_space<vmem_shared>>)
      %add3A_128 = arith.constant 1 : i32
      %add3A_129 = arith.addi %mul3A_9, %add3A_128 : i32
      %dma_wait3A_130 = arith.constant 1 : i32
      %dma_wait3A_131 = arith.constant 0 : i32
      %dma_wait3A_132 = tpu.memref_slice %arg6[%add3A_129, %dma_wait3A_131] : memref<250x80xi32, #tpu.memory_space<vmem>> -> memref<1x80xi32, #tpu.memory_space<vmem>>
      %dma_wait3A_133 = tpu.memref_squeeze %dma_wait3A_132 : memref<1x80xi32, #tpu.memory_space<vmem>> -> memref<80xi32, #tpu.memory_space<vmem>>
      %dma_wait3A_134 = arith.constant 0 : i32
      %dma_wait3A_135 = arith.constant 0 : i32
      %dma_wait3A_136 = tpu.memref_slice %arg9[%dma_wait3A_134, %dma_wait3A_135] : memref<10240x16xf32, #tpu.memory_space<vmem_shared>> -> memref<10240x16xf32, #tpu.memory_space<vmem_shared>>
      %dma_wait3A_137 = tpu.memref_slice %arg8[%dma_wait3A_130] : memref<10x!tpu.dma_semaphore, #tpu.memory_space<semaphore_mem>> -> memref<1x!tpu.dma_semaphore, #tpu.memory_space<semaphore_mem>>
      %dma_wait3A_138 = tpu.memref_squeeze %dma_wait3A_137 : memref<1x!tpu.dma_semaphore, #tpu.memory_space<semaphore_mem>> -> memref<!tpu.dma_semaphore, #tpu.memory_space<semaphore_mem>>
      tpu.wait_indirect_dma semaphore(%dma_wait3A_138 : memref<!tpu.dma_semaphore, #tpu.memory_space<semaphore_mem>>) src(%arg7 : memref<80x16xf32, #tpu.memory_space<vmem>>) dst(%dma_wait3A_136 : memref<10240x16xf32, #tpu.memory_space<vmem_shared>>)
      %add3A_139 = arith.constant 2 : i32
      %add3A_140 = arith.addi %mul3A_9, %add3A_139 : i32
      %dma_wait3A_141 = arith.constant 2 : i32
      %dma_wait3A_142 = arith.constant 0 : i32
      %dma_wait3A_143 = tpu.memref_slice %arg6[%add3A_140, %dma_wait3A_142] : memref<250x80xi32, #tpu.memory_space<vmem>> -> memref<1x80xi32, #tpu.memory_space<vmem>>
      %dma_wait3A_144 = tpu.memref_squeeze %dma_wait3A_143 : memref<1x80xi32, #tpu.memory_space<vmem>> -> memref<80xi32, #tpu.memory_space<vmem>>
      %dma_wait3A_145 = arith.constant 0 : i32
      %dma_wait3A_146 = arith.constant 0 : i32
      %dma_wait3A_147 = tpu.memref_slice %arg9[%dma_wait3A_145, %dma_wait3A_146] : memref<10240x16xf32, #tpu.memory_space<vmem_shared>> -> memref<10240x16xf32, #tpu.memory_space<vmem_shared>>
      %dma_wait3A_148 = tpu.memref_slice %arg8[%dma_wait3A_141] : memref<10x!tpu.dma_semaphore, #tpu.memory_space<semaphore_mem>> -> memref<1x!tpu.dma_semaphore, #tpu.memory_space<semaphore_mem>>
      %dma_wait3A_149 = tpu.memref_squeeze %dma_wait3A_148 : memref<1x!tpu.dma_semaphore, #tpu.memory_space<semaphore_mem>> -> memref<!tpu.dma_semaphore, #tpu.memory_space<semaphore_mem>>
      tpu.wait_indirect_dma semaphore(%dma_wait3A_149 : memref<!tpu.dma_semaphore, #tpu.memory_space<semaphore_mem>>) src(%arg7 : memref<80x16xf32, #tpu.memory_space<vmem>>) dst(%dma_wait3A_147 : memref<10240x16xf32, #tpu.memory_space<vmem_shared>>)
      %add3A_150 = arith.constant 3 : i32
      %add3A_151 = arith.addi %mul3A_9, %add3A_150 : i32
      %dma_wait3A_152 = arith.constant 3 : i32
      %dma_wait3A_153 = arith.constant 0 : i32
      %dma_wait3A_154 = tpu.memref_slice %arg6[%add3A_151, %dma_wait3A_153] : memref<250x80xi32, #tpu.memory_space<vmem>> -> memref<1x80xi32, #tpu.memory_space<vmem>>
      %dma_wait3A_155 = tpu.memref_squeeze %dma_wait3A_154 : memref<1x80xi32, #tpu.memory_space<vmem>> -> memref<80xi32, #tpu.memory_space<vmem>>
      %dma_wait3A_156 = arith.constant 0 : i32
      %dma_wait3A_157 = arith.constant 0 : i32
      %dma_wait3A_158 = tpu.memref_slice %arg9[%dma_wait3A_156, %dma_wait3A_157] : memref<10240x16xf32, #tpu.memory_space<vmem_shared>> -> memref<10240x16xf32, #tpu.memory_space<vmem_shared>>
      %dma_wait3A_159 = tpu.memref_slice %arg8[%dma_wait3A_152] : memref<10x!tpu.dma_semaphore, #tpu.memory_space<semaphore_mem>> -> memref<1x!tpu.dma_semaphore, #tpu.memory_space<semaphore_mem>>
      %dma_wait3A_160 = tpu.memref_squeeze %dma_wait3A_159 : memref<1x!tpu.dma_semaphore, #tpu.memory_space<semaphore_mem>> -> memref<!tpu.dma_semaphore, #tpu.memory_space<semaphore_mem>>
      tpu.wait_indirect_dma semaphore(%dma_wait3A_160 : memref<!tpu.dma_semaphore, #tpu.memory_space<semaphore_mem>>) src(%arg7 : memref<80x16xf32, #tpu.memory_space<vmem>>) dst(%dma_wait3A_158 : memref<10240x16xf32, #tpu.memory_space<vmem_shared>>)
      %add3A_161 = arith.constant 4 : i32
      %add3A_162 = arith.addi %mul3A_9, %add3A_161 : i32
      %dma_wait3A_163 = arith.constant 4 : i32
      %dma_wait3A_164 = arith.constant 0 : i32
      %dma_wait3A_165 = tpu.memref_slice %arg6[%add3A_162, %dma_wait3A_164] : memref<250x80xi32, #tpu.memory_space<vmem>> -> memref<1x80xi32, #tpu.memory_space<vmem>>
      %dma_wait3A_166 = tpu.memref_squeeze %dma_wait3A_165 : memref<1x80xi32, #tpu.memory_space<vmem>> -> memref<80xi32, #tpu.memory_space<vmem>>
      %dma_wait3A_167 = arith.constant 0 : i32
      %dma_wait3A_168 = arith.constant 0 : i32
      %dma_wait3A_169 = tpu.memref_slice %arg9[%dma_wait3A_167, %dma_wait3A_168] : memref<10240x16xf32, #tpu.memory_space<vmem_shared>> -> memref<10240x16xf32, #tpu.memory_space<vmem_shared>>
      %dma_wait3A_170 = tpu.memref_slice %arg8[%dma_wait3A_163] : memref<10x!tpu.dma_semaphore, #tpu.memory_space<semaphore_mem>> -> memref<1x!tpu.dma_semaphore, #tpu.memory_space<semaphore_mem>>
      %dma_wait3A_171 = tpu.memref_squeeze %dma_wait3A_170 : memref<1x!tpu.dma_semaphore, #tpu.memory_space<semaphore_mem>> -> memref<!tpu.dma_semaphore, #tpu.memory_space<semaphore_mem>>
      tpu.wait_indirect_dma semaphore(%dma_wait3A_171 : memref<!tpu.dma_semaphore, #tpu.memory_space<semaphore_mem>>) src(%arg7 : memref<80x16xf32, #tpu.memory_space<vmem>>) dst(%dma_wait3A_169 : memref<10240x16xf32, #tpu.memory_space<vmem_shared>>)
      %add3A_172 = arith.constant 5 : i32
      %add3A_173 = arith.addi %mul3A_9, %add3A_172 : i32
      %dma_wait3A_174 = arith.constant 5 : i32
      %dma_wait3A_175 = arith.constant 0 : i32
      %dma_wait3A_176 = tpu.memref_slice %arg6[%add3A_173, %dma_wait3A_175] : memref<250x80xi32, #tpu.memory_space<vmem>> -> memref<1x80xi32, #tpu.memory_space<vmem>>
      %dma_wait3A_177 = tpu.memref_squeeze %dma_wait3A_176 : memref<1x80xi32, #tpu.memory_space<vmem>> -> memref<80xi32, #tpu.memory_space<vmem>>
      %dma_wait3A_178 = arith.constant 0 : i32
      %dma_wait3A_179 = arith.constant 0 : i32
      %dma_wait3A_180 = tpu.memref_slice %arg9[%dma_wait3A_178, %dma_wait3A_179] : memref<10240x16xf32, #tpu.memory_space<vmem_shared>> -> memref<10240x16xf32, #tpu.memory_space<vmem_shared>>
      %dma_wait3A_181 = tpu.memref_slice %arg8[%dma_wait3A_174] : memref<10x!tpu.dma_semaphore, #tpu.memory_space<semaphore_mem>> -> memref<1x!tpu.dma_semaphore, #tpu.memory_space<semaphore_mem>>
      %dma_wait3A_182 = tpu.memref_squeeze %dma_wait3A_181 : memref<1x!tpu.dma_semaphore, #tpu.memory_space<semaphore_mem>> -> memref<!tpu.dma_semaphore, #tpu.memory_space<semaphore_mem>>
      tpu.wait_indirect_dma semaphore(%dma_wait3A_182 : memref<!tpu.dma_semaphore, #tpu.memory_space<semaphore_mem>>) src(%arg7 : memref<80x16xf32, #tpu.memory_space<vmem>>) dst(%dma_wait3A_180 : memref<10240x16xf32, #tpu.memory_space<vmem_shared>>)
      %add3A_183 = arith.constant 6 : i32
      %add3A_184 = arith.addi %mul3A_9, %add3A_183 : i32
      %dma_wait3A_185 = arith.constant 6 : i32
      %dma_wait3A_186 = arith.constant 0 : i32
      %dma_wait3A_187 = tpu.memref_slice %arg6[%add3A_184, %dma_wait3A_186] : memref<250x80xi32, #tpu.memory_space<vmem>> -> memref<1x80xi32, #tpu.memory_space<vmem>>
      %dma_wait3A_188 = tpu.memref_squeeze %dma_wait3A_187 : memref<1x80xi32, #tpu.memory_space<vmem>> -> memref<80xi32, #tpu.memory_space<vmem>>
      %dma_wait3A_189 = arith.constant 0 : i32
      %dma_wait3A_190 = arith.constant 0 : i32
      %dma_wait3A_191 = tpu.memref_slice %arg9[%dma_wait3A_189, %dma_wait3A_190] : memref<10240x16xf32, #tpu.memory_space<vmem_shared>> -> memref<10240x16xf32, #tpu.memory_space<vmem_shared>>
      %dma_wait3A_192 = tpu.memref_slice %arg8[%dma_wait3A_185] : memref<10x!tpu.dma_semaphore, #tpu.memory_space<semaphore_mem>> -> memref<1x!tpu.dma_semaphore, #tpu.memory_space<semaphore_mem>>
      %dma_wait3A_193 = tpu.memref_squeeze %dma_wait3A_192 : memref<1x!tpu.dma_semaphore, #tpu.memory_space<semaphore_mem>> -> memref<!tpu.dma_semaphore, #tpu.memory_space<semaphore_mem>>
      tpu.wait_indirect_dma semaphore(%dma_wait3A_193 : memref<!tpu.dma_semaphore, #tpu.memory_space<semaphore_mem>>) src(%arg7 : memref<80x16xf32, #tpu.memory_space<vmem>>) dst(%dma_wait3A_191 : memref<10240x16xf32, #tpu.memory_space<vmem_shared>>)
      %add3A_194 = arith.constant 7 : i32
      %add3A_195 = arith.addi %mul3A_9, %add3A_194 : i32
      %dma_wait3A_196 = arith.constant 7 : i32
      %dma_wait3A_197 = arith.constant 0 : i32
      %dma_wait3A_198 = tpu.memref_slice %arg6[%add3A_195, %dma_wait3A_197] : memref<250x80xi32, #tpu.memory_space<vmem>> -> memref<1x80xi32, #tpu.memory_space<vmem>>
      %dma_wait3A_199 = tpu.memref_squeeze %dma_wait3A_198 : memref<1x80xi32, #tpu.memory_space<vmem>> -> memref<80xi32, #tpu.memory_space<vmem>>
      %dma_wait3A_200 = arith.constant 0 : i32
      %dma_wait3A_201 = arith.constant 0 : i32
      %dma_wait3A_202 = tpu.memref_slice %arg9[%dma_wait3A_200, %dma_wait3A_201] : memref<10240x16xf32, #tpu.memory_space<vmem_shared>> -> memref<10240x16xf32, #tpu.memory_space<vmem_shared>>
      %dma_wait3A_203 = tpu.memref_slice %arg8[%dma_wait3A_196] : memref<10x!tpu.dma_semaphore, #tpu.memory_space<semaphore_mem>> -> memref<1x!tpu.dma_semaphore, #tpu.memory_space<semaphore_mem>>
      %dma_wait3A_204 = tpu.memref_squeeze %dma_wait3A_203 : memref<1x!tpu.dma_semaphore, #tpu.memory_space<semaphore_mem>> -> memref<!tpu.dma_semaphore, #tpu.memory_space<semaphore_mem>>
      tpu.wait_indirect_dma semaphore(%dma_wait3A_204 : memref<!tpu.dma_semaphore, #tpu.memory_space<semaphore_mem>>) src(%arg7 : memref<80x16xf32, #tpu.memory_space<vmem>>) dst(%dma_wait3A_202 : memref<10240x16xf32, #tpu.memory_space<vmem_shared>>)
      %add3A_205 = arith.constant 8 : i32
      %add3A_206 = arith.addi %mul3A_9, %add3A_205 : i32
      %dma_wait3A_207 = arith.constant 8 : i32
      %dma_wait3A_208 = arith.constant 0 : i32
      %dma_wait3A_209 = tpu.memref_slice %arg6[%add3A_206, %dma_wait3A_208] : memref<250x80xi32, #tpu.memory_space<vmem>> -> memref<1x80xi32, #tpu.memory_space<vmem>>
      %dma_wait3A_210 = tpu.memref_squeeze %dma_wait3A_209 : memref<1x80xi32, #tpu.memory_space<vmem>> -> memref<80xi32, #tpu.memory_space<vmem>>
      %dma_wait3A_211 = arith.constant 0 : i32
      %dma_wait3A_212 = arith.constant 0 : i32
      %dma_wait3A_213 = tpu.memref_slice %arg9[%dma_wait3A_211, %dma_wait3A_212] : memref<10240x16xf32, #tpu.memory_space<vmem_shared>> -> memref<10240x16xf32, #tpu.memory_space<vmem_shared>>
      %dma_wait3A_214 = tpu.memref_slice %arg8[%dma_wait3A_207] : memref<10x!tpu.dma_semaphore, #tpu.memory_space<semaphore_mem>> -> memref<1x!tpu.dma_semaphore, #tpu.memory_space<semaphore_mem>>
      %dma_wait3A_215 = tpu.memref_squeeze %dma_wait3A_214 : memref<1x!tpu.dma_semaphore, #tpu.memory_space<semaphore_mem>> -> memref<!tpu.dma_semaphore, #tpu.memory_space<semaphore_mem>>
      tpu.wait_indirect_dma semaphore(%dma_wait3A_215 : memref<!tpu.dma_semaphore, #tpu.memory_space<semaphore_mem>>) src(%arg7 : memref<80x16xf32, #tpu.memory_space<vmem>>) dst(%dma_wait3A_213 : memref<10240x16xf32, #tpu.memory_space<vmem_shared>>)
      %add3A_216 = arith.constant 9 : i32
      %add3A_217 = arith.addi %mul3A_9, %add3A_216 : i32
      %dma_wait3A_218 = arith.constant 9 : i32
      %dma_wait3A_219 = arith.constant 0 : i32
      %dma_wait3A_220 = tpu.memref_slice %arg6[%add3A_217, %dma_wait3A_219] : memref<250x80xi32, #tpu.memory_space<vmem>> -> memref<1x80xi32, #tpu.memory_space<vmem>>
      %dma_wait3A_221 = tpu.memref_squeeze %dma_wait3A_220 : memref<1x80xi32, #tpu.memory_space<vmem>> -> memref<80xi32, #tpu.memory_space<vmem>>
      %dma_wait3A_222 = arith.constant 0 : i32
      %dma_wait3A_223 = arith.constant 0 : i32
      %dma_wait3A_224 = tpu.memref_slice %arg9[%dma_wait3A_222, %dma_wait3A_223] : memref<10240x16xf32, #tpu.memory_space<vmem_shared>> -> memref<10240x16xf32, #tpu.memory_space<vmem_shared>>
      %dma_wait3A_225 = tpu.memref_slice %arg8[%dma_wait3A_218] : memref<10x!tpu.dma_semaphore, #tpu.memory_space<semaphore_mem>> -> memref<1x!tpu.dma_semaphore, #tpu.memory_space<semaphore_mem>>
      %dma_wait3A_226 = tpu.memref_squeeze %dma_wait3A_225 : memref<1x!tpu.dma_semaphore, #tpu.memory_space<semaphore_mem>> -> memref<!tpu.dma_semaphore, #tpu.memory_space<semaphore_mem>>
      tpu.wait_indirect_dma semaphore(%dma_wait3A_226 : memref<!tpu.dma_semaphore, #tpu.memory_space<semaphore_mem>>) src(%arg7 : memref<80x16xf32, #tpu.memory_space<vmem>>) dst(%dma_wait3A_224 : memref<10240x16xf32, #tpu.memory_space<vmem_shared>>)
    }
    %scan3A_5 = arith.constant 25 : i32
    %barrier3A_6 = arith.constant 0 : index
    tpu.barrier barrier_id(%barrier3A_6)
    "tpu.region"() ({
      %run_scoped3A = tpu.sem_alloc : memref<!tpu.dma_semaphore, #tpu.memory_space<semaphore_mem>>
      %dma_start3A = arith.constant 0 : i32
      %dma_start3A_7 = tpu.memref_slice %arg5[%arg0, %mul3A_0, %dma_start3A] : memref<2x10240x16xf32, #tpu.memory_space<hbm>> -> memref<1x640x16xf32, #tpu.memory_space<hbm>>
      %dma_start3A_8 = tpu.memref_squeeze %dma_start3A_7 : memref<1x640x16xf32, #tpu.memory_space<hbm>> -> memref<640x16xf32, #tpu.memory_space<hbm>>
      %dma_start3A_9 = arith.constant 0 : i32
      %dma_start3A_10 = tpu.memref_slice %arg9[%mul3A_0, %dma_start3A_9] : memref<10240x16xf32, #tpu.memory_space<vmem_shared>> -> memref<640x16xf32, #tpu.memory_space<vmem_shared>>
      tpu.enqueue_dma source(%dma_start3A_10 : memref<640x16xf32, #tpu.memory_space<vmem_shared>>) target(%dma_start3A_8 : memref<640x16xf32, #tpu.memory_space<hbm>>) target_semaphore(%run_scoped3A : memref<!tpu.dma_semaphore, #tpu.memory_space<semaphore_mem>>)
      %dma_wait3A = arith.constant 0 : i32
      %dma_wait3A_11 = tpu.memref_slice %arg5[%arg0, %mul3A_0, %dma_wait3A] : memref<2x10240x16xf32, #tpu.memory_space<hbm>> -> memref<1x640x16xf32, #tpu.memory_space<hbm>>
      %dma_wait3A_12 = tpu.memref_squeeze %dma_wait3A_11 : memref<1x640x16xf32, #tpu.memory_space<hbm>> -> memref<640x16xf32, #tpu.memory_space<hbm>>
      %dma_wait3A_13 = arith.constant 0 : i32
      %dma_wait3A_14 = tpu.memref_slice %arg9[%mul3A_0, %dma_wait3A_13] : memref<10240x16xf32, #tpu.memory_space<vmem_shared>> -> memref<640x16xf32, #tpu.memory_space<vmem_shared>>
      tpu.wait_dma2 semaphore(%run_scoped3A : memref<!tpu.dma_semaphore, #tpu.memory_space<semaphore_mem>>) src(%dma_wait3A_14 : memref<640x16xf32, #tpu.memory_space<vmem_shared>>) dst(%dma_wait3A_12 : memref<640x16xf32, #tpu.memory_space<hbm>>)
      tpu.yield
    }) : () -> ()
    return
  }
}

#map = affine_map<(d0, d1) -> (0, 0, 0)>
#map1 = affine_map<(d0, d1) -> (0, 0)>
module attributes {stable_mosaic.version = 14 : i64} {
  func.func @_aggf_body(%arg0: i32, %arg1: i32, %arg2: memref<2x10000x64xf32, #tpu.memory_space<hbm>>, %arg3: memref<16x160x128xi32, #tpu.memory_space<hbm>>, %arg4: memref<16x160x128xi32, #tpu.memory_space<hbm>>, %arg5: memref<640x64xf32, #tpu.memory_space<hbm>>, %arg6: memref<10240x16xf32, #tpu.memory_space<hbm>>, %arg7: memref<10240x128xf32, #tpu.memory_space<hbm>>, %arg8: memref<160x128xi32, #tpu.memory_space<vmem>>, %arg9: memref<160x128xi32, #tpu.memory_space<vmem>>, %arg10: memref<4x128x64xf32, #tpu.memory_space<vmem>>, %arg11: memref<4x!tpu.dma_semaphore, #tpu.memory_space<semaphore_mem>>, %arg12: memref<4x!tpu.dma_semaphore, #tpu.memory_space<semaphore_mem>>, %arg13: memref<128x16xf32, #tpu.memory_space<vmem>>, %arg14: memref<128x64xf32, #tpu.memory_space<vmem>>, %arg15: memref<10240x64xf32, #tpu.memory_space<vmem_shared>>) attributes {dimension_semantics = [#tpu.dimension_semantics<core_parallel>, #tpu.dimension_semantics<subcore_parallel>], iteration_bounds = array<i64: 2, 16>, scalar_prefetch = 0 : i64, scratch_operands = 8 : i64, tpu.core_type = #tpu.core_type<sc_vector_subcore>, window_params = [{transform_indices = #map}, {transform_indices = #map}, {transform_indices = #map}, {transform_indices = #map1}, {transform_indices = #map1}, {transform_indices = #map1}]} {
    "tpu.region"() ({
      %run_scoped3A = tpu.sem_alloc : memref<!tpu.dma_semaphore, #tpu.memory_space<semaphore_mem>>
      %dma_start3A_88 = arith.constant 0 : i32
      %dma_start3A_89 = arith.constant 0 : i32
      %dma_start3A_90 = tpu.memref_slice %arg3[%arg1, %dma_start3A_88, %dma_start3A_89] : memref<16x160x128xi32, #tpu.memory_space<hbm>> -> memref<1x160x128xi32, #tpu.memory_space<hbm>>
      %dma_start3A_91 = tpu.memref_squeeze %dma_start3A_90 : memref<1x160x128xi32, #tpu.memory_space<hbm>> -> memref<160x128xi32, #tpu.memory_space<hbm>>
      %dma_start3A_92 = arith.constant 0 : i32
      %dma_start3A_93 = arith.constant 0 : i32
      %dma_start3A_94 = tpu.memref_slice %arg3[%arg1, %dma_start3A_92, %dma_start3A_93] : memref<16x160x128xi32, #tpu.memory_space<hbm>> -> memref<1x160x128xi32, #tpu.memory_space<hbm>>
      %dma_start3A_95 = tpu.memref_squeeze %dma_start3A_94 : memref<1x160x128xi32, #tpu.memory_space<hbm>> -> memref<160x128xi32, #tpu.memory_space<hbm>>
      tpu.enqueue_dma source(%dma_start3A_95 : memref<160x128xi32, #tpu.memory_space<hbm>>) target(%arg8 : memref<160x128xi32, #tpu.memory_space<vmem>>) target_semaphore(%run_scoped3A : memref<!tpu.dma_semaphore, #tpu.memory_space<semaphore_mem>>)
      %dma_wait3A = arith.constant 0 : i32
      %dma_wait3A_96 = arith.constant 0 : i32
      %dma_wait3A_97 = tpu.memref_slice %arg3[%arg1, %dma_wait3A, %dma_wait3A_96] : memref<16x160x128xi32, #tpu.memory_space<hbm>> -> memref<1x160x128xi32, #tpu.memory_space<hbm>>
      %dma_wait3A_98 = tpu.memref_squeeze %dma_wait3A_97 : memref<1x160x128xi32, #tpu.memory_space<hbm>> -> memref<160x128xi32, #tpu.memory_space<hbm>>
      %dma_wait3A_99 = arith.constant 0 : i32
      %dma_wait3A_100 = arith.constant 0 : i32
      %dma_wait3A_101 = tpu.memref_slice %arg3[%arg1, %dma_wait3A_99, %dma_wait3A_100] : memref<16x160x128xi32, #tpu.memory_space<hbm>> -> memref<1x160x128xi32, #tpu.memory_space<hbm>>
      %dma_wait3A_102 = tpu.memref_squeeze %dma_wait3A_101 : memref<1x160x128xi32, #tpu.memory_space<hbm>> -> memref<160x128xi32, #tpu.memory_space<hbm>>
      tpu.wait_dma2 semaphore(%run_scoped3A : memref<!tpu.dma_semaphore, #tpu.memory_space<semaphore_mem>>) src(%dma_wait3A_102 : memref<160x128xi32, #tpu.memory_space<hbm>>) dst(%arg8 : memref<160x128xi32, #tpu.memory_space<vmem>>)
      tpu.yield
    }) : () -> ()
    "tpu.region"() ({
      %run_scoped3A = tpu.sem_alloc : memref<!tpu.dma_semaphore, #tpu.memory_space<semaphore_mem>>
      %dma_start3A_88 = arith.constant 0 : i32
      %dma_start3A_89 = arith.constant 0 : i32
      %dma_start3A_90 = tpu.memref_slice %arg4[%arg1, %dma_start3A_88, %dma_start3A_89] : memref<16x160x128xi32, #tpu.memory_space<hbm>> -> memref<1x160x128xi32, #tpu.memory_space<hbm>>
      %dma_start3A_91 = tpu.memref_squeeze %dma_start3A_90 : memref<1x160x128xi32, #tpu.memory_space<hbm>> -> memref<160x128xi32, #tpu.memory_space<hbm>>
      %dma_start3A_92 = arith.constant 0 : i32
      %dma_start3A_93 = arith.constant 0 : i32
      %dma_start3A_94 = tpu.memref_slice %arg4[%arg1, %dma_start3A_92, %dma_start3A_93] : memref<16x160x128xi32, #tpu.memory_space<hbm>> -> memref<1x160x128xi32, #tpu.memory_space<hbm>>
      %dma_start3A_95 = tpu.memref_squeeze %dma_start3A_94 : memref<1x160x128xi32, #tpu.memory_space<hbm>> -> memref<160x128xi32, #tpu.memory_space<hbm>>
      tpu.enqueue_dma source(%dma_start3A_95 : memref<160x128xi32, #tpu.memory_space<hbm>>) target(%arg9 : memref<160x128xi32, #tpu.memory_space<vmem>>) target_semaphore(%run_scoped3A : memref<!tpu.dma_semaphore, #tpu.memory_space<semaphore_mem>>)
      %dma_wait3A = arith.constant 0 : i32
      %dma_wait3A_96 = arith.constant 0 : i32
      %dma_wait3A_97 = tpu.memref_slice %arg4[%arg1, %dma_wait3A, %dma_wait3A_96] : memref<16x160x128xi32, #tpu.memory_space<hbm>> -> memref<1x160x128xi32, #tpu.memory_space<hbm>>
      %dma_wait3A_98 = tpu.memref_squeeze %dma_wait3A_97 : memref<1x160x128xi32, #tpu.memory_space<hbm>> -> memref<160x128xi32, #tpu.memory_space<hbm>>
      %dma_wait3A_99 = arith.constant 0 : i32
      %dma_wait3A_100 = arith.constant 0 : i32
      %dma_wait3A_101 = tpu.memref_slice %arg4[%arg1, %dma_wait3A_99, %dma_wait3A_100] : memref<16x160x128xi32, #tpu.memory_space<hbm>> -> memref<1x160x128xi32, #tpu.memory_space<hbm>>
      %dma_wait3A_102 = tpu.memref_squeeze %dma_wait3A_101 : memref<1x160x128xi32, #tpu.memory_space<hbm>> -> memref<160x128xi32, #tpu.memory_space<hbm>>
      tpu.wait_dma2 semaphore(%run_scoped3A : memref<!tpu.dma_semaphore, #tpu.memory_space<semaphore_mem>>) src(%dma_wait3A_102 : memref<160x128xi32, #tpu.memory_space<hbm>>) dst(%arg9 : memref<160x128xi32, #tpu.memory_space<vmem>>)
      tpu.yield
    }) : () -> ()
    %mul3A = arith.constant 640 : i32
    %mul3A_0 = arith.muli %arg1, %mul3A : i32
    "tpu.region"() ({
      %run_scoped3A = tpu.sem_alloc : memref<!tpu.dma_semaphore, #tpu.memory_space<semaphore_mem>>
      %dma_start3A_88 = arith.constant 0 : i32
      %dma_start3A_89 = tpu.memref_slice %arg15[%mul3A_0, %dma_start3A_88] : memref<10240x64xf32, #tpu.memory_space<vmem_shared>> -> memref<640x64xf32, #tpu.memory_space<vmem_shared>>
      tpu.enqueue_dma source(%arg5 : memref<640x64xf32, #tpu.memory_space<hbm>>) target(%dma_start3A_89 : memref<640x64xf32, #tpu.memory_space<vmem_shared>>) target_semaphore(%run_scoped3A : memref<!tpu.dma_semaphore, #tpu.memory_space<semaphore_mem>>)
      %dma_wait3A = arith.constant 0 : i32
      %dma_wait3A_90 = tpu.memref_slice %arg15[%mul3A_0, %dma_wait3A] : memref<10240x64xf32, #tpu.memory_space<vmem_shared>> -> memref<640x64xf32, #tpu.memory_space<vmem_shared>>
      tpu.wait_dma2 semaphore(%run_scoped3A : memref<!tpu.dma_semaphore, #tpu.memory_space<semaphore_mem>>) src(%arg5 : memref<640x64xf32, #tpu.memory_space<hbm>>) dst(%dma_wait3A_90 : memref<640x64xf32, #tpu.memory_space<vmem_shared>>)
      tpu.yield
    }) : () -> ()
    %barrier3A = arith.constant 0 : index
    tpu.barrier barrier_id(%barrier3A)
    %dma_start3A = arith.constant 0 : i32
    %dma_start3A_1 = arith.constant 0 : i32
    %dma_start3A_2 = arith.constant 0 : i32
    %dma_start3A_3 = arith.constant 0 : i32
    %dma_start3A_4 = arith.constant 0 : i32
    %dma_start3A_5 = tpu.memref_slice %arg10[%dma_start3A_1, %dma_start3A_3, %dma_start3A_4] : memref<4x128x64xf32, #tpu.memory_space<vmem>> -> memref<1x128x64xf32, #tpu.memory_space<vmem>>
    %dma_start3A_6 = tpu.memref_squeeze %dma_start3A_5 : memref<1x128x64xf32, #tpu.memory_space<vmem>> -> memref<128x64xf32, #tpu.memory_space<vmem>>
    %dma_start3A_7 = arith.constant 0 : i32
    %dma_start3A_8 = tpu.memref_slice %arg8[%dma_start3A, %dma_start3A_7] : memref<160x128xi32, #tpu.memory_space<vmem>> -> memref<1x128xi32, #tpu.memory_space<vmem>>
    %dma_start3A_9 = tpu.memref_squeeze %dma_start3A_8 : memref<1x128xi32, #tpu.memory_space<vmem>> -> memref<128xi32, #tpu.memory_space<vmem>>
    %dma_start3A_10 = arith.constant 0 : i32
    %dma_start3A_11 = arith.constant 0 : i32
    %dma_start3A_12 = tpu.memref_slice %arg2[%arg0, %dma_start3A_10, %dma_start3A_11] : memref<2x10000x64xf32, #tpu.memory_space<hbm>> -> memref<1x10000x64xf32, #tpu.memory_space<hbm>>
    %dma_start3A_13 = tpu.memref_squeeze %dma_start3A_12 : memref<1x10000x64xf32, #tpu.memory_space<hbm>> -> memref<10000x64xf32, #tpu.memory_space<hbm>>
    %dma_start3A_14 = arith.constant 0 : i32
    %dma_start3A_15 = arith.constant 0 : i32
    %dma_start3A_16 = tpu.memref_slice %dma_start3A_13[%dma_start3A_14, %dma_start3A_15] : memref<10000x64xf32, #tpu.memory_space<hbm>> -> memref<10000x64xf32, #tpu.memory_space<hbm>>
    %dma_start3A_17 = tpu.memref_slice %arg11[%dma_start3A_2] : memref<4x!tpu.dma_semaphore, #tpu.memory_space<semaphore_mem>> -> memref<1x!tpu.dma_semaphore, #tpu.memory_space<semaphore_mem>>
    %dma_start3A_18 = tpu.memref_squeeze %dma_start3A_17 : memref<1x!tpu.dma_semaphore, #tpu.memory_space<semaphore_mem>> -> memref<!tpu.dma_semaphore, #tpu.memory_space<semaphore_mem>>
    tpu.enqueue_indirect_dma source(%dma_start3A_16 : memref<10000x64xf32, #tpu.memory_space<hbm>>) target(%dma_start3A_6 : memref<128x64xf32, #tpu.memory_space<vmem>>) offsets(%dma_start3A_9 : memref<128xi32, #tpu.memory_space<vmem>>) semaphore(%dma_start3A_18 : memref<!tpu.dma_semaphore, #tpu.memory_space<semaphore_mem>>)
    %dma_start3A_19 = arith.constant 1 : i32
    %dma_start3A_20 = arith.constant 1 : i32
    %dma_start3A_21 = arith.constant 1 : i32
    %dma_start3A_22 = arith.constant 0 : i32
    %dma_start3A_23 = arith.constant 0 : i32
    %dma_start3A_24 = tpu.memref_slice %arg10[%dma_start3A_20, %dma_start3A_22, %dma_start3A_23] : memref<4x128x64xf32, #tpu.memory_space<vmem>> -> memref<1x128x64xf32, #tpu.memory_space<vmem>>
    %dma_start3A_25 = tpu.memref_squeeze %dma_start3A_24 : memref<1x128x64xf32, #tpu.memory_space<vmem>> -> memref<128x64xf32, #tpu.memory_space<vmem>>
    %dma_start3A_26 = arith.constant 0 : i32
    %dma_start3A_27 = tpu.memref_slice %arg8[%dma_start3A_19, %dma_start3A_26] : memref<160x128xi32, #tpu.memory_space<vmem>> -> memref<1x128xi32, #tpu.memory_space<vmem>>
    %dma_start3A_28 = tpu.memref_squeeze %dma_start3A_27 : memref<1x128xi32, #tpu.memory_space<vmem>> -> memref<128xi32, #tpu.memory_space<vmem>>
    %dma_start3A_29 = arith.constant 0 : i32
    %dma_start3A_30 = arith.constant 0 : i32
    %dma_start3A_31 = tpu.memref_slice %arg2[%arg0, %dma_start3A_29, %dma_start3A_30] : memref<2x10000x64xf32, #tpu.memory_space<hbm>> -> memref<1x10000x64xf32, #tpu.memory_space<hbm>>
    %dma_start3A_32 = tpu.memref_squeeze %dma_start3A_31 : memref<1x10000x64xf32, #tpu.memory_space<hbm>> -> memref<10000x64xf32, #tpu.memory_space<hbm>>
    %dma_start3A_33 = arith.constant 0 : i32
    %dma_start3A_34 = arith.constant 0 : i32
    %dma_start3A_35 = tpu.memref_slice %dma_start3A_32[%dma_start3A_33, %dma_start3A_34] : memref<10000x64xf32, #tpu.memory_space<hbm>> -> memref<10000x64xf32, #tpu.memory_space<hbm>>
    %dma_start3A_36 = tpu.memref_slice %arg11[%dma_start3A_21] : memref<4x!tpu.dma_semaphore, #tpu.memory_space<semaphore_mem>> -> memref<1x!tpu.dma_semaphore, #tpu.memory_space<semaphore_mem>>
    %dma_start3A_37 = tpu.memref_squeeze %dma_start3A_36 : memref<1x!tpu.dma_semaphore, #tpu.memory_space<semaphore_mem>> -> memref<!tpu.dma_semaphore, #tpu.memory_space<semaphore_mem>>
    tpu.enqueue_indirect_dma source(%dma_start3A_35 : memref<10000x64xf32, #tpu.memory_space<hbm>>) target(%dma_start3A_25 : memref<128x64xf32, #tpu.memory_space<vmem>>) offsets(%dma_start3A_28 : memref<128xi32, #tpu.memory_space<vmem>>) semaphore(%dma_start3A_37 : memref<!tpu.dma_semaphore, #tpu.memory_space<semaphore_mem>>)
    %dma_start3A_38 = arith.constant 2 : i32
    %dma_start3A_39 = arith.constant 2 : i32
    %dma_start3A_40 = arith.constant 2 : i32
    %dma_start3A_41 = arith.constant 0 : i32
    %dma_start3A_42 = arith.constant 0 : i32
    %dma_start3A_43 = tpu.memref_slice %arg10[%dma_start3A_39, %dma_start3A_41, %dma_start3A_42] : memref<4x128x64xf32, #tpu.memory_space<vmem>> -> memref<1x128x64xf32, #tpu.memory_space<vmem>>
    %dma_start3A_44 = tpu.memref_squeeze %dma_start3A_43 : memref<1x128x64xf32, #tpu.memory_space<vmem>> -> memref<128x64xf32, #tpu.memory_space<vmem>>
    %dma_start3A_45 = arith.constant 0 : i32
    %dma_start3A_46 = tpu.memref_slice %arg8[%dma_start3A_38, %dma_start3A_45] : memref<160x128xi32, #tpu.memory_space<vmem>> -> memref<1x128xi32, #tpu.memory_space<vmem>>
    %dma_start3A_47 = tpu.memref_squeeze %dma_start3A_46 : memref<1x128xi32, #tpu.memory_space<vmem>> -> memref<128xi32, #tpu.memory_space<vmem>>
    %dma_start3A_48 = arith.constant 0 : i32
    %dma_start3A_49 = arith.constant 0 : i32
    %dma_start3A_50 = tpu.memref_slice %arg2[%arg0, %dma_start3A_48, %dma_start3A_49] : memref<2x10000x64xf32, #tpu.memory_space<hbm>> -> memref<1x10000x64xf32, #tpu.memory_space<hbm>>
    %dma_start3A_51 = tpu.memref_squeeze %dma_start3A_50 : memref<1x10000x64xf32, #tpu.memory_space<hbm>> -> memref<10000x64xf32, #tpu.memory_space<hbm>>
    %dma_start3A_52 = arith.constant 0 : i32
    %dma_start3A_53 = arith.constant 0 : i32
    %dma_start3A_54 = tpu.memref_slice %dma_start3A_51[%dma_start3A_52, %dma_start3A_53] : memref<10000x64xf32, #tpu.memory_space<hbm>> -> memref<10000x64xf32, #tpu.memory_space<hbm>>
    %dma_start3A_55 = tpu.memref_slice %arg11[%dma_start3A_40] : memref<4x!tpu.dma_semaphore, #tpu.memory_space<semaphore_mem>> -> memref<1x!tpu.dma_semaphore, #tpu.memory_space<semaphore_mem>>
    %dma_start3A_56 = tpu.memref_squeeze %dma_start3A_55 : memref<1x!tpu.dma_semaphore, #tpu.memory_space<semaphore_mem>> -> memref<!tpu.dma_semaphore, #tpu.memory_space<semaphore_mem>>
    tpu.enqueue_indirect_dma source(%dma_start3A_54 : memref<10000x64xf32, #tpu.memory_space<hbm>>) target(%dma_start3A_44 : memref<128x64xf32, #tpu.memory_space<vmem>>) offsets(%dma_start3A_47 : memref<128xi32, #tpu.memory_space<vmem>>) semaphore(%dma_start3A_56 : memref<!tpu.dma_semaphore, #tpu.memory_space<semaphore_mem>>)
    %dma_start3A_57 = arith.constant 3 : i32
    %dma_start3A_58 = arith.constant 3 : i32
    %dma_start3A_59 = arith.constant 3 : i32
    %dma_start3A_60 = arith.constant 0 : i32
    %dma_start3A_61 = arith.constant 0 : i32
    %dma_start3A_62 = tpu.memref_slice %arg10[%dma_start3A_58, %dma_start3A_60, %dma_start3A_61] : memref<4x128x64xf32, #tpu.memory_space<vmem>> -> memref<1x128x64xf32, #tpu.memory_space<vmem>>
    %dma_start3A_63 = tpu.memref_squeeze %dma_start3A_62 : memref<1x128x64xf32, #tpu.memory_space<vmem>> -> memref<128x64xf32, #tpu.memory_space<vmem>>
    %dma_start3A_64 = arith.constant 0 : i32
    %dma_start3A_65 = tpu.memref_slice %arg8[%dma_start3A_57, %dma_start3A_64] : memref<160x128xi32, #tpu.memory_space<vmem>> -> memref<1x128xi32, #tpu.memory_space<vmem>>
    %dma_start3A_66 = tpu.memref_squeeze %dma_start3A_65 : memref<1x128xi32, #tpu.memory_space<vmem>> -> memref<128xi32, #tpu.memory_space<vmem>>
    %dma_start3A_67 = arith.constant 0 : i32
    %dma_start3A_68 = arith.constant 0 : i32
    %dma_start3A_69 = tpu.memref_slice %arg2[%arg0, %dma_start3A_67, %dma_start3A_68] : memref<2x10000x64xf32, #tpu.memory_space<hbm>> -> memref<1x10000x64xf32, #tpu.memory_space<hbm>>
    %dma_start3A_70 = tpu.memref_squeeze %dma_start3A_69 : memref<1x10000x64xf32, #tpu.memory_space<hbm>> -> memref<10000x64xf32, #tpu.memory_space<hbm>>
    %dma_start3A_71 = arith.constant 0 : i32
    %dma_start3A_72 = arith.constant 0 : i32
    %dma_start3A_73 = tpu.memref_slice %dma_start3A_70[%dma_start3A_71, %dma_start3A_72] : memref<10000x64xf32, #tpu.memory_space<hbm>> -> memref<10000x64xf32, #tpu.memory_space<hbm>>
    %dma_start3A_74 = tpu.memref_slice %arg11[%dma_start3A_59] : memref<4x!tpu.dma_semaphore, #tpu.memory_space<semaphore_mem>> -> memref<1x!tpu.dma_semaphore, #tpu.memory_space<semaphore_mem>>
    %dma_start3A_75 = tpu.memref_squeeze %dma_start3A_74 : memref<1x!tpu.dma_semaphore, #tpu.memory_space<semaphore_mem>> -> memref<!tpu.dma_semaphore, #tpu.memory_space<semaphore_mem>>
    tpu.enqueue_indirect_dma source(%dma_start3A_73 : memref<10000x64xf32, #tpu.memory_space<hbm>>) target(%dma_start3A_63 : memref<128x64xf32, #tpu.memory_space<vmem>>) offsets(%dma_start3A_66 : memref<128xi32, #tpu.memory_space<vmem>>) semaphore(%dma_start3A_75 : memref<!tpu.dma_semaphore, #tpu.memory_space<semaphore_mem>>)
    %scan3A = arith.constant 0 : i32
    %scan3A_76 = arith.constant 0 : i32
    %scan3A_77 = arith.constant 40 : i32
    %scan3A_78 = arith.addi %scan3A_76, %scan3A_77 : i32
    %scan3A_79 = arith.constant 1 : i32
    scf.for %scan3A_88 = %scan3A_76 to %scan3A_78 step %scan3A_79  : i32 {
      %mul3A_89 = arith.constant 4 : i32
      %mul3A_90 = arith.muli %scan3A_88, %mul3A_89 : i32
      %add3A = arith.constant 0 : i32
      %add3A_91 = arith.addi %mul3A_90, %add3A : i32
      %dma_wait3A = arith.constant 0 : i32
      %dma_wait3A_92 = arith.constant 0 : i32
      %dma_wait3A_93 = arith.constant 0 : i32
      %dma_wait3A_94 = arith.constant 0 : i32
      %dma_wait3A_95 = tpu.memref_slice %arg10[%dma_wait3A, %dma_wait3A_93, %dma_wait3A_94] : memref<4x128x64xf32, #tpu.memory_space<vmem>> -> memref<1x128x64xf32, #tpu.memory_space<vmem>>
      %dma_wait3A_96 = tpu.memref_squeeze %dma_wait3A_95 : memref<1x128x64xf32, #tpu.memory_space<vmem>> -> memref<128x64xf32, #tpu.memory_space<vmem>>
      %dma_wait3A_97 = arith.constant 0 : i32
      %dma_wait3A_98 = tpu.memref_slice %arg8[%add3A_91, %dma_wait3A_97] : memref<160x128xi32, #tpu.memory_space<vmem>> -> memref<1x128xi32, #tpu.memory_space<vmem>>
      %dma_wait3A_99 = tpu.memref_squeeze %dma_wait3A_98 : memref<1x128xi32, #tpu.memory_space<vmem>> -> memref<128xi32, #tpu.memory_space<vmem>>
      %dma_wait3A_100 = arith.constant 0 : i32
      %dma_wait3A_101 = arith.constant 0 : i32
      %dma_wait3A_102 = tpu.memref_slice %arg2[%arg0, %dma_wait3A_100, %dma_wait3A_101] : memref<2x10000x64xf32, #tpu.memory_space<hbm>> -> memref<1x10000x64xf32, #tpu.memory_space<hbm>>
      %dma_wait3A_103 = tpu.memref_squeeze %dma_wait3A_102 : memref<1x10000x64xf32, #tpu.memory_space<hbm>> -> memref<10000x64xf32, #tpu.memory_space<hbm>>
      %dma_wait3A_104 = arith.constant 0 : i32
      %dma_wait3A_105 = arith.constant 0 : i32
      %dma_wait3A_106 = tpu.memref_slice %dma_wait3A_103[%dma_wait3A_104, %dma_wait3A_105] : memref<10000x64xf32, #tpu.memory_space<hbm>> -> memref<10000x64xf32, #tpu.memory_space<hbm>>
      %dma_wait3A_107 = tpu.memref_slice %arg11[%dma_wait3A_92] : memref<4x!tpu.dma_semaphore, #tpu.memory_space<semaphore_mem>> -> memref<1x!tpu.dma_semaphore, #tpu.memory_space<semaphore_mem>>
      %dma_wait3A_108 = tpu.memref_squeeze %dma_wait3A_107 : memref<1x!tpu.dma_semaphore, #tpu.memory_space<semaphore_mem>> -> memref<!tpu.dma_semaphore, #tpu.memory_space<semaphore_mem>>
      tpu.wait_indirect_dma semaphore(%dma_wait3A_108 : memref<!tpu.dma_semaphore, #tpu.memory_space<semaphore_mem>>) src(%dma_wait3A_106 : memref<10000x64xf32, #tpu.memory_space<hbm>>) dst(%dma_wait3A_96 : memref<128x64xf32, #tpu.memory_space<vmem>>)
      %dma_start3A_109 = arith.constant 0 : i32
      %dma_start3A_110 = arith.constant 0 : i32
      %dma_start3A_111 = arith.constant 0 : i32
      %dma_start3A_112 = arith.constant 0 : i32
      %dma_start3A_113 = tpu.memref_slice %arg10[%dma_start3A_109, %dma_start3A_111, %dma_start3A_112] : memref<4x128x64xf32, #tpu.memory_space<vmem>> -> memref<1x128x64xf32, #tpu.memory_space<vmem>>
      %dma_start3A_114 = tpu.memref_squeeze %dma_start3A_113 : memref<1x128x64xf32, #tpu.memory_space<vmem>> -> memref<128x64xf32, #tpu.memory_space<vmem>>
      %dma_start3A_115 = arith.constant 0 : i32
      %dma_start3A_116 = tpu.memref_slice %arg9[%add3A_91, %dma_start3A_115] : memref<160x128xi32, #tpu.memory_space<vmem>> -> memref<1x128xi32, #tpu.memory_space<vmem>>
      %dma_start3A_117 = tpu.memref_squeeze %dma_start3A_116 : memref<1x128xi32, #tpu.memory_space<vmem>> -> memref<128xi32, #tpu.memory_space<vmem>>
      %dma_start3A_118 = arith.constant 0 : i32
      %dma_start3A_119 = arith.constant 0 : i32
      %dma_start3A_120 = tpu.memref_slice %arg15[%dma_start3A_118, %dma_start3A_119] : memref<10240x64xf32, #tpu.memory_space<vmem_shared>> -> memref<10240x64xf32, #tpu.memory_space<vmem_shared>>
      %dma_start3A_121 = tpu.memref_slice %arg12[%dma_start3A_110] : memref<4x!tpu.dma_semaphore, #tpu.memory_space<semaphore_mem>> -> memref<1x!tpu.dma_semaphore, #tpu.memory_space<semaphore_mem>>
      %dma_start3A_122 = tpu.memref_squeeze %dma_start3A_121 : memref<1x!tpu.dma_semaphore, #tpu.memory_space<semaphore_mem>> -> memref<!tpu.dma_semaphore, #tpu.memory_space<semaphore_mem>>
      tpu.enqueue_indirect_dma source(%dma_start3A_114 : memref<128x64xf32, #tpu.memory_space<vmem>>) target(%dma_start3A_120 : memref<10240x64xf32, #tpu.memory_space<vmem_shared>>) offsets(%dma_start3A_117 : memref<128xi32, #tpu.memory_space<vmem>>) semaphore(%dma_start3A_122 : memref<!tpu.dma_semaphore, #tpu.memory_space<semaphore_mem>>) {add = true}
      %add3A_123 = arith.constant 1 : i32
      %add3A_124 = arith.addi %mul3A_90, %add3A_123 : i32
      %dma_wait3A_125 = arith.constant 1 : i32
      %dma_wait3A_126 = arith.constant 1 : i32
      %dma_wait3A_127 = arith.constant 0 : i32
      %dma_wait3A_128 = arith.constant 0 : i32
      %dma_wait3A_129 = tpu.memref_slice %arg10[%dma_wait3A_125, %dma_wait3A_127, %dma_wait3A_128] : memref<4x128x64xf32, #tpu.memory_space<vmem>> -> memref<1x128x64xf32, #tpu.memory_space<vmem>>
      %dma_wait3A_130 = tpu.memref_squeeze %dma_wait3A_129 : memref<1x128x64xf32, #tpu.memory_space<vmem>> -> memref<128x64xf32, #tpu.memory_space<vmem>>
      %dma_wait3A_131 = arith.constant 0 : i32
      %dma_wait3A_132 = tpu.memref_slice %arg8[%add3A_124, %dma_wait3A_131] : memref<160x128xi32, #tpu.memory_space<vmem>> -> memref<1x128xi32, #tpu.memory_space<vmem>>
      %dma_wait3A_133 = tpu.memref_squeeze %dma_wait3A_132 : memref<1x128xi32, #tpu.memory_space<vmem>> -> memref<128xi32, #tpu.memory_space<vmem>>
      %dma_wait3A_134 = arith.constant 0 : i32
      %dma_wait3A_135 = arith.constant 0 : i32
      %dma_wait3A_136 = tpu.memref_slice %arg2[%arg0, %dma_wait3A_134, %dma_wait3A_135] : memref<2x10000x64xf32, #tpu.memory_space<hbm>> -> memref<1x10000x64xf32, #tpu.memory_space<hbm>>
      %dma_wait3A_137 = tpu.memref_squeeze %dma_wait3A_136 : memref<1x10000x64xf32, #tpu.memory_space<hbm>> -> memref<10000x64xf32, #tpu.memory_space<hbm>>
      %dma_wait3A_138 = arith.constant 0 : i32
      %dma_wait3A_139 = arith.constant 0 : i32
      %dma_wait3A_140 = tpu.memref_slice %dma_wait3A_137[%dma_wait3A_138, %dma_wait3A_139] : memref<10000x64xf32, #tpu.memory_space<hbm>> -> memref<10000x64xf32, #tpu.memory_space<hbm>>
      %dma_wait3A_141 = tpu.memref_slice %arg11[%dma_wait3A_126] : memref<4x!tpu.dma_semaphore, #tpu.memory_space<semaphore_mem>> -> memref<1x!tpu.dma_semaphore, #tpu.memory_space<semaphore_mem>>
      %dma_wait3A_142 = tpu.memref_squeeze %dma_wait3A_141 : memref<1x!tpu.dma_semaphore, #tpu.memory_space<semaphore_mem>> -> memref<!tpu.dma_semaphore, #tpu.memory_space<semaphore_mem>>
      tpu.wait_indirect_dma semaphore(%dma_wait3A_142 : memref<!tpu.dma_semaphore, #tpu.memory_space<semaphore_mem>>) src(%dma_wait3A_140 : memref<10000x64xf32, #tpu.memory_space<hbm>>) dst(%dma_wait3A_130 : memref<128x64xf32, #tpu.memory_space<vmem>>)
      %dma_start3A_143 = arith.constant 1 : i32
      %dma_start3A_144 = arith.constant 1 : i32
      %dma_start3A_145 = arith.constant 0 : i32
      %dma_start3A_146 = arith.constant 0 : i32
      %dma_start3A_147 = tpu.memref_slice %arg10[%dma_start3A_143, %dma_start3A_145, %dma_start3A_146] : memref<4x128x64xf32, #tpu.memory_space<vmem>> -> memref<1x128x64xf32, #tpu.memory_space<vmem>>
      %dma_start3A_148 = tpu.memref_squeeze %dma_start3A_147 : memref<1x128x64xf32, #tpu.memory_space<vmem>> -> memref<128x64xf32, #tpu.memory_space<vmem>>
      %dma_start3A_149 = arith.constant 0 : i32
      %dma_start3A_150 = tpu.memref_slice %arg9[%add3A_124, %dma_start3A_149] : memref<160x128xi32, #tpu.memory_space<vmem>> -> memref<1x128xi32, #tpu.memory_space<vmem>>
      %dma_start3A_151 = tpu.memref_squeeze %dma_start3A_150 : memref<1x128xi32, #tpu.memory_space<vmem>> -> memref<128xi32, #tpu.memory_space<vmem>>
      %dma_start3A_152 = arith.constant 0 : i32
      %dma_start3A_153 = arith.constant 0 : i32
      %dma_start3A_154 = tpu.memref_slice %arg15[%dma_start3A_152, %dma_start3A_153] : memref<10240x64xf32, #tpu.memory_space<vmem_shared>> -> memref<10240x64xf32, #tpu.memory_space<vmem_shared>>
      %dma_start3A_155 = tpu.memref_slice %arg12[%dma_start3A_144] : memref<4x!tpu.dma_semaphore, #tpu.memory_space<semaphore_mem>> -> memref<1x!tpu.dma_semaphore, #tpu.memory_space<semaphore_mem>>
      %dma_start3A_156 = tpu.memref_squeeze %dma_start3A_155 : memref<1x!tpu.dma_semaphore, #tpu.memory_space<semaphore_mem>> -> memref<!tpu.dma_semaphore, #tpu.memory_space<semaphore_mem>>
      tpu.enqueue_indirect_dma source(%dma_start3A_148 : memref<128x64xf32, #tpu.memory_space<vmem>>) target(%dma_start3A_154 : memref<10240x64xf32, #tpu.memory_space<vmem_shared>>) offsets(%dma_start3A_151 : memref<128xi32, #tpu.memory_space<vmem>>) semaphore(%dma_start3A_156 : memref<!tpu.dma_semaphore, #tpu.memory_space<semaphore_mem>>) {add = true}
      %add3A_157 = arith.constant 2 : i32
      %add3A_158 = arith.addi %mul3A_90, %add3A_157 : i32
      %dma_wait3A_159 = arith.constant 2 : i32
      %dma_wait3A_160 = arith.constant 2 : i32
      %dma_wait3A_161 = arith.constant 0 : i32
      %dma_wait3A_162 = arith.constant 0 : i32
      %dma_wait3A_163 = tpu.memref_slice %arg10[%dma_wait3A_159, %dma_wait3A_161, %dma_wait3A_162] : memref<4x128x64xf32, #tpu.memory_space<vmem>> -> memref<1x128x64xf32, #tpu.memory_space<vmem>>
      %dma_wait3A_164 = tpu.memref_squeeze %dma_wait3A_163 : memref<1x128x64xf32, #tpu.memory_space<vmem>> -> memref<128x64xf32, #tpu.memory_space<vmem>>
      %dma_wait3A_165 = arith.constant 0 : i32
      %dma_wait3A_166 = tpu.memref_slice %arg8[%add3A_158, %dma_wait3A_165] : memref<160x128xi32, #tpu.memory_space<vmem>> -> memref<1x128xi32, #tpu.memory_space<vmem>>
      %dma_wait3A_167 = tpu.memref_squeeze %dma_wait3A_166 : memref<1x128xi32, #tpu.memory_space<vmem>> -> memref<128xi32, #tpu.memory_space<vmem>>
      %dma_wait3A_168 = arith.constant 0 : i32
      %dma_wait3A_169 = arith.constant 0 : i32
      %dma_wait3A_170 = tpu.memref_slice %arg2[%arg0, %dma_wait3A_168, %dma_wait3A_169] : memref<2x10000x64xf32, #tpu.memory_space<hbm>> -> memref<1x10000x64xf32, #tpu.memory_space<hbm>>
      %dma_wait3A_171 = tpu.memref_squeeze %dma_wait3A_170 : memref<1x10000x64xf32, #tpu.memory_space<hbm>> -> memref<10000x64xf32, #tpu.memory_space<hbm>>
      %dma_wait3A_172 = arith.constant 0 : i32
      %dma_wait3A_173 = arith.constant 0 : i32
      %dma_wait3A_174 = tpu.memref_slice %dma_wait3A_171[%dma_wait3A_172, %dma_wait3A_173] : memref<10000x64xf32, #tpu.memory_space<hbm>> -> memref<10000x64xf32, #tpu.memory_space<hbm>>
      %dma_wait3A_175 = tpu.memref_slice %arg11[%dma_wait3A_160] : memref<4x!tpu.dma_semaphore, #tpu.memory_space<semaphore_mem>> -> memref<1x!tpu.dma_semaphore, #tpu.memory_space<semaphore_mem>>
      %dma_wait3A_176 = tpu.memref_squeeze %dma_wait3A_175 : memref<1x!tpu.dma_semaphore, #tpu.memory_space<semaphore_mem>> -> memref<!tpu.dma_semaphore, #tpu.memory_space<semaphore_mem>>
      tpu.wait_indirect_dma semaphore(%dma_wait3A_176 : memref<!tpu.dma_semaphore, #tpu.memory_space<semaphore_mem>>) src(%dma_wait3A_174 : memref<10000x64xf32, #tpu.memory_space<hbm>>) dst(%dma_wait3A_164 : memref<128x64xf32, #tpu.memory_space<vmem>>)
      %dma_start3A_177 = arith.constant 2 : i32
      %dma_start3A_178 = arith.constant 2 : i32
      %dma_start3A_179 = arith.constant 0 : i32
      %dma_start3A_180 = arith.constant 0 : i32
      %dma_start3A_181 = tpu.memref_slice %arg10[%dma_start3A_177, %dma_start3A_179, %dma_start3A_180] : memref<4x128x64xf32, #tpu.memory_space<vmem>> -> memref<1x128x64xf32, #tpu.memory_space<vmem>>
      %dma_start3A_182 = tpu.memref_squeeze %dma_start3A_181 : memref<1x128x64xf32, #tpu.memory_space<vmem>> -> memref<128x64xf32, #tpu.memory_space<vmem>>
      %dma_start3A_183 = arith.constant 0 : i32
      %dma_start3A_184 = tpu.memref_slice %arg9[%add3A_158, %dma_start3A_183] : memref<160x128xi32, #tpu.memory_space<vmem>> -> memref<1x128xi32, #tpu.memory_space<vmem>>
      %dma_start3A_185 = tpu.memref_squeeze %dma_start3A_184 : memref<1x128xi32, #tpu.memory_space<vmem>> -> memref<128xi32, #tpu.memory_space<vmem>>
      %dma_start3A_186 = arith.constant 0 : i32
      %dma_start3A_187 = arith.constant 0 : i32
      %dma_start3A_188 = tpu.memref_slice %arg15[%dma_start3A_186, %dma_start3A_187] : memref<10240x64xf32, #tpu.memory_space<vmem_shared>> -> memref<10240x64xf32, #tpu.memory_space<vmem_shared>>
      %dma_start3A_189 = tpu.memref_slice %arg12[%dma_start3A_178] : memref<4x!tpu.dma_semaphore, #tpu.memory_space<semaphore_mem>> -> memref<1x!tpu.dma_semaphore, #tpu.memory_space<semaphore_mem>>
      %dma_start3A_190 = tpu.memref_squeeze %dma_start3A_189 : memref<1x!tpu.dma_semaphore, #tpu.memory_space<semaphore_mem>> -> memref<!tpu.dma_semaphore, #tpu.memory_space<semaphore_mem>>
      tpu.enqueue_indirect_dma source(%dma_start3A_182 : memref<128x64xf32, #tpu.memory_space<vmem>>) target(%dma_start3A_188 : memref<10240x64xf32, #tpu.memory_space<vmem_shared>>) offsets(%dma_start3A_185 : memref<128xi32, #tpu.memory_space<vmem>>) semaphore(%dma_start3A_190 : memref<!tpu.dma_semaphore, #tpu.memory_space<semaphore_mem>>) {add = true}
      %add3A_191 = arith.constant 3 : i32
      %add3A_192 = arith.addi %mul3A_90, %add3A_191 : i32
      %dma_wait3A_193 = arith.constant 3 : i32
      %dma_wait3A_194 = arith.constant 3 : i32
      %dma_wait3A_195 = arith.constant 0 : i32
      %dma_wait3A_196 = arith.constant 0 : i32
      %dma_wait3A_197 = tpu.memref_slice %arg10[%dma_wait3A_193, %dma_wait3A_195, %dma_wait3A_196] : memref<4x128x64xf32, #tpu.memory_space<vmem>> -> memref<1x128x64xf32, #tpu.memory_space<vmem>>
      %dma_wait3A_198 = tpu.memref_squeeze %dma_wait3A_197 : memref<1x128x64xf32, #tpu.memory_space<vmem>> -> memref<128x64xf32, #tpu.memory_space<vmem>>
      %dma_wait3A_199 = arith.constant 0 : i32
      %dma_wait3A_200 = tpu.memref_slice %arg8[%add3A_192, %dma_wait3A_199] : memref<160x128xi32, #tpu.memory_space<vmem>> -> memref<1x128xi32, #tpu.memory_space<vmem>>
      %dma_wait3A_201 = tpu.memref_squeeze %dma_wait3A_200 : memref<1x128xi32, #tpu.memory_space<vmem>> -> memref<128xi32, #tpu.memory_space<vmem>>
      %dma_wait3A_202 = arith.constant 0 : i32
      %dma_wait3A_203 = arith.constant 0 : i32
      %dma_wait3A_204 = tpu.memref_slice %arg2[%arg0, %dma_wait3A_202, %dma_wait3A_203] : memref<2x10000x64xf32, #tpu.memory_space<hbm>> -> memref<1x10000x64xf32, #tpu.memory_space<hbm>>
      %dma_wait3A_205 = tpu.memref_squeeze %dma_wait3A_204 : memref<1x10000x64xf32, #tpu.memory_space<hbm>> -> memref<10000x64xf32, #tpu.memory_space<hbm>>
      %dma_wait3A_206 = arith.constant 0 : i32
      %dma_wait3A_207 = arith.constant 0 : i32
      %dma_wait3A_208 = tpu.memref_slice %dma_wait3A_205[%dma_wait3A_206, %dma_wait3A_207] : memref<10000x64xf32, #tpu.memory_space<hbm>> -> memref<10000x64xf32, #tpu.memory_space<hbm>>
      %dma_wait3A_209 = tpu.memref_slice %arg11[%dma_wait3A_194] : memref<4x!tpu.dma_semaphore, #tpu.memory_space<semaphore_mem>> -> memref<1x!tpu.dma_semaphore, #tpu.memory_space<semaphore_mem>>
      %dma_wait3A_210 = tpu.memref_squeeze %dma_wait3A_209 : memref<1x!tpu.dma_semaphore, #tpu.memory_space<semaphore_mem>> -> memref<!tpu.dma_semaphore, #tpu.memory_space<semaphore_mem>>
      tpu.wait_indirect_dma semaphore(%dma_wait3A_210 : memref<!tpu.dma_semaphore, #tpu.memory_space<semaphore_mem>>) src(%dma_wait3A_208 : memref<10000x64xf32, #tpu.memory_space<hbm>>) dst(%dma_wait3A_198 : memref<128x64xf32, #tpu.memory_space<vmem>>)
      %dma_start3A_211 = arith.constant 3 : i32
      %dma_start3A_212 = arith.constant 3 : i32
      %dma_start3A_213 = arith.constant 0 : i32
      %dma_start3A_214 = arith.constant 0 : i32
      %dma_start3A_215 = tpu.memref_slice %arg10[%dma_start3A_211, %dma_start3A_213, %dma_start3A_214] : memref<4x128x64xf32, #tpu.memory_space<vmem>> -> memref<1x128x64xf32, #tpu.memory_space<vmem>>
      %dma_start3A_216 = tpu.memref_squeeze %dma_start3A_215 : memref<1x128x64xf32, #tpu.memory_space<vmem>> -> memref<128x64xf32, #tpu.memory_space<vmem>>
      %dma_start3A_217 = arith.constant 0 : i32
      %dma_start3A_218 = tpu.memref_slice %arg9[%add3A_192, %dma_start3A_217] : memref<160x128xi32, #tpu.memory_space<vmem>> -> memref<1x128xi32, #tpu.memory_space<vmem>>
      %dma_start3A_219 = tpu.memref_squeeze %dma_start3A_218 : memref<1x128xi32, #tpu.memory_space<vmem>> -> memref<128xi32, #tpu.memory_space<vmem>>
      %dma_start3A_220 = arith.constant 0 : i32
      %dma_start3A_221 = arith.constant 0 : i32
      %dma_start3A_222 = tpu.memref_slice %arg15[%dma_start3A_220, %dma_start3A_221] : memref<10240x64xf32, #tpu.memory_space<vmem_shared>> -> memref<10240x64xf32, #tpu.memory_space<vmem_shared>>
      %dma_start3A_223 = tpu.memref_slice %arg12[%dma_start3A_212] : memref<4x!tpu.dma_semaphore, #tpu.memory_space<semaphore_mem>> -> memref<1x!tpu.dma_semaphore, #tpu.memory_space<semaphore_mem>>
      %dma_start3A_224 = tpu.memref_squeeze %dma_start3A_223 : memref<1x!tpu.dma_semaphore, #tpu.memory_space<semaphore_mem>> -> memref<!tpu.dma_semaphore, #tpu.memory_space<semaphore_mem>>
      tpu.enqueue_indirect_dma source(%dma_start3A_216 : memref<128x64xf32, #tpu.memory_space<vmem>>) target(%dma_start3A_222 : memref<10240x64xf32, #tpu.memory_space<vmem_shared>>) offsets(%dma_start3A_219 : memref<128xi32, #tpu.memory_space<vmem>>) semaphore(%dma_start3A_224 : memref<!tpu.dma_semaphore, #tpu.memory_space<semaphore_mem>>) {add = true}
      %add3A_225 = arith.constant 0 : i32
      %add3A_226 = arith.addi %mul3A_90, %add3A_225 : i32
      %dma_wait3A_227 = arith.constant 0 : i32
      %dma_wait3A_228 = arith.constant 0 : i32
      %dma_wait3A_229 = arith.constant 0 : i32
      %dma_wait3A_230 = arith.constant 0 : i32
      %dma_wait3A_231 = tpu.memref_slice %arg10[%dma_wait3A_227, %dma_wait3A_229, %dma_wait3A_230] : memref<4x128x64xf32, #tpu.memory_space<vmem>> -> memref<1x128x64xf32, #tpu.memory_space<vmem>>
      %dma_wait3A_232 = tpu.memref_squeeze %dma_wait3A_231 : memref<1x128x64xf32, #tpu.memory_space<vmem>> -> memref<128x64xf32, #tpu.memory_space<vmem>>
      %dma_wait3A_233 = arith.constant 0 : i32
      %dma_wait3A_234 = tpu.memref_slice %arg9[%add3A_226, %dma_wait3A_233] : memref<160x128xi32, #tpu.memory_space<vmem>> -> memref<1x128xi32, #tpu.memory_space<vmem>>
      %dma_wait3A_235 = tpu.memref_squeeze %dma_wait3A_234 : memref<1x128xi32, #tpu.memory_space<vmem>> -> memref<128xi32, #tpu.memory_space<vmem>>
      %dma_wait3A_236 = arith.constant 0 : i32
      %dma_wait3A_237 = arith.constant 0 : i32
      %dma_wait3A_238 = tpu.memref_slice %arg15[%dma_wait3A_236, %dma_wait3A_237] : memref<10240x64xf32, #tpu.memory_space<vmem_shared>> -> memref<10240x64xf32, #tpu.memory_space<vmem_shared>>
      %dma_wait3A_239 = tpu.memref_slice %arg12[%dma_wait3A_228] : memref<4x!tpu.dma_semaphore, #tpu.memory_space<semaphore_mem>> -> memref<1x!tpu.dma_semaphore, #tpu.memory_space<semaphore_mem>>
      %dma_wait3A_240 = tpu.memref_squeeze %dma_wait3A_239 : memref<1x!tpu.dma_semaphore, #tpu.memory_space<semaphore_mem>> -> memref<!tpu.dma_semaphore, #tpu.memory_space<semaphore_mem>>
      tpu.wait_indirect_dma semaphore(%dma_wait3A_240 : memref<!tpu.dma_semaphore, #tpu.memory_space<semaphore_mem>>) src(%dma_wait3A_232 : memref<128x64xf32, #tpu.memory_space<vmem>>) dst(%dma_wait3A_238 : memref<10240x64xf32, #tpu.memory_space<vmem_shared>>)
      %add3A_241 = arith.constant 1 : i32
      %add3A_242 = arith.addi %scan3A_88, %add3A_241 : i32
      %lt3A = arith.constant 40 : i32
      %lt3A_243 = arith.cmpi slt, %add3A_242, %lt3A : i32
      %convert_element_type3A = arith.extui %lt3A_243 : i1 to i32
      %cond3A = arith.constant 0 : i32
      %cond3A_244 = arith.cmpi ne, %convert_element_type3A, %cond3A : i32
      scf.if %cond3A_244 {
        %add3A_314 = arith.constant 4 : i32
        %add3A_315 = arith.addi %add3A_226, %add3A_314 : i32
        %dma_start3A_316 = arith.constant 0 : i32
        %dma_start3A_317 = arith.constant 0 : i32
        %dma_start3A_318 = arith.constant 0 : i32
        %dma_start3A_319 = arith.constant 0 : i32
        %dma_start3A_320 = tpu.memref_slice %arg10[%dma_start3A_316, %dma_start3A_318, %dma_start3A_319] : memref<4x128x64xf32, #tpu.memory_space<vmem>> -> memref<1x128x64xf32, #tpu.memory_space<vmem>>
        %dma_start3A_321 = tpu.memref_squeeze %dma_start3A_320 : memref<1x128x64xf32, #tpu.memory_space<vmem>> -> memref<128x64xf32, #tpu.memory_space<vmem>>
        %dma_start3A_322 = arith.constant 0 : i32
        %dma_start3A_323 = tpu.memref_slice %arg8[%add3A_315, %dma_start3A_322] : memref<160x128xi32, #tpu.memory_space<vmem>> -> memref<1x128xi32, #tpu.memory_space<vmem>>
        %dma_start3A_324 = tpu.memref_squeeze %dma_start3A_323 : memref<1x128xi32, #tpu.memory_space<vmem>> -> memref<128xi32, #tpu.memory_space<vmem>>
        %dma_start3A_325 = arith.constant 0 : i32
        %dma_start3A_326 = arith.constant 0 : i32
        %dma_start3A_327 = tpu.memref_slice %arg2[%arg0, %dma_start3A_325, %dma_start3A_326] : memref<2x10000x64xf32, #tpu.memory_space<hbm>> -> memref<1x10000x64xf32, #tpu.memory_space<hbm>>
        %dma_start3A_328 = tpu.memref_squeeze %dma_start3A_327 : memref<1x10000x64xf32, #tpu.memory_space<hbm>> -> memref<10000x64xf32, #tpu.memory_space<hbm>>
        %dma_start3A_329 = arith.constant 0 : i32
        %dma_start3A_330 = arith.constant 0 : i32
        %dma_start3A_331 = tpu.memref_slice %dma_start3A_328[%dma_start3A_329, %dma_start3A_330] : memref<10000x64xf32, #tpu.memory_space<hbm>> -> memref<10000x64xf32, #tpu.memory_space<hbm>>
        %dma_start3A_332 = tpu.memref_slice %arg11[%dma_start3A_317] : memref<4x!tpu.dma_semaphore, #tpu.memory_space<semaphore_mem>> -> memref<1x!tpu.dma_semaphore, #tpu.memory_space<semaphore_mem>>
        %dma_start3A_333 = tpu.memref_squeeze %dma_start3A_332 : memref<1x!tpu.dma_semaphore, #tpu.memory_space<semaphore_mem>> -> memref<!tpu.dma_semaphore, #tpu.memory_space<semaphore_mem>>
        tpu.enqueue_indirect_dma source(%dma_start3A_331 : memref<10000x64xf32, #tpu.memory_space<hbm>>) target(%dma_start3A_321 : memref<128x64xf32, #tpu.memory_space<vmem>>) offsets(%dma_start3A_324 : memref<128xi32, #tpu.memory_space<vmem>>) semaphore(%dma_start3A_333 : memref<!tpu.dma_semaphore, #tpu.memory_space<semaphore_mem>>)
      } else {
      }
      %add3A_245 = arith.constant 1 : i32
      %add3A_246 = arith.addi %mul3A_90, %add3A_245 : i32
      %dma_wait3A_247 = arith.constant 1 : i32
      %dma_wait3A_248 = arith.constant 1 : i32
      %dma_wait3A_249 = arith.constant 0 : i32
      %dma_wait3A_250 = arith.constant 0 : i32
      %dma_wait3A_251 = tpu.memref_slice %arg10[%dma_wait3A_247, %dma_wait3A_249, %dma_wait3A_250] : memref<4x128x64xf32, #tpu.memory_space<vmem>> -> memref<1x128x64xf32, #tpu.memory_space<vmem>>
      %dma_wait3A_252 = tpu.memref_squeeze %dma_wait3A_251 : memref<1x128x64xf32, #tpu.memory_space<vmem>> -> memref<128x64xf32, #tpu.memory_space<vmem>>
      %dma_wait3A_253 = arith.constant 0 : i32
      %dma_wait3A_254 = tpu.memref_slice %arg9[%add3A_246, %dma_wait3A_253] : memref<160x128xi32, #tpu.memory_space<vmem>> -> memref<1x128xi32, #tpu.memory_space<vmem>>
      %dma_wait3A_255 = tpu.memref_squeeze %dma_wait3A_254 : memref<1x128xi32, #tpu.memory_space<vmem>> -> memref<128xi32, #tpu.memory_space<vmem>>
      %dma_wait3A_256 = arith.constant 0 : i32
      %dma_wait3A_257 = arith.constant 0 : i32
      %dma_wait3A_258 = tpu.memref_slice %arg15[%dma_wait3A_256, %dma_wait3A_257] : memref<10240x64xf32, #tpu.memory_space<vmem_shared>> -> memref<10240x64xf32, #tpu.memory_space<vmem_shared>>
      %dma_wait3A_259 = tpu.memref_slice %arg12[%dma_wait3A_248] : memref<4x!tpu.dma_semaphore, #tpu.memory_space<semaphore_mem>> -> memref<1x!tpu.dma_semaphore, #tpu.memory_space<semaphore_mem>>
      %dma_wait3A_260 = tpu.memref_squeeze %dma_wait3A_259 : memref<1x!tpu.dma_semaphore, #tpu.memory_space<semaphore_mem>> -> memref<!tpu.dma_semaphore, #tpu.memory_space<semaphore_mem>>
      tpu.wait_indirect_dma semaphore(%dma_wait3A_260 : memref<!tpu.dma_semaphore, #tpu.memory_space<semaphore_mem>>) src(%dma_wait3A_252 : memref<128x64xf32, #tpu.memory_space<vmem>>) dst(%dma_wait3A_258 : memref<10240x64xf32, #tpu.memory_space<vmem_shared>>)
      %add3A_261 = arith.constant 1 : i32
      %add3A_262 = arith.addi %scan3A_88, %add3A_261 : i32
      %lt3A_263 = arith.constant 40 : i32
      %lt3A_264 = arith.cmpi slt, %add3A_262, %lt3A_263 : i32
      %convert_element_type3A_265 = arith.extui %lt3A_264 : i1 to i32
      %cond3A_266 = arith.constant 0 : i32
      %cond3A_267 = arith.cmpi ne, %convert_element_type3A_265, %cond3A_266 : i32
      scf.if %cond3A_267 {
        %add3A_314 = arith.constant 4 : i32
        %add3A_315 = arith.addi %add3A_246, %add3A_314 : i32
        %dma_start3A_316 = arith.constant 1 : i32
        %dma_start3A_317 = arith.constant 1 : i32
        %dma_start3A_318 = arith.constant 0 : i32
        %dma_start3A_319 = arith.constant 0 : i32
        %dma_start3A_320 = tpu.memref_slice %arg10[%dma_start3A_316, %dma_start3A_318, %dma_start3A_319] : memref<4x128x64xf32, #tpu.memory_space<vmem>> -> memref<1x128x64xf32, #tpu.memory_space<vmem>>
        %dma_start3A_321 = tpu.memref_squeeze %dma_start3A_320 : memref<1x128x64xf32, #tpu.memory_space<vmem>> -> memref<128x64xf32, #tpu.memory_space<vmem>>
        %dma_start3A_322 = arith.constant 0 : i32
        %dma_start3A_323 = tpu.memref_slice %arg8[%add3A_315, %dma_start3A_322] : memref<160x128xi32, #tpu.memory_space<vmem>> -> memref<1x128xi32, #tpu.memory_space<vmem>>
        %dma_start3A_324 = tpu.memref_squeeze %dma_start3A_323 : memref<1x128xi32, #tpu.memory_space<vmem>> -> memref<128xi32, #tpu.memory_space<vmem>>
        %dma_start3A_325 = arith.constant 0 : i32
        %dma_start3A_326 = arith.constant 0 : i32
        %dma_start3A_327 = tpu.memref_slice %arg2[%arg0, %dma_start3A_325, %dma_start3A_326] : memref<2x10000x64xf32, #tpu.memory_space<hbm>> -> memref<1x10000x64xf32, #tpu.memory_space<hbm>>
        %dma_start3A_328 = tpu.memref_squeeze %dma_start3A_327 : memref<1x10000x64xf32, #tpu.memory_space<hbm>> -> memref<10000x64xf32, #tpu.memory_space<hbm>>
        %dma_start3A_329 = arith.constant 0 : i32
        %dma_start3A_330 = arith.constant 0 : i32
        %dma_start3A_331 = tpu.memref_slice %dma_start3A_328[%dma_start3A_329, %dma_start3A_330] : memref<10000x64xf32, #tpu.memory_space<hbm>> -> memref<10000x64xf32, #tpu.memory_space<hbm>>
        %dma_start3A_332 = tpu.memref_slice %arg11[%dma_start3A_317] : memref<4x!tpu.dma_semaphore, #tpu.memory_space<semaphore_mem>> -> memref<1x!tpu.dma_semaphore, #tpu.memory_space<semaphore_mem>>
        %dma_start3A_333 = tpu.memref_squeeze %dma_start3A_332 : memref<1x!tpu.dma_semaphore, #tpu.memory_space<semaphore_mem>> -> memref<!tpu.dma_semaphore, #tpu.memory_space<semaphore_mem>>
        tpu.enqueue_indirect_dma source(%dma_start3A_331 : memref<10000x64xf32, #tpu.memory_space<hbm>>) target(%dma_start3A_321 : memref<128x64xf32, #tpu.memory_space<vmem>>) offsets(%dma_start3A_324 : memref<128xi32, #tpu.memory_space<vmem>>) semaphore(%dma_start3A_333 : memref<!tpu.dma_semaphore, #tpu.memory_space<semaphore_mem>>)
      } else {
      }
      %add3A_268 = arith.constant 2 : i32
      %add3A_269 = arith.addi %mul3A_90, %add3A_268 : i32
      %dma_wait3A_270 = arith.constant 2 : i32
      %dma_wait3A_271 = arith.constant 2 : i32
      %dma_wait3A_272 = arith.constant 0 : i32
      %dma_wait3A_273 = arith.constant 0 : i32
      %dma_wait3A_274 = tpu.memref_slice %arg10[%dma_wait3A_270, %dma_wait3A_272, %dma_wait3A_273] : memref<4x128x64xf32, #tpu.memory_space<vmem>> -> memref<1x128x64xf32, #tpu.memory_space<vmem>>
      %dma_wait3A_275 = tpu.memref_squeeze %dma_wait3A_274 : memref<1x128x64xf32, #tpu.memory_space<vmem>> -> memref<128x64xf32, #tpu.memory_space<vmem>>
      %dma_wait3A_276 = arith.constant 0 : i32
      %dma_wait3A_277 = tpu.memref_slice %arg9[%add3A_269, %dma_wait3A_276] : memref<160x128xi32, #tpu.memory_space<vmem>> -> memref<1x128xi32, #tpu.memory_space<vmem>>
      %dma_wait3A_278 = tpu.memref_squeeze %dma_wait3A_277 : memref<1x128xi32, #tpu.memory_space<vmem>> -> memref<128xi32, #tpu.memory_space<vmem>>
      %dma_wait3A_279 = arith.constant 0 : i32
      %dma_wait3A_280 = arith.constant 0 : i32
      %dma_wait3A_281 = tpu.memref_slice %arg15[%dma_wait3A_279, %dma_wait3A_280] : memref<10240x64xf32, #tpu.memory_space<vmem_shared>> -> memref<10240x64xf32, #tpu.memory_space<vmem_shared>>
      %dma_wait3A_282 = tpu.memref_slice %arg12[%dma_wait3A_271] : memref<4x!tpu.dma_semaphore, #tpu.memory_space<semaphore_mem>> -> memref<1x!tpu.dma_semaphore, #tpu.memory_space<semaphore_mem>>
      %dma_wait3A_283 = tpu.memref_squeeze %dma_wait3A_282 : memref<1x!tpu.dma_semaphore, #tpu.memory_space<semaphore_mem>> -> memref<!tpu.dma_semaphore, #tpu.memory_space<semaphore_mem>>
      tpu.wait_indirect_dma semaphore(%dma_wait3A_283 : memref<!tpu.dma_semaphore, #tpu.memory_space<semaphore_mem>>) src(%dma_wait3A_275 : memref<128x64xf32, #tpu.memory_space<vmem>>) dst(%dma_wait3A_281 : memref<10240x64xf32, #tpu.memory_space<vmem_shared>>)
      %add3A_284 = arith.constant 1 : i32
      %add3A_285 = arith.addi %scan3A_88, %add3A_284 : i32
      %lt3A_286 = arith.constant 40 : i32
      %lt3A_287 = arith.cmpi slt, %add3A_285, %lt3A_286 : i32
      %convert_element_type3A_288 = arith.extui %lt3A_287 : i1 to i32
      %cond3A_289 = arith.constant 0 : i32
      %cond3A_290 = arith.cmpi ne, %convert_element_type3A_288, %cond3A_289 : i32
      scf.if %cond3A_290 {
        %add3A_314 = arith.constant 4 : i32
        %add3A_315 = arith.addi %add3A_269, %add3A_314 : i32
        %dma_start3A_316 = arith.constant 2 : i32
        %dma_start3A_317 = arith.constant 2 : i32
        %dma_start3A_318 = arith.constant 0 : i32
        %dma_start3A_319 = arith.constant 0 : i32
        %dma_start3A_320 = tpu.memref_slice %arg10[%dma_start3A_316, %dma_start3A_318, %dma_start3A_319] : memref<4x128x64xf32, #tpu.memory_space<vmem>> -> memref<1x128x64xf32, #tpu.memory_space<vmem>>
        %dma_start3A_321 = tpu.memref_squeeze %dma_start3A_320 : memref<1x128x64xf32, #tpu.memory_space<vmem>> -> memref<128x64xf32, #tpu.memory_space<vmem>>
        %dma_start3A_322 = arith.constant 0 : i32
        %dma_start3A_323 = tpu.memref_slice %arg8[%add3A_315, %dma_start3A_322] : memref<160x128xi32, #tpu.memory_space<vmem>> -> memref<1x128xi32, #tpu.memory_space<vmem>>
        %dma_start3A_324 = tpu.memref_squeeze %dma_start3A_323 : memref<1x128xi32, #tpu.memory_space<vmem>> -> memref<128xi32, #tpu.memory_space<vmem>>
        %dma_start3A_325 = arith.constant 0 : i32
        %dma_start3A_326 = arith.constant 0 : i32
        %dma_start3A_327 = tpu.memref_slice %arg2[%arg0, %dma_start3A_325, %dma_start3A_326] : memref<2x10000x64xf32, #tpu.memory_space<hbm>> -> memref<1x10000x64xf32, #tpu.memory_space<hbm>>
        %dma_start3A_328 = tpu.memref_squeeze %dma_start3A_327 : memref<1x10000x64xf32, #tpu.memory_space<hbm>> -> memref<10000x64xf32, #tpu.memory_space<hbm>>
        %dma_start3A_329 = arith.constant 0 : i32
        %dma_start3A_330 = arith.constant 0 : i32
        %dma_start3A_331 = tpu.memref_slice %dma_start3A_328[%dma_start3A_329, %dma_start3A_330] : memref<10000x64xf32, #tpu.memory_space<hbm>> -> memref<10000x64xf32, #tpu.memory_space<hbm>>
        %dma_start3A_332 = tpu.memref_slice %arg11[%dma_start3A_317] : memref<4x!tpu.dma_semaphore, #tpu.memory_space<semaphore_mem>> -> memref<1x!tpu.dma_semaphore, #tpu.memory_space<semaphore_mem>>
        %dma_start3A_333 = tpu.memref_squeeze %dma_start3A_332 : memref<1x!tpu.dma_semaphore, #tpu.memory_space<semaphore_mem>> -> memref<!tpu.dma_semaphore, #tpu.memory_space<semaphore_mem>>
        tpu.enqueue_indirect_dma source(%dma_start3A_331 : memref<10000x64xf32, #tpu.memory_space<hbm>>) target(%dma_start3A_321 : memref<128x64xf32, #tpu.memory_space<vmem>>) offsets(%dma_start3A_324 : memref<128xi32, #tpu.memory_space<vmem>>) semaphore(%dma_start3A_333 : memref<!tpu.dma_semaphore, #tpu.memory_space<semaphore_mem>>)
      } else {
      }
      %add3A_291 = arith.constant 3 : i32
      %add3A_292 = arith.addi %mul3A_90, %add3A_291 : i32
      %dma_wait3A_293 = arith.constant 3 : i32
      %dma_wait3A_294 = arith.constant 3 : i32
      %dma_wait3A_295 = arith.constant 0 : i32
      %dma_wait3A_296 = arith.constant 0 : i32
      %dma_wait3A_297 = tpu.memref_slice %arg10[%dma_wait3A_293, %dma_wait3A_295, %dma_wait3A_296] : memref<4x128x64xf32, #tpu.memory_space<vmem>> -> memref<1x128x64xf32, #tpu.memory_space<vmem>>
      %dma_wait3A_298 = tpu.memref_squeeze %dma_wait3A_297 : memref<1x128x64xf32, #tpu.memory_space<vmem>> -> memref<128x64xf32, #tpu.memory_space<vmem>>
      %dma_wait3A_299 = arith.constant 0 : i32
      %dma_wait3A_300 = tpu.memref_slice %arg9[%add3A_292, %dma_wait3A_299] : memref<160x128xi32, #tpu.memory_space<vmem>> -> memref<1x128xi32, #tpu.memory_space<vmem>>
      %dma_wait3A_301 = tpu.memref_squeeze %dma_wait3A_300 : memref<1x128xi32, #tpu.memory_space<vmem>> -> memref<128xi32, #tpu.memory_space<vmem>>
      %dma_wait3A_302 = arith.constant 0 : i32
      %dma_wait3A_303 = arith.constant 0 : i32
      %dma_wait3A_304 = tpu.memref_slice %arg15[%dma_wait3A_302, %dma_wait3A_303] : memref<10240x64xf32, #tpu.memory_space<vmem_shared>> -> memref<10240x64xf32, #tpu.memory_space<vmem_shared>>
      %dma_wait3A_305 = tpu.memref_slice %arg12[%dma_wait3A_294] : memref<4x!tpu.dma_semaphore, #tpu.memory_space<semaphore_mem>> -> memref<1x!tpu.dma_semaphore, #tpu.memory_space<semaphore_mem>>
      %dma_wait3A_306 = tpu.memref_squeeze %dma_wait3A_305 : memref<1x!tpu.dma_semaphore, #tpu.memory_space<semaphore_mem>> -> memref<!tpu.dma_semaphore, #tpu.memory_space<semaphore_mem>>
      tpu.wait_indirect_dma semaphore(%dma_wait3A_306 : memref<!tpu.dma_semaphore, #tpu.memory_space<semaphore_mem>>) src(%dma_wait3A_298 : memref<128x64xf32, #tpu.memory_space<vmem>>) dst(%dma_wait3A_304 : memref<10240x64xf32, #tpu.memory_space<vmem_shared>>)
      %add3A_307 = arith.constant 1 : i32
      %add3A_308 = arith.addi %scan3A_88, %add3A_307 : i32
      %lt3A_309 = arith.constant 40 : i32
      %lt3A_310 = arith.cmpi slt, %add3A_308, %lt3A_309 : i32
      %convert_element_type3A_311 = arith.extui %lt3A_310 : i1 to i32
      %cond3A_312 = arith.constant 0 : i32
      %cond3A_313 = arith.cmpi ne, %convert_element_type3A_311, %cond3A_312 : i32
      scf.if %cond3A_313 {
        %add3A_314 = arith.constant 4 : i32
        %add3A_315 = arith.addi %add3A_292, %add3A_314 : i32
        %dma_start3A_316 = arith.constant 3 : i32
        %dma_start3A_317 = arith.constant 3 : i32
        %dma_start3A_318 = arith.constant 0 : i32
        %dma_start3A_319 = arith.constant 0 : i32
        %dma_start3A_320 = tpu.memref_slice %arg10[%dma_start3A_316, %dma_start3A_318, %dma_start3A_319] : memref<4x128x64xf32, #tpu.memory_space<vmem>> -> memref<1x128x64xf32, #tpu.memory_space<vmem>>
        %dma_start3A_321 = tpu.memref_squeeze %dma_start3A_320 : memref<1x128x64xf32, #tpu.memory_space<vmem>> -> memref<128x64xf32, #tpu.memory_space<vmem>>
        %dma_start3A_322 = arith.constant 0 : i32
        %dma_start3A_323 = tpu.memref_slice %arg8[%add3A_315, %dma_start3A_322] : memref<160x128xi32, #tpu.memory_space<vmem>> -> memref<1x128xi32, #tpu.memory_space<vmem>>
        %dma_start3A_324 = tpu.memref_squeeze %dma_start3A_323 : memref<1x128xi32, #tpu.memory_space<vmem>> -> memref<128xi32, #tpu.memory_space<vmem>>
        %dma_start3A_325 = arith.constant 0 : i32
        %dma_start3A_326 = arith.constant 0 : i32
        %dma_start3A_327 = tpu.memref_slice %arg2[%arg0, %dma_start3A_325, %dma_start3A_326] : memref<2x10000x64xf32, #tpu.memory_space<hbm>> -> memref<1x10000x64xf32, #tpu.memory_space<hbm>>
        %dma_start3A_328 = tpu.memref_squeeze %dma_start3A_327 : memref<1x10000x64xf32, #tpu.memory_space<hbm>> -> memref<10000x64xf32, #tpu.memory_space<hbm>>
        %dma_start3A_329 = arith.constant 0 : i32
        %dma_start3A_330 = arith.constant 0 : i32
        %dma_start3A_331 = tpu.memref_slice %dma_start3A_328[%dma_start3A_329, %dma_start3A_330] : memref<10000x64xf32, #tpu.memory_space<hbm>> -> memref<10000x64xf32, #tpu.memory_space<hbm>>
        %dma_start3A_332 = tpu.memref_slice %arg11[%dma_start3A_317] : memref<4x!tpu.dma_semaphore, #tpu.memory_space<semaphore_mem>> -> memref<1x!tpu.dma_semaphore, #tpu.memory_space<semaphore_mem>>
        %dma_start3A_333 = tpu.memref_squeeze %dma_start3A_332 : memref<1x!tpu.dma_semaphore, #tpu.memory_space<semaphore_mem>> -> memref<!tpu.dma_semaphore, #tpu.memory_space<semaphore_mem>>
        tpu.enqueue_indirect_dma source(%dma_start3A_331 : memref<10000x64xf32, #tpu.memory_space<hbm>>) target(%dma_start3A_321 : memref<128x64xf32, #tpu.memory_space<vmem>>) offsets(%dma_start3A_324 : memref<128xi32, #tpu.memory_space<vmem>>) semaphore(%dma_start3A_333 : memref<!tpu.dma_semaphore, #tpu.memory_space<semaphore_mem>>)
      } else {
      }
    }
    %scan3A_80 = arith.constant 40 : i32
    %barrier3A_81 = arith.constant 0 : index
    tpu.barrier barrier_id(%barrier3A_81)
    %scan3A_82 = arith.constant 0 : i32
    %scan3A_83 = arith.constant 0 : i32
    %scan3A_84 = arith.constant 5 : i32
    %scan3A_85 = arith.addi %scan3A_83, %scan3A_84 : i32
    %scan3A_86 = arith.constant 1 : i32
    scf.for %scan3A_88 = %scan3A_83 to %scan3A_85 step %scan3A_86  : i32 {
      %mul3A_89 = arith.constant 640 : i32
      %mul3A_90 = arith.muli %arg1, %mul3A_89 : i32
      %mul3A_91 = arith.constant 128 : i32
      %mul3A_92 = arith.muli %scan3A_88, %mul3A_91 : i32
      %add3A = arith.addi %mul3A_90, %mul3A_92 : i32
      "tpu.region"() ({
        %run_scoped3A = tpu.sem_alloc : memref<!tpu.dma_semaphore, #tpu.memory_space<semaphore_mem>>
        %dma_start3A_101 = arith.constant 0 : i32
        %dma_start3A_102 = tpu.memref_slice %arg15[%add3A, %dma_start3A_101] : memref<10240x64xf32, #tpu.memory_space<vmem_shared>> -> memref<128x64xf32, #tpu.memory_space<vmem_shared>>
        %dma_start3A_103 = arith.constant 0 : i32
        %dma_start3A_104 = tpu.memref_slice %arg15[%add3A, %dma_start3A_103] : memref<10240x64xf32, #tpu.memory_space<vmem_shared>> -> memref<128x64xf32, #tpu.memory_space<vmem_shared>>
        tpu.enqueue_dma source(%dma_start3A_104 : memref<128x64xf32, #tpu.memory_space<vmem_shared>>) target(%arg14 : memref<128x64xf32, #tpu.memory_space<vmem>>) target_semaphore(%run_scoped3A : memref<!tpu.dma_semaphore, #tpu.memory_space<semaphore_mem>>)
        %dma_wait3A = arith.constant 0 : i32
        %dma_wait3A_105 = tpu.memref_slice %arg15[%add3A, %dma_wait3A] : memref<10240x64xf32, #tpu.memory_space<vmem_shared>> -> memref<128x64xf32, #tpu.memory_space<vmem_shared>>
        %dma_wait3A_106 = arith.constant 0 : i32
        %dma_wait3A_107 = tpu.memref_slice %arg15[%add3A, %dma_wait3A_106] : memref<10240x64xf32, #tpu.memory_space<vmem_shared>> -> memref<128x64xf32, #tpu.memory_space<vmem_shared>>
        tpu.wait_dma2 semaphore(%run_scoped3A : memref<!tpu.dma_semaphore, #tpu.memory_space<semaphore_mem>>) src(%dma_wait3A_107 : memref<128x64xf32, #tpu.memory_space<vmem_shared>>) dst(%arg14 : memref<128x64xf32, #tpu.memory_space<vmem>>)
        tpu.yield
      }) : () -> ()
      "tpu.region"() ({
        %run_scoped3A = tpu.sem_alloc : memref<!tpu.dma_semaphore, #tpu.memory_space<semaphore_mem>>
        %dma_start3A_101 = arith.constant 0 : i32
        %dma_start3A_102 = tpu.memref_slice %arg6[%add3A, %dma_start3A_101] : memref<10240x16xf32, #tpu.memory_space<hbm>> -> memref<128x16xf32, #tpu.memory_space<hbm>>
        %dma_start3A_103 = arith.constant 0 : i32
        %dma_start3A_104 = tpu.memref_slice %arg6[%add3A, %dma_start3A_103] : memref<10240x16xf32, #tpu.memory_space<hbm>> -> memref<128x16xf32, #tpu.memory_space<hbm>>
        tpu.enqueue_dma source(%dma_start3A_104 : memref<128x16xf32, #tpu.memory_space<hbm>>) target(%arg13 : memref<128x16xf32, #tpu.memory_space<vmem>>) target_semaphore(%run_scoped3A : memref<!tpu.dma_semaphore, #tpu.memory_space<semaphore_mem>>)
        %dma_wait3A = arith.constant 0 : i32
        %dma_wait3A_105 = tpu.memref_slice %arg6[%add3A, %dma_wait3A] : memref<10240x16xf32, #tpu.memory_space<hbm>> -> memref<128x16xf32, #tpu.memory_space<hbm>>
        %dma_wait3A_106 = arith.constant 0 : i32
        %dma_wait3A_107 = tpu.memref_slice %arg6[%add3A, %dma_wait3A_106] : memref<10240x16xf32, #tpu.memory_space<hbm>> -> memref<128x16xf32, #tpu.memory_space<hbm>>
        tpu.wait_dma2 semaphore(%run_scoped3A : memref<!tpu.dma_semaphore, #tpu.memory_space<semaphore_mem>>) src(%dma_wait3A_107 : memref<128x16xf32, #tpu.memory_space<hbm>>) dst(%arg13 : memref<128x16xf32, #tpu.memory_space<vmem>>)
        tpu.yield
      }) : () -> ()
      %scan3A_93 = arith.constant 0 : i32
      %scan3A_94 = arith.constant 0 : i32
      %scan3A_95 = arith.constant 128 : i32
      %scan3A_96 = arith.addi %scan3A_94, %scan3A_95 : i32
      %scan3A_97 = arith.constant 1 : i32
      scf.for %scan3A_101 = %scan3A_94 to %scan3A_96 step %scan3A_97  : i32 {
        %get3A = arith.index_cast %scan3A_101 : i32 to index
        %get3A_102 = arith.constant 0 : index
        %get3A_103 = tpu.vector_load %arg13[%get3A, %get3A_102] {strides = array<i32>} : memref<128x16xf32, #tpu.memory_space<vmem>>, vector<1x16xf32>,
        %get3A_104 = vector.shape_cast %get3A_103 : vector<1x16xf32> to vector<16xf32>
        %get3A_105 = arith.index_cast %scan3A_101 : i32 to index
        %get3A_106 = arith.constant 0 : index
        %get3A_107 = tpu.vector_load %arg14[%get3A_105, %get3A_106] {strides = array<i32>} : memref<128x64xf32, #tpu.memory_space<vmem>>, vector<1x16xf32>,
        %get3A_108 = vector.shape_cast %get3A_107 : vector<1x16xf32> to vector<16xf32>
        %mul3A_109 = arith.mulf %get3A_108, %get3A_104 : vector<16xf32>
        %max3A = arith.constant 0.000000e+00 : f32
        %max3A_110 = vector.broadcast %max3A : f32 to vector<16xf32>
        %max3A_111 = arith.maximumf %mul3A_109, %max3A_110 : vector<16xf32>
        %swap3A = arith.index_cast %scan3A_101 : i32 to index
        %swap3A_112 = arith.constant 0 : index
        %swap3A_113 = tpu.vector_load %arg14[%swap3A, %swap3A_112] {strides = array<i32>} : memref<128x64xf32, #tpu.memory_space<vmem>>, vector<1x16xf32>,
        %swap3A_114 = vector.shape_cast %swap3A_113 : vector<1x16xf32> to vector<16xf32>
        %swap3A_115 = vector.shape_cast %max3A_111 : vector<16xf32> to vector<1x16xf32>
        tpu.vector_store %arg14[%swap3A, %swap3A_112], %swap3A_115 {strides = array<i32>} : memref<128x64xf32, #tpu.memory_space<vmem>>, vector<1x16xf32>,
        %get3A_116 = arith.index_cast %scan3A_101 : i32 to index
        %get3A_117 = arith.constant 16 : index
        %get3A_118 = tpu.vector_load %arg14[%get3A_116, %get3A_117] {strides = array<i32>} : memref<128x64xf32, #tpu.memory_space<vmem>>, vector<1x16xf32>,
        %get3A_119 = vector.shape_cast %get3A_118 : vector<1x16xf32> to vector<16xf32>
        %mul3A_120 = arith.mulf %get3A_119, %get3A_104 : vector<16xf32>
        %max3A_121 = arith.constant 0.000000e+00 : f32
        %max3A_122 = vector.broadcast %max3A_121 : f32 to vector<16xf32>
        %max3A_123 = arith.maximumf %mul3A_120, %max3A_122 : vector<16xf32>
        %swap3A_124 = arith.index_cast %scan3A_101 : i32 to index
        %swap3A_125 = arith.constant 16 : index
        %swap3A_126 = tpu.vector_load %arg14[%swap3A_124, %swap3A_125] {strides = array<i32>} : memref<128x64xf32, #tpu.memory_space<vmem>>, vector<1x16xf32>,
        %swap3A_127 = vector.shape_cast %swap3A_126 : vector<1x16xf32> to vector<16xf32>
        %swap3A_128 = vector.shape_cast %max3A_123 : vector<16xf32> to vector<1x16xf32>
        tpu.vector_store %arg14[%swap3A_124, %swap3A_125], %swap3A_128 {strides = array<i32>} : memref<128x64xf32, #tpu.memory_space<vmem>>, vector<1x16xf32>,
        %get3A_129 = arith.index_cast %scan3A_101 : i32 to index
        %get3A_130 = arith.constant 32 : index
        %get3A_131 = tpu.vector_load %arg14[%get3A_129, %get3A_130] {strides = array<i32>} : memref<128x64xf32, #tpu.memory_space<vmem>>, vector<1x16xf32>,
        %get3A_132 = vector.shape_cast %get3A_131 : vector<1x16xf32> to vector<16xf32>
        %mul3A_133 = arith.mulf %get3A_132, %get3A_104 : vector<16xf32>
        %max3A_134 = arith.constant 0.000000e+00 : f32
        %max3A_135 = vector.broadcast %max3A_134 : f32 to vector<16xf32>
        %max3A_136 = arith.maximumf %mul3A_133, %max3A_135 : vector<16xf32>
        %swap3A_137 = arith.index_cast %scan3A_101 : i32 to index
        %swap3A_138 = arith.constant 32 : index
        %swap3A_139 = tpu.vector_load %arg14[%swap3A_137, %swap3A_138] {strides = array<i32>} : memref<128x64xf32, #tpu.memory_space<vmem>>, vector<1x16xf32>,
        %swap3A_140 = vector.shape_cast %swap3A_139 : vector<1x16xf32> to vector<16xf32>
        %swap3A_141 = vector.shape_cast %max3A_136 : vector<16xf32> to vector<1x16xf32>
        tpu.vector_store %arg14[%swap3A_137, %swap3A_138], %swap3A_141 {strides = array<i32>} : memref<128x64xf32, #tpu.memory_space<vmem>>, vector<1x16xf32>,
        %get3A_142 = arith.index_cast %scan3A_101 : i32 to index
        %get3A_143 = arith.constant 48 : index
        %get3A_144 = tpu.vector_load %arg14[%get3A_142, %get3A_143] {strides = array<i32>} : memref<128x64xf32, #tpu.memory_space<vmem>>, vector<1x16xf32>,
        %get3A_145 = vector.shape_cast %get3A_144 : vector<1x16xf32> to vector<16xf32>
        %mul3A_146 = arith.mulf %get3A_145, %get3A_104 : vector<16xf32>
        %max3A_147 = arith.constant 0.000000e+00 : f32
        %max3A_148 = vector.broadcast %max3A_147 : f32 to vector<16xf32>
        %max3A_149 = arith.maximumf %mul3A_146, %max3A_148 : vector<16xf32>
        %swap3A_150 = arith.index_cast %scan3A_101 : i32 to index
        %swap3A_151 = arith.constant 48 : index
        %swap3A_152 = tpu.vector_load %arg14[%swap3A_150, %swap3A_151] {strides = array<i32>} : memref<128x64xf32, #tpu.memory_space<vmem>>, vector<1x16xf32>,
        %swap3A_153 = vector.shape_cast %swap3A_152 : vector<1x16xf32> to vector<16xf32>
        %swap3A_154 = vector.shape_cast %max3A_149 : vector<16xf32> to vector<1x16xf32>
        tpu.vector_store %arg14[%swap3A_150, %swap3A_151], %swap3A_154 {strides = array<i32>} : memref<128x64xf32, #tpu.memory_space<vmem>>, vector<1x16xf32>,
      }
      %scan3A_98 = arith.constant 128 : i32
      %mul3A_99 = arith.constant 64 : i32
      %mul3A_100 = arith.muli %arg0, %mul3A_99 : i32
      "tpu.region"() ({
        %run_scoped3A = tpu.sem_alloc : memref<!tpu.dma_semaphore, #tpu.memory_space<semaphore_mem>>
        %dma_start3A_101 = tpu.memref_slice %arg7[%add3A, %mul3A_100] : memref<10240x128xf32, #tpu.memory_space<hbm>> -> memref<128x64xf32, #tpu.memory_space<hbm>>
        %dma_start3A_102 = tpu.memref_slice %arg7[%add3A, %mul3A_100] : memref<10240x128xf32, #tpu.memory_space<hbm>> -> memref<128x64xf32, #tpu.memory_space<hbm>>
        tpu.enqueue_dma source(%arg14 : memref<128x64xf32, #tpu.memory_space<vmem>>) target(%dma_start3A_102 : memref<128x64xf32, #tpu.memory_space<hbm>>) target_semaphore(%run_scoped3A : memref<!tpu.dma_semaphore, #tpu.memory_space<semaphore_mem>>)
        %dma_wait3A = tpu.memref_slice %arg7[%add3A, %mul3A_100] : memref<10240x128xf32, #tpu.memory_space<hbm>> -> memref<128x64xf32, #tpu.memory_space<hbm>>
        %dma_wait3A_103 = tpu.memref_slice %arg7[%add3A, %mul3A_100] : memref<10240x128xf32, #tpu.memory_space<hbm>> -> memref<128x64xf32, #tpu.memory_space<hbm>>
        tpu.wait_dma2 semaphore(%run_scoped3A : memref<!tpu.dma_semaphore, #tpu.memory_space<semaphore_mem>>) src(%arg14 : memref<128x64xf32, #tpu.memory_space<vmem>>) dst(%dma_wait3A_103 : memref<128x64xf32, #tpu.memory_space<hbm>>)
        tpu.yield
      }) : () -> ()
    }
    %scan3A_87 = arith.constant 5 : i32
    return
  }
}

module attributes {stable_mosaic.version = 14 : i64} {
  func.func @_l1_body(%arg0: memref<10000x128xf32, #tpu.memory_space<vmem>>, %arg1: memref<128x128xf32, #tpu.memory_space<vmem>>, %arg2: memref<128xf32, #tpu.memory_space<vmem>>, %arg3: memref<2x10240xf32, #tpu.memory_space<vmem>>, %arg4: memref<2x10000x64xf32, #tpu.memory_space<vmem>>) attributes {dimension_semantics = [], scalar_prefetch = 0 : i64, scratch_operands = 0 : i64, tpu.core_type = #tpu.core_type<tc>} {
    %get3A = arith.constant 0 : index
    %get3A_0 = arith.constant 0 : index
    %get3A_1 = vector.load %arg3[%get3A, %get3A_0] : memref<2x10240xf32, #tpu.memory_space<vmem>>, vector<1x10000xf32>
    %get3A_2 = vector.shape_cast %get3A_1 : vector<1x10000xf32> to vector<10000xf32>
    %max3A = arith.constant 1.000000e+00 : f32
    %max3A_3 = vector.broadcast %max3A : f32 to vector<10000xf32>
    %max3A_4 = arith.maximumf %get3A_2, %max3A_3 : vector<10000xf32>
    %rsqrt3A = math.rsqrt %max3A_4 : vector<10000xf32>
    %get3A_5 = arith.constant 0 : index
    %get3A_6 = arith.constant 0 : index
    %get3A_7 = vector.load %arg0[%get3A_5, %get3A_6] : memref<10000x128xf32, #tpu.memory_space<vmem>>, vector<10000x128xf32>
    %get3A_8 = arith.constant 0 : index
    %get3A_9 = arith.constant 0 : index
    %get3A_10 = vector.load %arg1[%get3A_8, %get3A_9] : memref<128x128xf32, #tpu.memory_space<vmem>>, vector<128x128xf32>
    %dot_general3A = arith.constant dense<0.000000e+00> : vector<10000x128xf32>
    %dot_general3A_11 = tpu.matmul %get3A_7, %get3A_10, %dot_general3A {dimension_numbers = #tpu.dot_dimension_numbers<[1], [0], [0], [1], [0, 0, 1, 1], [], []>, transpose_lhs_hint = false} : vector<10000x128xf32>, vector<128x128xf32>, vector<10000x128xf32> -> vector<10000x128xf32>
    %get3A_12 = arith.constant 0 : index
    %get3A_13 = vector.load %arg2[%get3A_12] : memref<128xf32, #tpu.memory_space<vmem>>, vector<128xf32>
    %broadcast_in_dim3A = vector.shape_cast %get3A_13 : vector<128xf32> to vector<1x128xf32>
    %add3A = vector.broadcast %broadcast_in_dim3A : vector<1x128xf32> to vector<10000x128xf32>
    %add3A_14 = arith.addf %dot_general3A_11, %add3A : vector<10000x128xf32>
    %broadcast_in_dim3A_15 = vector.shape_cast %rsqrt3A : vector<10000xf32> to vector<10000x1xf32>
    %mul3A = vector.broadcast %broadcast_in_dim3A_15 : vector<10000x1xf32> to vector<10000x128xf32>
    %mul3A_16 = arith.mulf %add3A_14, %mul3A : vector<10000x128xf32>
    %slice3A = vector.extract_strided_slice %mul3A_16 {offsets = [0, 0], sizes = [10000, 64], strides = [1, 1]} : vector<10000x128xf32> to vector<10000x64xf32>
    %swap3A = arith.constant 0 : index
    %swap3A_17 = arith.constant 0 : index
    %swap3A_18 = arith.constant 0 : index
    %swap3A_19 = vector.load %arg4[%swap3A, %swap3A_17, %swap3A_18] : memref<2x10000x64xf32, #tpu.memory_space<vmem>>, vector<1x10000x64xf32>
    %swap3A_20 = vector.shape_cast %swap3A_19 : vector<1x10000x64xf32> to vector<10000x64xf32>
    %swap3A_21 = vector.shape_cast %slice3A : vector<10000x64xf32> to vector<1x10000x64xf32>
    tpu.vector_store %arg4[%swap3A, %swap3A_17, %swap3A_18], %swap3A_21 {strides = array<i32>} : memref<2x10000x64xf32, #tpu.memory_space<vmem>>, vector<1x10000x64xf32>,
    %slice3A_22 = vector.extract_strided_slice %mul3A_16 {offsets = [0, 64], sizes = [10000, 64], strides = [1, 1]} : vector<10000x128xf32> to vector<10000x64xf32>
    %swap3A_23 = arith.constant 1 : index
    %swap3A_24 = arith.constant 0 : index
    %swap3A_25 = arith.constant 0 : index
    %swap3A_26 = vector.load %arg4[%swap3A_23, %swap3A_24, %swap3A_25] : memref<2x10000x64xf32, #tpu.memory_space<vmem>>, vector<1x10000x64xf32>
    %swap3A_27 = vector.shape_cast %swap3A_26 : vector<1x10000x64xf32> to vector<10000x64xf32>
    %swap3A_28 = vector.shape_cast %slice3A_22 : vector<10000x64xf32> to vector<1x10000x64xf32>
    tpu.vector_store %arg4[%swap3A_23, %swap3A_24, %swap3A_25], %swap3A_28 {strides = array<i32>} : memref<2x10000x64xf32, #tpu.memory_space<vmem>>, vector<1x10000x64xf32>,
    return
  }
}

module attributes {stable_mosaic.version = 14 : i64} {
  func.func @_l2_body(%arg0: memref<2x10240x64xf32, #tpu.memory_space<vmem>>, %arg1: memref<128x128xf32, #tpu.memory_space<vmem>>, %arg2: memref<128xf32, #tpu.memory_space<vmem>>, %arg3: memref<2x10240xf32, #tpu.memory_space<vmem>>, %arg4: memref<2x10000x64xf32, #tpu.memory_space<vmem>>, %arg5: memref<10240x16xf32, #tpu.memory_space<vmem>>) attributes {dimension_semantics = [], scalar_prefetch = 0 : i64, scratch_operands = 0 : i64, tpu.core_type = #tpu.core_type<tc>} {
    %get3A = arith.constant 1 : index
    %get3A_0 = arith.constant 0 : index
    %get3A_1 = vector.load %arg3[%get3A, %get3A_0] : memref<2x10240xf32, #tpu.memory_space<vmem>>, vector<1x10240xf32>
    %get3A_2 = vector.shape_cast %get3A_1 : vector<1x10240xf32> to vector<10240xf32>
    %max3A = arith.constant 1.000000e+00 : f32
    %max3A_3 = vector.broadcast %max3A : f32 to vector<10240xf32>
    %max3A_4 = arith.maximumf %get3A_2, %max3A_3 : vector<10240xf32>
    %rsqrt3A = math.rsqrt %max3A_4 : vector<10240xf32>
    %slice3A = vector.extract_strided_slice %rsqrt3A {offsets = [0], sizes = [10000], strides = [1]} : vector<10240xf32> to vector<10000xf32>
    %get3A_5 = arith.constant 0 : index
    %get3A_6 = arith.constant 0 : index
    %get3A_7 = vector.load %arg3[%get3A_5, %get3A_6] : memref<2x10240xf32, #tpu.memory_space<vmem>>, vector<1x10000xf32>
    %get3A_8 = vector.shape_cast %get3A_7 : vector<1x10000xf32> to vector<10000xf32>
    %max3A_9 = arith.constant 1.000000e+00 : f32
    %max3A_10 = vector.broadcast %max3A_9 : f32 to vector<10000xf32>
    %max3A_11 = arith.maximumf %get3A_8, %max3A_10 : vector<10000xf32>
    %rsqrt3A_12 = math.rsqrt %max3A_11 : vector<10000xf32>
    %get3A_13 = arith.constant 0 : index
    %get3A_14 = arith.constant 0 : index
    %get3A_15 = arith.constant 0 : index
    %get3A_16 = vector.load %arg0[%get3A_13, %get3A_14, %get3A_15] : memref<2x10240x64xf32, #tpu.memory_space<vmem>>, vector<1x10000x64xf32>
    %get3A_17 = vector.shape_cast %get3A_16 : vector<1x10000x64xf32> to vector<10000x64xf32>
    %get3A_18 = arith.constant 1 : index
    %get3A_19 = arith.constant 0 : index
    %get3A_20 = arith.constant 0 : index
    %get3A_21 = vector.load %arg0[%get3A_18, %get3A_19, %get3A_20] : memref<2x10240x64xf32, #tpu.memory_space<vmem>>, vector<1x10000x64xf32>
    %get3A_22 = vector.shape_cast %get3A_21 : vector<1x10000x64xf32> to vector<10000x64xf32>
    %concatenate3A = tpu.concatenate %get3A_17, %get3A_22 in 1 : vector<10000x64xf32>, vector<10000x64xf32> -> vector<10000x128xf32>
    %broadcast_in_dim3A = vector.shape_cast %slice3A : vector<10000xf32> to vector<10000x1xf32>
    %mul3A = vector.broadcast %broadcast_in_dim3A : vector<10000x1xf32> to vector<10000x128xf32>
    %mul3A_23 = arith.mulf %concatenate3A, %mul3A : vector<10000x128xf32>
    %max3A_24 = arith.constant 0.000000e+00 : f32
    %max3A_25 = vector.broadcast %max3A_24 : f32 to vector<10000x128xf32>
    %max3A_26 = arith.maximumf %mul3A_23, %max3A_25 : vector<10000x128xf32>
    %get3A_27 = arith.constant 0 : index
    %get3A_28 = arith.constant 0 : index
    %get3A_29 = vector.load %arg1[%get3A_27, %get3A_28] : memref<128x128xf32, #tpu.memory_space<vmem>>, vector<128x128xf32>
    %dot_general3A = arith.constant dense<0.000000e+00> : vector<10000x128xf32>
    %dot_general3A_30 = tpu.matmul %max3A_26, %get3A_29, %dot_general3A {dimension_numbers = #tpu.dot_dimension_numbers<[1], [0], [0], [1], [0, 0, 1, 1], [], []>, transpose_lhs_hint = false} : vector<10000x128xf32>, vector<128x128xf32>, vector<10000x128xf32> -> vector<10000x128xf32>
    %get3A_31 = arith.constant 0 : index
    %get3A_32 = vector.load %arg2[%get3A_31] : memref<128xf32, #tpu.memory_space<vmem>>, vector<128xf32>
    %broadcast_in_dim3A_33 = vector.shape_cast %get3A_32 : vector<128xf32> to vector<1x128xf32>
    %add3A = vector.broadcast %broadcast_in_dim3A_33 : vector<1x128xf32> to vector<10000x128xf32>
    %add3A_34 = arith.addf %dot_general3A_30, %add3A : vector<10000x128xf32>
    %broadcast_in_dim3A_35 = vector.shape_cast %rsqrt3A_12 : vector<10000xf32> to vector<10000x1xf32>
    %mul3A_36 = vector.broadcast %broadcast_in_dim3A_35 : vector<10000x1xf32> to vector<10000x128xf32>
    %mul3A_37 = arith.mulf %add3A_34, %mul3A_36 : vector<10000x128xf32>
    %slice3A_38 = vector.extract_strided_slice %mul3A_37 {offsets = [0, 0], sizes = [10000, 64], strides = [1, 1]} : vector<10000x128xf32> to vector<10000x64xf32>
    %swap3A = arith.constant 0 : index
    %swap3A_39 = arith.constant 0 : index
    %swap3A_40 = arith.constant 0 : index
    %swap3A_41 = vector.load %arg4[%swap3A, %swap3A_39, %swap3A_40] : memref<2x10000x64xf32, #tpu.memory_space<vmem>>, vector<1x10000x64xf32>
    %swap3A_42 = vector.shape_cast %swap3A_41 : vector<1x10000x64xf32> to vector<10000x64xf32>
    %swap3A_43 = vector.shape_cast %slice3A_38 : vector<10000x64xf32> to vector<1x10000x64xf32>
    tpu.vector_store %arg4[%swap3A, %swap3A_39, %swap3A_40], %swap3A_43 {strides = array<i32>} : memref<2x10000x64xf32, #tpu.memory_space<vmem>>, vector<1x10000x64xf32>,
    %slice3A_44 = vector.extract_strided_slice %mul3A_37 {offsets = [0, 64], sizes = [10000, 64], strides = [1, 1]} : vector<10000x128xf32> to vector<10000x64xf32>
    %swap3A_45 = arith.constant 1 : index
    %swap3A_46 = arith.constant 0 : index
    %swap3A_47 = arith.constant 0 : index
    %swap3A_48 = vector.load %arg4[%swap3A_45, %swap3A_46, %swap3A_47] : memref<2x10000x64xf32, #tpu.memory_space<vmem>>, vector<1x10000x64xf32>
    %swap3A_49 = vector.shape_cast %swap3A_48 : vector<1x10000x64xf32> to vector<10000x64xf32>
    %swap3A_50 = vector.shape_cast %slice3A_44 : vector<10000x64xf32> to vector<1x10000x64xf32>
    tpu.vector_store %arg4[%swap3A_45, %swap3A_46, %swap3A_47], %swap3A_50 {strides = array<i32>} : memref<2x10000x64xf32, #tpu.memory_space<vmem>>, vector<1x10000x64xf32>,
    %broadcast_in_dim3A_51 = vector.shape_cast %rsqrt3A : vector<10240xf32> to vector<10240x1xf32>
    %broadcast_in_dim3A_52 = vector.shape_cast %broadcast_in_dim3A_51 : vector<10240x1xf32> to vector<10240x1xf32>
    %broadcast_in_dim3A_53 = vector.broadcast %broadcast_in_dim3A_52 : vector<10240x1xf32> to vector<10240x16xf32>
    %swap3A_54 = arith.constant 0 : index
    %swap3A_55 = arith.constant 0 : index
    %swap3A_56 = vector.load %arg5[%swap3A_54, %swap3A_55] : memref<10240x16xf32, #tpu.memory_space<vmem>>, vector<10240x16xf32>
    tpu.vector_store %arg5[%swap3A_54, %swap3A_55], %broadcast_in_dim3A_53 {strides = array<i32>} : memref<10240x16xf32, #tpu.memory_space<vmem>>, vector<10240x16xf32>,
    return
  }
}

</mosaic_0001>

<sc_bundles>
// kernel: kernel.10.cloned.1.call-start
scs
__scs_entry_jumppad:
0x0: {  	(pc) =	sbr.rel $0x88, $3  }
0x1: {  	(tag) =	ssettag $0x0;
	lr =	simm.s32 $0x1  }
0x2: {  	[smem:$0x3F9B] =	sst lr;
	_ =	strace $0xD0000000  }
0x3: {  	_ = 	snop  }
0x4: {  	_ = 	snop  }
0x5: {  	_ = 	snop  }
0x6: {  	_ = 	snop  }
0x7: {  	_ = 	snop  }
__scs_overlays_trampoline_lowered:
0x8: {  	[smem:$0x3FAA] =	sst s0  }
0x9: {  	[smem:$0x3FAB] =	sst s1  }
0xa: {  	[smem:$0x3FAC] =	sst s2  }
0xb: {  	[smem:$0x3FAD] =	sst s3  }
0xc: {  	[smem:$0x3FAE] =	sst s4  }
0xd: {  	[smem:$0x3FAF] =	sst s5  }
0xe: {  	[smem:$0x3FB0] =	sst s6  }
0xf: {  	[smem:$0x3FB1] =	sst s7  }
0x10: {  	[smem:$0x3FB2] =	sst s8  }
0x11: {  	[smem:$0x3FB3] =	sst s9;
	s0 =	simm.s32 @!p0 $0x0  }
0x12: {  	s1 =	sld [smem:$0x3F99];
	s0 =	simm.s32 @p0 $0x1  }
0x13: {  	[smem:$0x3FB4] =	sst s0;
	s0 =	simm.s32 @!p1 $0x0  }
0x14: {  	s2 =	sld [smem:$0x3F98];
	s0 =	simm.s32 @p1 $0x1  }
0x15: {  	[smem:$0x3FB5] =	sst s0;
	s0 =	simm.s32 @!p2 $0x0  }
0x16: {  	s3 =	sld [smem:$0x3FDB];
	s0 =	simm.s32 @p2 $0x1  }
0x17: {  	s4 =	simm.s32 $0x1BF5;
	[smem:$0x3FB7] =	sst s0  }
0x18: {  	s0 =	sld [smem:$0x3F9A];
	_ =	swait.ge [sflag:s4], $0x0  }
0x19: {  	s7 =	sld [smem:$0x3F9B]  }
0x1a: {  	s8 =	sadd.s32 $0xFFFFE003, lr  }
0x1b: {  	s9 =	sadd.s32 $0xFFFFFEF7, lr;
	s5 =	simm.s32 $0xFFFFFFFF;
	p2 =	slt.u32 s8, $0xFFFFF086  }
0x1c: {  	p1 =	slt.u32 s9, $0xF7A;
	s5 =	simm.s32 @!p2 $0x0  }
0x1d: {  	s5 =	simm.s32 @p1 $0x1;
	p0 =	seq.s32 s7, s2  }
0x1e: {  	s7 =	smul.u32 @!p0 $0xF7A, s2;
	p2 =	seq.s32 @!p0 s5, $0x0  }
0x1f: {  	s9 =	smul.u32 $0xF7A, s1;
	s8 =	simm.s32 @!p0 $0x1BF5;
	p2 =	por !p2, p0  }
0x20: {  	[sflag:s8] =	ssyncset.s32 @!p0 $0xFFFFF086;
	s6 =	sadd.s32 @!p0 s3, s7;
	s7 =	simm.s32 @!p0 $0x108  }
0x21: {  	s3 =	sadd.s32 s3, s9;
	s6 =	sadd.s32 @!p0 $0x88, s6;
	s7 =	simm.s32 @p2 $0x1082  }
0x22: {  	[simem:s7], [sflag:s8] =	dma.local @!p0 [hbm:s6], $0xF7A  }
0x23: {  	s9 =	sor.u32 $0xD0000000, s2;
	s6 =	simm.s32 $0x108;
	_ =	swait.ge @!p0 [sflag:s8], $0x0  }
0x24: {  	s3 =	sadd.s32 $0x88, s3;
	s6 =	simm.s32 @!p1 $0x1082;
	[sflag:s4] =	ssyncset.s32 $0xFFFFF086  }
0x25: {  	[simem:s6], [sflag:s4] =	dma.local [hbm:s3], $0xF7A  }
0x26: {  	[smem:$0x3F9B] =	sst s1;
	(tag) =	ssettag s2;
	_ =	strace s9  }
0x27: {  	s1 =	sld [smem:$0x3FAB]  }
0x28: {  	s2 =	sld [smem:$0x3FAC]  }
0x29: {  	s4 =	sld [smem:$0x3FAE]  }
0x2a: {  	p0 =	seq.s32 s5, $0x0;
	s5 =	sld [smem:$0x3FAF]  }
0x2b: {  	s6 =	sld [smem:$0x3FB0]  }
0x2c: {  	s7 =	sld [smem:$0x3FB1]  }
0x2d: {  	s3 =	simm.s32 $0x108;
	s8 =	sld [smem:$0x3FB2]  }
0x2e: {  	s3 =	simm.s32 @!p0 $0x1082;
	s9 =	sld [smem:$0x3FB3]  }
0x2f: {  	lr =	sadd.s32 s0, s3;
	s0 =	sld [smem:$0x3FAA]  }
0x30: {  	s3 =	sld [smem:$0x3FAD]  }
0x31: {  	[smem:$0x3FB6] =	sst s10  }
0x32: {  	s10 =	sld [smem:$0x3FB4];
	_ =	sdelay $0x3  }
0x33: {  	p0 =	seq.s32 s10, $0x1;
	s10 =	sld [smem:$0x3FB6];
	_ =	sdelay $0x3  }
0x34: {  	[smem:$0x3FB6] =	sst s10  }
0x35: {  	s10 =	sld [smem:$0x3FB5];
	_ =	sdelay $0x3  }
0x36: {  	p1 =	seq.s32 s10, $0x1;
	s10 =	sld [smem:$0x3FB6];
	_ =	sdelay $0x3  }
0x37: {  	[smem:$0x3FB6] =	sst s10  }
0x38: {  	s10 =	sld [smem:$0x3FB7]  }
0x39: {  	_ = 	snop;
	(pc) =	sbr.ind lr, $3  }
0x3a: {  	_ = 	snop  }
0x3b: {  	_ = 	snop  }
0x3c: {  	p2 =	seq.s32 s10, $0x1;
	s10 =	sld [smem:$0x3FB6]  }
0x3d: {  	_ =	shalt  }
0x3e: {  	_ =	shalt  }
0x3f: {  	_ =	shalt  }
0x40: {  	_ =	shalt  }
0x41: {  	_ =	shalt  }
0x42: {  	_ =	shalt  }
0x43: {  	_ =	shalt  }
0x44: {  	_ =	shalt  }
0x45: {  	_ =	shalt  }
0x46: {  	_ =	shalt  }
0x47: {  	_ =	shalt  }
0x48: {  	_ =	shalt  }
0x49: {  	_ =	shalt  }
0x4a: {  	_ =	shalt  }
0x4b: {  	_ =	shalt  }
0x4c: {  	_ =	shalt  }
0x4d: {  	_ =	shalt  }
0x4e: {  	_ =	shalt  }
0x4f: {  	_ =	shalt  }
0x50: {  	_ =	shalt  }
0x51: {  	_ =	shalt  }
0x52: {  	_ =	shalt  }
0x53: {  	_ =	shalt  }
0x54: {  	_ =	shalt  }
0x55: {  	_ =	shalt  }
0x56: {  	_ =	shalt  }
0x57: {  	_ =	shalt  }
0x58: {  	_ =	shalt  }
0x59: {  	_ =	shalt  }
0x5a: {  	_ =	shalt  }
0x5b: {  	_ =	shalt  }
0x5c: {  	_ =	shalt  }
0x5d: {  	_ =	shalt  }
0x5e: {  	_ =	shalt  }
0x5f: {  	_ =	shalt  }
0x60: {  	_ =	shalt  }
0x61: {  	_ =	shalt  }
0x62: {  	_ =	shalt  }
0x63: {  	_ =	shalt  }
0x64: {  	_ =	shalt  }
0x65: {  	_ =	shalt  }
0x66: {  	_ =	shalt  }
0x67: {  	_ =	shalt  }
0x68: {  	_ =	shalt  }
0x69: {  	_ =	shalt  }
0x6a: {  	_ =	shalt  }
0x6b: {  	_ =	shalt  }
0x6c: {  	_ =	shalt  }
0x6d: {  	_ =	shalt  }
0x6e: {  	_ =	shalt  }
0x6f: {  	_ =	shalt  }
0x70: {  	_ =	shalt  }
0x71: {  	_ =	shalt  }
0x72: {  	_ =	shalt  }
0x73: {  	_ =	shalt  }
0x74: {  	_ =	shalt  }
0x75: {  	_ =	shalt  }
0x76: {  	_ =	shalt  }
0x77: {  	_ =	shalt  }
0x78: {  	_ =	shalt  }
0x79: {  	_ =	shalt  }
0x7a: {  	_ =	shalt  }
0x7b: {  	_ =	shalt  }
0x7c: {  	_ =	shalt  }
0x7d: {  	_ =	shalt  }
0x7e: {  	_ =	shalt  }
0x7f: {  	_ =	shalt  }
0x80: {  	_ =	shalt  }
0x81: {  	_ =	shalt  }
0x82: {  	_ =	shalt  }
0x83: {  	_ =	shalt  }
0x84: {  	_ =	shalt  }
0x85: {  	_ =	shalt  }
0x86: {  	_ =	shalt  }
0x87: {  	_ =	shalt  }
.Lfunc_end0:
.L_simem_size_0:
called_computation.1_lowered:
.L_overlay_start_0:
0x88: {  	s2 =	sld [smem:$0x3FD9]  }
0x89: {  	s3 =	sld [smem:$0x3FFE];
	_ =	sdelay $0x1  }
0x8a: {  	s1 =	srdreg.scid  }
0x8b: {  	s0 =	sand.u32 $0x1, s1  }
0x8c: {  	s17 =	sshll.u32 s0, $0xA;
	s2 =	sadd.s32 s3, s2  }
0x8d: {  	s2 =	sadd.s32 s2, s17  }
0x8e: {  	[smem:$0x3FC2] =	sst s2  }
0x8f: {  	_ = 	snop  }
0x90: {  	s2 =	sld [smem:$0x3FD0];
	(tm) =	ssettm $0x1  }
0x91: {  	s18 =	sld [smem:$0x3FFB];
	_ =	sdelay $0x3  }
0x92: {  	_ =	strace s18  }
0x93: {  	s3 =	sld [smem:$0x3FFC];
	_ =	sdelay $0x3  }
0x94: {  	_ =	strace s3  }
0x95: {  	s3 =	sld [smem:$0x3FFD];
	_ =	sdelay $0x3  }
0x96: {  	_ =	strace s3  }
0x97: {  	_ =	strace $0x8FFFFFFF  }
0x98: {  	s19 =	sld [smem:$0x3FDB];
	_ =	sdelay $0x1  }
0x99: {  	s4 =	simm.s32 $_scs_section_size  }
0x9a: {  	s5 =	simm.s32 $_size__tile_overlayer_lowered;
	s6 =	simm.s32 $_tile_overlayer_lowered  }
0x9b: {  	s22 =	simm.s32 $0x1BFF;
	s21 =	sshll.u32 s6, $0x1;
	s3 =	sadd.s32 s4, s19  }
0x9c: {  	s7 =	simm.s32 $0x0;
	s20 =	sshll.u32 s5, $0x1;
	s5 =	sadd.s32 s21, s3  }
0x9d: {  	[timem:s7], [sflag:s22] =	dma.local [hbm:s5], s20  }
0x9e: {  	_ =	swait.ge [sflag:s22], s20  }
0x9f: {  	s4 =	ssub.s32 $0x0, s20;
	[sflag:s22] =	ssyncset.done $0x0  }
0xa0: {  	[sflag:s22] =	ssyncadd.s32 s4;
	_ =	sdelay $0x1  }
0xa1: {  	s23 =	simm.s32 $0x1B8B  }
0xa2: {  	_ =	swait.ge [sflag:s23], $0x1  }
0xa3: {  	[sflag:s23] =	ssyncset.done $0x0  }
0xa4: {  	s25 =	simm.s32 $0x1B8E;
	s24 =	sld [smem:$0x3FFE];
	[sflag:s23] =	ssyncadd.s32 $0xFFFFFFFF  }
0xa5: {  	s26 =	simm.s32 $execute0_lowered;
	[smem:$0x3FD2] =	sst s25  }
0xa6: {  	s5 =	sshll.u32 s26, $0x1;
	_ =	strace $0x80000049;
	[dreg:$0x1] =	wrdreg $0xFFFFFFFF  }
0xa7: {  	s28 =	simm.s32 $_size_execute0_lowered;
	s3 =	sadd.s32 s3, s5;
	[dreg:$0x0] =	wrdreg $0x0  }
0xa8: {  	s5 =	sshll.u32 s28, $0x1;
	[dreg:$0x2] =	wrdreg s3  }
0xa9: {  	[dreg:$0x3] =	wrdreg s5  }
0xaa: {  	[dreg:$0x4] =	wrdreg $0xC0  }
0xab: {  	_ =	task [dreg:s7], $0x5FFFF  }
0xac: {  	[dreg:$0x1] =	wrdreg $0xFFFFFFFF  }
0xad: {  	[dreg:$0x0] =	wrdreg $0x60  }
0xae: {  	[dreg:$0x2] =	wrdreg s2  }
0xaf: {  	[dreg:$0x3] =	wrdreg s24  }
0xb0: {  	[dreg:$0x4] =	wrdreg $0x120000  }
0xb1: {  	[dreg:$0x5] =	wrdreg $0x9  }
0xb2: {  	_ =	task.clear_ibuf [dreg:s7], $0x6FFFF;
	_ =	strace $0x90000049  }
0xb3: {  	s29 =	simm.s32 $0x9;
	_ =	strace $0x8000004B  }
0xb4: {  	_ =	swait.ge [sflag:s29], $0x1  }
0xb5: {  	[sflag:s29] =	ssyncadd.s32 $0xFFFFFFFF  }
0xb6: {  	_ =	strace $0x9000004B  }
0xb7: {  	_ =	sfence  }
0xb8: {  	s30 =	sld [smem:$0x0];
	_ =	sdelay $0x2  }
0xb9: {  	s31 =	sshll.u32 s1, $0xD;
	s1 =	sshrl.u32 s1, $0x2  }
0xba: {  	s3 =	sand.u32 $0x4000, s31;
	s1 =	sadd.s32 s1, s30  }
0xbb: {  	s0 =	sor.u32 s3, s0;
	s1 =	sshll.u32 s1, $0x11  }
0xbc: {  	s0 =	sor.u32 s1, s0  }
0xbd: {  	s0 =	sadd.s32 $0x8F2B, s0  }
0xbe: {  	[sflag:s0] =	ssyncadd.remote.s32 $0x1  }
0xbf: {  	_ =	sfence.sel $0xFFFF  }
0xc0: {  	[dreg:$0x0] =	wrdreg $0xFFFFFFFF;
	(pc) =	sbr.abs _section_cstart, $3  }
0xc1: {  	[dreg:$0x1] =	wrdreg $0xFFFFFFFF  }
0xc2: {  	_ =	task.clear_ibuf [dreg:s7], $0x2FFFF;
	_ =	strace $0x9FFFFFFF  }
0xc3: {  	(tm) =	ssettm $0x7FFFFFFF  }
tec
execute0_lowered:
.L_overlay_start_1:
0x0: {  	(tag) =	ssettag $0x1  }
0x1: {  	s0 =	rddreg [dreg:$0x0]  }
0x2: {  	s1 =	rddreg [dreg:$0x1]  }
0x3: {  	s2 =	rddreg [dreg:$0x2]  }
0x4: {  	s12 =	stileid.u32;
	s5 =	srdreg.scid;
	s3 =	simm.s32 $0x0  }
0x5: {  	s14 =	simm.s32 $0x80;
	s15 =	simm.s32 $0xA000;
	s16 =	simm.s32 $0xC000  }
0x6: {  	s18 =	simm.s32 $0xE000;
	s20 =	simm.s32 $0x10000;
	s21 =	simm.s32 $0x1  }
0x7: {  	s22 =	simm.s32 $0x2;
	s23 =	simm.s32 $0x3;
	s24 =	simm.s32 $0x4  }
0x8: {  	s25 =	simm.s32 $0x5;
	s26 =	simm.s32 $0x6;
	s28 =	simm.s32 $0x7  }
0x9: {  	s29 =	simm.s32 $0x8;
	s31 =	simm.s32 $0x9E80;
	s4 =	smul.u32 $0xA00, s12  }
0xa: {  	s5 =	sand.u32 $0x1, s5;
	s7 =	smul.u32 $0xA000, s12;
	[smem:$0x7FF] =	sst s3  }
0xb: {  	s30 =	sshll.u32 s12, $0x6;
	s6 =	smul.u32 $0xA0000, s5;
	_ =	strace $0x8000004A  }
0xc: {  	s9 =	ssub.s32 $0x2, s5;
	s11 =	smul.u32 $0x13880, s5;
	s12 =	sor.u32 $0x1C09, s30  }
0xd: {  	s8 =	sadd.s32 s4, s1;
	s4 =	sadd.s32 $0x1A00, s1;
	s10 =	sshrl.u32 s9, $0x1  }
0xe: {  	s13 =	sadd.s32 s7, s2;
	s6 =	sadd.s32 s7, s6;
	s9 =	ssub.s32 s9, s10  }
0xf: {  	s5 =	sadd.s32 $0xC200, s8;
	s7 =	sadd.s32 s0, s11;
	s10 =	simm.s32 $0x9  }
0x10: {  	s13 =	sshrl.u32 s13, $0x3;
	s0 =	simm.s32 $0x9F00;
	s6 =	sshrl.u32 s6, $0x3  }
0x11: {  	s11 =	simm.s32 $0x0;
	s9 =	smax.u32 s9, $0x1;
	s1 =	sadd.s32 s6, s1  }
0x12: {  	s6 =	sadd.s32 $0x16200, s8;
	s8 =	sadd.s32 $0x20200, s1;
	s1 =	simm.s32 $0x9F80  }
.LBB2_1:
0x13: {  	[tilespmem:s3], [sflag:$0x9] =	stream.linear.gather [hbm4b:s5+s3], $0x5000, $0x38;
	[tilespmem:$0x1C000] =	vst v63  }
0x14: {  	_ =	swait.ge [sflag:s10], $0x5000  }
0x15: {  	[sflag:s10] =	ssyncset.done $0x0  }
0x16: {  	s17 =	simm.s32 $0x5000;
	[sflag:s10] =	ssyncadd.s32 $0xFFFFB000  }
0x17: {  	[tilespmem:s17], [sflag:$0x9] =	stream.linear.gather [hbm4b:s6+s3], $0x5000, $0x38;
	[tilespmem:$0x1C000] =	vst v63  }
0x18: {  	_ =	swait.ge [sflag:s10], $0x5000  }
0x19: {  	[sflag:s10] =	ssyncset.done $0x0  }
0x1a: {  	[sflag:s10] =	ssyncadd.s32 $0xFFFFB000  }
0x1b: {  	[spmem:s13], [sflag:s12] =	dma.local [hbm:s4], $0x1400  }
0x1c: {  	_ =	swait.ge [sflag:s10], $0x1400  }
0x1d: {  	[sflag:s10] =	ssyncset.done $0x0  }
0x1e: {  	[sflag:s10] =	ssyncadd.s32 $0xFFFFEC00  }
0x1f: {  	[bflag:$0x0] =	sbarrier.arrive $0xFFFF  }
0x20: {  	[tilespmem:s15], [sflag:$0x1] =	stream.indirect.gather [hbm4b:s7+s14], $0x40, s3, s14, $0xb8;
	[tilespmem:$0x1C000] =	vst v63  }
0x21: {  	_ = 	snop  }
0x22: {  	[tilespmem:s16], [sflag:$0x2] =	stream.indirect.gather [hbm4b:s7+s14], $0x40, s14, s14, $0xb8;
	[tilespmem:$0x1C000] =	vst v63  }
0x23: {  	s30 =	simm.s32 $0x100  }
0x24: {  	[tilespmem:s18], [sflag:$0x3] =	stream.indirect.gather [hbm4b:s7+s14], $0x40, s30, s14, $0xb8;
	[tilespmem:$0x1C000] =	vst v63  }
0x25: {  	s19 =	simm.s32 $0x180  }
0x26: {  	[tilespmem:s20], [sflag:$0x4] =	stream.indirect.gather [hbm4b:s7+s14], $0x40, s19, s14, $0xb8;
	[tilespmem:$0x1C000] =	vst v63  }
0x27: {  	_ =	swait.ge [sflag:s21], $0x2000  }
0x28: {  	[sflag:s21] =	ssyncset.done $0x0  }
0x29: {  	s30 =	simm.s32 $0x5000;
	[sflag:s21] =	ssyncadd.s32 $0xFFFFE000  }
0x2a: {  	[spmem:s2] =	stream.indirect.scatter.add.f32 [tilespmem:s15], [sflag:$0x5], $0x40, s30, s14, $0xb8;
	[tilespmem:$0x1C000] =	vst v63  }
0x2b: {  	_ =	swait.ge [sflag:s22], $0x2000  }
0x2c: {  	[sflag:s22] =	ssyncset.done $0x0  }
0x2d: {  	s19 =	simm.s32 $0x5080;
	[sflag:s22] =	ssyncadd.s32 $0xFFFFE000  }
0x2e: {  	[spmem:s2] =	stream.indirect.scatter.add.f32 [tilespmem:s16], [sflag:$0x6], $0x40, s19, s14, $0xb8;
	[tilespmem:$0x1C000] =	vst v63  }
0x2f: {  	_ =	swait.ge [sflag:s23], $0x2000  }
0x30: {  	[sflag:s23] =	ssyncset.done $0x0  }
0x31: {  	s30 =	simm.s32 $0x5100;
	[sflag:s23] =	ssyncadd.s32 $0xFFFFE000  }
0x32: {  	[spmem:s2] =	stream.indirect.scatter.add.f32 [tilespmem:s18], [sflag:$0x7], $0x40, s30, s14, $0xb8;
	[tilespmem:$0x1C000] =	vst v63  }
0x33: {  	_ =	swait.ge [sflag:s24], $0x2000  }
0x34: {  	[sflag:s24] =	ssyncset.done $0x0  }
0x35: {  	s19 =	simm.s32 $0x5180;
	[sflag:s24] =	ssyncadd.s32 $0xFFFFE000  }
0x36: {  	[spmem:s2] =	stream.indirect.scatter.add.f32 [tilespmem:s20], [sflag:$0x8], $0x40, s19, s14, $0xb8;
	[tilespmem:$0x1C000] =	vst v63  }
0x37: {  	_ =	swait.ge [sflag:s25], $0x2000  }
0x38: {  	[sflag:s25] =	ssyncset.done $0x0  }
0x39: {  	s30 =	simm.s32 $0x200;
	[sflag:s25] =	ssyncadd.s32 $0xFFFFE000  }
0x3a: {  	[tilespmem:s15], [sflag:$0x1] =	stream.indirect.gather [hbm4b:s7+s14], $0x40, s30, s14, $0xb8;
	[tilespmem:$0x1C000] =	vst v63  }
0x3b: {  	_ =	swait.ge [sflag:s26], $0x2000  }
0x3c: {  	[sflag:s26] =	ssyncset.done $0x0  }
0x3d: {  	s19 =	simm.s32 $0x280;
	[sflag:s26] =	ssyncadd.s32 $0xFFFFE000  }
0x3e: {  	[tilespmem:s16], [sflag:$0x2] =	stream.indirect.gather [hbm4b:s7+s14], $0x40, s19, s14, $0xb8;
	[tilespmem:$0x1C000] =	vst v63  }
0x3f: {  	_ =	swait.ge [sflag:s28], $0x2000  }
0x40: {  	[sflag:s28] =	ssyncset.done $0x0  }
0x41: {  	s30 =	simm.s32 $0x300;
	[sflag:s28] =	ssyncadd.s32 $0xFFFFE000  }
0x42: {  	[tilespmem:s18], [sflag:$0x3] =	stream.indirect.gather [hbm4b:s7+s14], $0x40, s30, s14, $0xb8;
	[tilespmem:$0x1C000] =	vst v63  }
0x43: {  	_ =	swait.ge [sflag:s29], $0x2000  }
0x44: {  	[sflag:s29] =	ssyncset.done $0x0  }
0x45: {  	s17 =	simm.s32 $0x800;
	s19 =	simm.s32 $0x380;
	[sflag:s29] =	ssyncadd.s32 $0xFFFFE000  }
.LBB2_2:
0x46: {  	[tilespmem:s20], [sflag:$0x4] =	stream.indirect.gather [hbm4b:s7+s14], $0x40, s19, s14, $0xb8;
	[tilespmem:$0x1C000] =	vst v63  }
0x47: {  	s19 =	smov.u32 s17  }
0x48: {  	p0 =	sne.s32 s17, $0x13000;
	s17 =	sadd.s32 $0x800, s17;
	_ =	swait.ge [sflag:s21], $0x2000  }
0x49: {  	s19 =	sshra.s32 s19, $0x2;
	[sflag:s21] =	ssyncset.done $0x0  }
0x4a: {  	s30 =	sadd.s32 $0x5000, s19;
	[sflag:s21] =	ssyncadd.s32 $0xFFFFE000  }
0x4b: {  	[spmem:s2] =	stream.indirect.scatter.add.f32 [tilespmem:s15], [sflag:$0x5], $0x40, s30, s14, $0xb8;
	[tilespmem:$0x1C000] =	vst v63  }
0x4c: {  	_ =	swait.ge [sflag:s22], $0x2000  }
0x4d: {  	[sflag:s22] =	ssyncset.done $0x0  }
0x4e: {  	s30 =	sadd.s32 $0x5080, s19;
	[sflag:s22] =	ssyncadd.s32 $0xFFFFE000  }
0x4f: {  	[spmem:s2] =	stream.indirect.scatter.add.f32 [tilespmem:s16], [sflag:$0x6], $0x40, s30, s14, $0xb8;
	[tilespmem:$0x1C000] =	vst v63  }
0x50: {  	_ =	swait.ge [sflag:s23], $0x2000  }
0x51: {  	[sflag:s23] =	ssyncset.done $0x0  }
0x52: {  	s30 =	sadd.s32 $0x5100, s19;
	[sflag:s23] =	ssyncadd.s32 $0xFFFFE000  }
0x53: {  	[spmem:s2] =	stream.indirect.scatter.add.f32 [tilespmem:s18], [sflag:$0x7], $0x40, s30, s14, $0xb8;
	[tilespmem:$0x1C000] =	vst v63  }
0x54: {  	_ =	swait.ge [sflag:s24], $0x2000  }
0x55: {  	[sflag:s24] =	ssyncset.done $0x0  }
0x56: {  	s30 =	sadd.s32 $0x5180, s19;
	[sflag:s24] =	ssyncadd.s32 $0xFFFFE000  }
0x57: {  	[spmem:s2] =	stream.indirect.scatter.add.f32 [tilespmem:s20], [sflag:$0x8], $0x40, s30, s14, $0xb8;
	[tilespmem:$0x1C000] =	vst v63  }
0x58: {  	_ =	swait.ge [sflag:s25], $0x2000  }
0x59: {  	[sflag:s25] =	ssyncset.done $0x0  }
0x5a: {  	s30 =	sadd.s32 $0x200, s19;
	[sflag:s25] =	ssyncadd.s32 $0xFFFFE000  }
0x5b: {  	[tilespmem:s15], [sflag:$0x1] =	stream.indirect.gather [hbm4b:s7+s14], $0x40, s30, s14, $0xb8;
	[tilespmem:$0x1C000] =	vst v63  }
0x5c: {  	_ =	swait.ge [sflag:s26], $0x2000  }
0x5d: {  	[sflag:s26] =	ssyncset.done $0x0  }
0x5e: {  	s30 =	sadd.s32 $0x280, s19;
	[sflag:s26] =	ssyncadd.s32 $0xFFFFE000  }
0x5f: {  	[tilespmem:s16], [sflag:$0x2] =	stream.indirect.gather [hbm4b:s7+s14], $0x40, s30, s14, $0xb8;
	[tilespmem:$0x1C000] =	vst v63  }
0x60: {  	_ =	swait.ge [sflag:s28], $0x2000  }
0x61: {  	[sflag:s28] =	ssyncset.done $0x0  }
.Ltmp0:
0x62: {  	s30 =	sadd.s32 $0x300, s19;
	[sflag:s28] =	ssyncadd.s32 $0xFFFFE000;
	(pc) =	sbr.rel @p0 .LBB2_2-.Ltmp0, $4  }
0x63: {  	[tilespmem:s18], [sflag:$0x3] =	stream.indirect.gather [hbm4b:s7+s14], $0x40, s30, s14, $0xb8;
	[tilespmem:$0x1C000] =	vst v63  }
0x64: {  	_ =	swait.ge [sflag:s29], $0x2000  }
0x65: {  	[sflag:s29] =	ssyncset.done $0x0  }
0x66: {  	s19 =	sadd.s32 $0x380, s19;
	[sflag:s29] =	ssyncadd.s32 $0xFFFFE000  }
0x67: {  	[tilespmem:s20], [sflag:$0x4] =	stream.indirect.gather [hbm4b:s7+s14], $0x40, s19, s14, $0xb8;
	[tilespmem:$0x1C000] =	vst v63  }
0x68: {  	_ =	swait.ge [sflag:s21], $0x2000  }
0x69: {  	[sflag:s21] =	ssyncset.done $0x0  }
0x6a: {  	s17 =	simm.s32 $0x9E00;
	[sflag:s21] =	ssyncadd.s32 $0xFFFFE000  }
0x6b: {  	[spmem:s2] =	stream.indirect.scatter.add.f32 [tilespmem:s15], [sflag:$0x5], $0x40, s17, s14, $0xb8;
	[tilespmem:$0x1C000] =	vst v63  }
0x6c: {  	_ =	swait.ge [sflag:s22], $0x2000  }
0x6d: {  	[sflag:s22] =	ssyncset.done $0x0  }
0x6e: {  	[sflag:s22] =	ssyncadd.s32 $0xFFFFE000  }
0x6f: {  	[spmem:s2] =	stream.indirect.scatter.add.f32 [tilespmem:s16], [sflag:$0x6], $0x40, s31, s14, $0xb8;
	[tilespmem:$0x1C000] =	vst v63  }
0x70: {  	_ =	swait.ge [sflag:s23], $0x2000  }
0x71: {  	[sflag:s23] =	ssyncset.done $0x0  }
0x72: {  	[sflag:s23] =	ssyncadd.s32 $0xFFFFE000  }
0x73: {  	[spmem:s2] =	stream.indirect.scatter.add.f32 [tilespmem:s18], [sflag:$0x7], $0x40, s0, s14, $0xb8;
	[tilespmem:$0x1C000] =	vst v63  }
0x74: {  	_ =	swait.ge [sflag:s24], $0x2000  }
0x75: {  	[sflag:s24] =	ssyncset.done $0x0  }
0x76: {  	[sflag:s24] =	ssyncadd.s32 $0xFFFFE000  }
0x77: {  	[spmem:s2] =	stream.indirect.scatter.add.f32 [tilespmem:s20], [sflag:$0x8], $0x40, s1, s14, $0xb8;
	[tilespmem:$0x1C000] =	vst v63  }
0x78: {  	_ =	swait.ge [sflag:s25], $0x2000  }
0x79: {  	[sflag:s25] =	ssyncset.done $0x0  }
0x7a: {  	[sflag:s25] =	ssyncadd.s32 $0xFFFFE000  }
0x7b: {  	_ =	swait.ge [sflag:s26], $0x2000  }
0x7c: {  	[sflag:s26] =	ssyncset.done $0x0  }
0x7d: {  	[sflag:s26] =	ssyncadd.s32 $0xFFFFE000  }
0x7e: {  	_ =	swait.ge [sflag:s28], $0x2000  }
0x7f: {  	[sflag:s28] =	ssyncset.done $0x0  }
0x80: {  	[sflag:s28] =	ssyncadd.s32 $0xFFFFE000  }
0x81: {  	_ =	swait.ge [sflag:s29], $0x2000  }
0x82: {  	s11 =	sadd.s32 $0x1, s11;
	[sflag:s29] =	ssyncset.done $0x0  }
0x83: {  	p0 =	sne.s32 s11, s9;
	[sflag:s29] =	ssyncadd.s32 $0xFFFFE000  }
.Ltmp1:
0x84: {  	[bflag:$0x0] =	sbarrier.arrive $0xFFFF;
	(pc) =	sbr.rel @p0 .LBB2_1-.Ltmp1, $4  }
0x85: {  	[hbm:s8], [sflag:s12] =	dma.local [spmem:s13], $0x1400  }
0x86: {  	_ =	swait.ge [sflag:s10], $0x1400  }
0x87: {  	[sflag:s10] =	ssyncset.done $0x0  }
0x88: {  	[sflag:s10] =	ssyncadd.s32 $0xFFFFEC00  }
0x89: {  	_ =	sfence.sel $0x180000  }
0x8a: {  	[bflag:$0x0] =	sbarrier.arrive $0xFFFF  }
0x8b: {  	_ =	strace $0x9000004A  }
0x8c: {  	s0 =	stileid.u32;
	[bflag:$0x2] =	sbarrier.arrive $0xFFFF  }
0x8d: {  	p0 =	sne.s32 s0, $0x0;
	s0 =	rddreg [dreg:$0x3]  }
0x8e: {  	s0 =	sadd.s32 @!p0 $0x100000, s0  }
0x8f: {  	[sflag:s0] =	ssyncadd.tile.s32 @!p0 $0x1;
	_ =	shalt  }
.Lfunc_end2:
_tile_overlayer_lowered:
.L_overlay_start_2:
0x90: {  	(tag) =	ssettag $0x2  }
0x91: {  	s0 =	rddreg [dreg:$0x0];
	s2 =	stileid.u32  }
0x92: {  	s1 =	rddreg [dreg:$0x1];
	p0 =	sne.s32 s2, $0x0  }
0x93: {  	s3 =	rddreg [dreg:$0x2];
	[bflag:$0x3] =	sbarrier.arrive $0xFFFF;
	s2 =	simm.s32 @!p0 $0x1C09  }
0x94: {  	[timem:s3], [sflag:s2] =	dma.local @!p0 [hbm:s0], s1  }
0x95: {  	s0 =	simm.s32 @!p0 $0x9  }
0x96: {  	_ =	swait.ge @!p0 [sflag:s0], s1  }
0x97: {  	s1 =	ssub.s32 @!p0 $0x0, s1;
	[sflag:s0] =	ssyncset.done @!p0 $0x0  }
0x98: {  	[sflag:s0] =	ssyncadd.s32 @!p0 s1  }
0x99: {  	[bflag:$0x3] =	sbarrier.arrive $0xFFFF  }
0x9a: {  	_ =	shalt  }

// kernel: kernel.13.cloned.1.call-start
scs
__scs_entry_jumppad:
0x0: {  	(pc) =	sbr.rel $0x88, $3  }
0x1: {  	(tag) =	ssettag $0x0;
	lr =	simm.s32 $0x1  }
0x2: {  	[smem:$0x3F9B] =	sst lr;
	_ =	strace $0xD0000000  }
0x3: {  	_ = 	snop  }
0x4: {  	_ = 	snop  }
0x5: {  	_ = 	snop  }
0x6: {  	_ = 	snop  }
0x7: {  	_ = 	snop  }
__scs_overlays_trampoline_lowered:
0x8: {  	[smem:$0x3FAA] =	sst s0  }
0x9: {  	[smem:$0x3FAB] =	sst s1  }
0xa: {  	[smem:$0x3FAC] =	sst s2  }
0xb: {  	[smem:$0x3FAD] =	sst s3  }
0xc: {  	[smem:$0x3FAE] =	sst s4  }
0xd: {  	[smem:$0x3FAF] =	sst s5  }
0xe: {  	[smem:$0x3FB0] =	sst s6  }
0xf: {  	[smem:$0x3FB1] =	sst s7  }
0x10: {  	[smem:$0x3FB2] =	sst s8  }
0x11: {  	[smem:$0x3FB3] =	sst s9;
	s0 =	simm.s32 @!p0 $0x0  }
0x12: {  	s1 =	sld [smem:$0x3F99];
	s0 =	simm.s32 @p0 $0x1  }
0x13: {  	[smem:$0x3FB4] =	sst s0;
	s0 =	simm.s32 @!p1 $0x0  }
0x14: {  	s2 =	sld [smem:$0x3F98];
	s0 =	simm.s32 @p1 $0x1  }
0x15: {  	[smem:$0x3FB5] =	sst s0;
	s0 =	simm.s32 @!p2 $0x0  }
0x16: {  	s3 =	sld [smem:$0x3FDB];
	s0 =	simm.s32 @p2 $0x1  }
0x17: {  	s4 =	simm.s32 $0x1BF5;
	[smem:$0x3FB7] =	sst s0  }
0x18: {  	s0 =	sld [smem:$0x3F9A];
	_ =	swait.ge [sflag:s4], $0x0  }
0x19: {  	s7 =	sld [smem:$0x3F9B]  }
0x1a: {  	s8 =	sadd.s32 $0xFFFFE003, lr  }
0x1b: {  	s9 =	sadd.s32 $0xFFFFFEF7, lr;
	s5 =	simm.s32 $0xFFFFFFFF;
	p2 =	slt.u32 s8, $0xFFFFF086  }
0x1c: {  	p1 =	slt.u32 s9, $0xF7A;
	s5 =	simm.s32 @!p2 $0x0  }
0x1d: {  	s5 =	simm.s32 @p1 $0x1;
	p0 =	seq.s32 s7, s2  }
0x1e: {  	s7 =	smul.u32 @!p0 $0xF7A, s2;
	p2 =	seq.s32 @!p0 s5, $0x0  }
0x1f: {  	s9 =	smul.u32 $0xF7A, s1;
	s8 =	simm.s32 @!p0 $0x1BF5;
	p2 =	por !p2, p0  }
0x20: {  	[sflag:s8] =	ssyncset.s32 @!p0 $0xFFFFF086;
	s6 =	sadd.s32 @!p0 s3, s7;
	s7 =	simm.s32 @!p0 $0x108  }
0x21: {  	s3 =	sadd.s32 s3, s9;
	s6 =	sadd.s32 @!p0 $0x88, s6;
	s7 =	simm.s32 @p2 $0x1082  }
0x22: {  	[simem:s7], [sflag:s8] =	dma.local @!p0 [hbm:s6], $0xF7A  }
0x23: {  	s9 =	sor.u32 $0xD0000000, s2;
	s6 =	simm.s32 $0x108;
	_ =	swait.ge @!p0 [sflag:s8], $0x0  }
0x24: {  	s3 =	sadd.s32 $0x88, s3;
	s6 =	simm.s32 @!p1 $0x1082;
	[sflag:s4] =	ssyncset.s32 $0xFFFFF086  }
0x25: {  	[simem:s6], [sflag:s4] =	dma.local [hbm:s3], $0xF7A  }
0x26: {  	[smem:$0x3F9B] =	sst s1;
	(tag) =	ssettag s2;
	_ =	strace s9  }
0x27: {  	s1 =	sld [smem:$0x3FAB]  }
0x28: {  	s2 =	sld [smem:$0x3FAC]  }
0x29: {  	s4 =	sld [smem:$0x3FAE]  }
0x2a: {  	p0 =	seq.s32 s5, $0x0;
	s5 =	sld [smem:$0x3FAF]  }
0x2b: {  	s6 =	sld [smem:$0x3FB0]  }
0x2c: {  	s7 =	sld [smem:$0x3FB1]  }
0x2d: {  	s3 =	simm.s32 $0x108;
	s8 =	sld [smem:$0x3FB2]  }
0x2e: {  	s3 =	simm.s32 @!p0 $0x1082;
	s9 =	sld [smem:$0x3FB3]  }
0x2f: {  	lr =	sadd.s32 s0, s3;
	s0 =	sld [smem:$0x3FAA]  }
0x30: {  	s3 =	sld [smem:$0x3FAD]  }
0x31: {  	[smem:$0x3FB6] =	sst s10  }
0x32: {  	s10 =	sld [smem:$0x3FB4];
	_ =	sdelay $0x3  }
0x33: {  	p0 =	seq.s32 s10, $0x1;
	s10 =	sld [smem:$0x3FB6];
	_ =	sdelay $0x3  }
0x34: {  	[smem:$0x3FB6] =	sst s10  }
0x35: {  	s10 =	sld [smem:$0x3FB5];
	_ =	sdelay $0x3  }
0x36: {  	p1 =	seq.s32 s10, $0x1;
	s10 =	sld [smem:$0x3FB6];
	_ =	sdelay $0x3  }
0x37: {  	[smem:$0x3FB6] =	sst s10  }
0x38: {  	s10 =	sld [smem:$0x3FB7]  }
0x39: {  	_ = 	snop;
	(pc) =	sbr.ind lr, $3  }
0x3a: {  	_ = 	snop  }
0x3b: {  	_ = 	snop  }
0x3c: {  	p2 =	seq.s32 s10, $0x1;
	s10 =	sld [smem:$0x3FB6]  }
0x3d: {  	_ =	shalt  }
0x3e: {  	_ =	shalt  }
0x3f: {  	_ =	shalt  }
0x40: {  	_ =	shalt  }
0x41: {  	_ =	shalt  }
0x42: {  	_ =	shalt  }
0x43: {  	_ =	shalt  }
0x44: {  	_ =	shalt  }
0x45: {  	_ =	shalt  }
0x46: {  	_ =	shalt  }
0x47: {  	_ =	shalt  }
0x48: {  	_ =	shalt  }
0x49: {  	_ =	shalt  }
0x4a: {  	_ =	shalt  }
0x4b: {  	_ =	shalt  }
0x4c: {  	_ =	shalt  }
0x4d: {  	_ =	shalt  }
0x4e: {  	_ =	shalt  }
0x4f: {  	_ =	shalt  }
0x50: {  	_ =	shalt  }
0x51: {  	_ =	shalt  }
0x52: {  	_ =	shalt  }
0x53: {  	_ =	shalt  }
0x54: {  	_ =	shalt  }
0x55: {  	_ =	shalt  }
0x56: {  	_ =	shalt  }
0x57: {  	_ =	shalt  }
0x58: {  	_ =	shalt  }
0x59: {  	_ =	shalt  }
0x5a: {  	_ =	shalt  }
0x5b: {  	_ =	shalt  }
0x5c: {  	_ =	shalt  }
0x5d: {  	_ =	shalt  }
0x5e: {  	_ =	shalt  }
0x5f: {  	_ =	shalt  }
0x60: {  	_ =	shalt  }
0x61: {  	_ =	shalt  }
0x62: {  	_ =	shalt  }
0x63: {  	_ =	shalt  }
0x64: {  	_ =	shalt  }
0x65: {  	_ =	shalt  }
0x66: {  	_ =	shalt  }
0x67: {  	_ =	shalt  }
0x68: {  	_ =	shalt  }
0x69: {  	_ =	shalt  }
0x6a: {  	_ =	shalt  }
0x6b: {  	_ =	shalt  }
0x6c: {  	_ =	shalt  }
0x6d: {  	_ =	shalt  }
0x6e: {  	_ =	shalt  }
0x6f: {  	_ =	shalt  }
0x70: {  	_ =	shalt  }
0x71: {  	_ =	shalt  }
0x72: {  	_ =	shalt  }
0x73: {  	_ =	shalt  }
0x74: {  	_ =	shalt  }
0x75: {  	_ =	shalt  }
0x76: {  	_ =	shalt  }
0x77: {  	_ =	shalt  }
0x78: {  	_ =	shalt  }
0x79: {  	_ =	shalt  }
0x7a: {  	_ =	shalt  }
0x7b: {  	_ =	shalt  }
0x7c: {  	_ =	shalt  }
0x7d: {  	_ =	shalt  }
0x7e: {  	_ =	shalt  }
0x7f: {  	_ =	shalt  }
0x80: {  	_ =	shalt  }
0x81: {  	_ =	shalt  }
0x82: {  	_ =	shalt  }
0x83: {  	_ =	shalt  }
0x84: {  	_ =	shalt  }
0x85: {  	_ =	shalt  }
0x86: {  	_ =	shalt  }
0x87: {  	_ =	shalt  }
.Lfunc_end0:
.L_simem_size_0:
called_computation.2_lowered:
.L_overlay_start_0:
0x88: {  	s2 =	sld [smem:$0x3FD9]  }
0x89: {  	s3 =	sld [smem:$0x3FFE];
	_ =	sdelay $0x1  }
0x8a: {  	s1 =	srdreg.scid  }
0x8b: {  	s0 =	sand.u32 $0x1, s1  }
0x8c: {  	s17 =	sshll.u32 s0, $0xA;
	s2 =	sadd.s32 s3, s2  }
0x8d: {  	s2 =	sadd.s32 s2, s17  }
0x8e: {  	[smem:$0x3FC2] =	sst s2  }
0x8f: {  	_ = 	snop  }
0x90: {  	s2 =	sld [smem:$0x3FD0];
	(tm) =	ssettm $0x1  }
0x91: {  	s18 =	sld [smem:$0x3FFB];
	_ =	sdelay $0x3  }
0x92: {  	_ =	strace s18  }
0x93: {  	s3 =	sld [smem:$0x3FFC];
	_ =	sdelay $0x3  }
0x94: {  	_ =	strace s3  }
0x95: {  	s3 =	sld [smem:$0x3FFD];
	_ =	sdelay $0x3  }
0x96: {  	_ =	strace s3  }
0x97: {  	_ =	strace $0x8FFFFFFF  }
0x98: {  	s19 =	sld [smem:$0x3FDB];
	_ =	sdelay $0x1  }
0x99: {  	s4 =	simm.s32 $_scs_section_size  }
0x9a: {  	s5 =	simm.s32 $_size__tile_overlayer_lowered;
	s6 =	simm.s32 $_tile_overlayer_lowered  }
0x9b: {  	s22 =	simm.s32 $0x1BFF;
	s21 =	sshll.u32 s6, $0x1;
	s3 =	sadd.s32 s4, s19  }
0x9c: {  	s7 =	simm.s32 $0x0;
	s20 =	sshll.u32 s5, $0x1;
	s5 =	sadd.s32 s21, s3  }
0x9d: {  	[timem:s7], [sflag:s22] =	dma.local [hbm:s5], s20  }
0x9e: {  	_ =	swait.ge [sflag:s22], s20  }
0x9f: {  	s4 =	ssub.s32 $0x0, s20;
	[sflag:s22] =	ssyncset.done $0x0  }
0xa0: {  	[sflag:s22] =	ssyncadd.s32 s4;
	_ =	sdelay $0x1  }
0xa1: {  	s23 =	simm.s32 $0x1B8B  }
0xa2: {  	_ =	swait.ge [sflag:s23], $0x1  }
0xa3: {  	[sflag:s23] =	ssyncset.done $0x0  }
0xa4: {  	s25 =	simm.s32 $0x1B8E;
	s24 =	sld [smem:$0x3FFE];
	[sflag:s23] =	ssyncadd.s32 $0xFFFFFFFF  }
0xa5: {  	s26 =	simm.s32 $execute0_lowered;
	[smem:$0x3FD2] =	sst s25  }
0xa6: {  	s5 =	sshll.u32 s26, $0x1;
	_ =	strace $0x8000004C;
	[dreg:$0x1] =	wrdreg $0xFFFFFFFF  }
0xa7: {  	s28 =	simm.s32 $_size_execute0_lowered;
	s3 =	sadd.s32 s3, s5;
	[dreg:$0x0] =	wrdreg $0x0  }
0xa8: {  	s5 =	sshll.u32 s28, $0x1;
	[dreg:$0x2] =	wrdreg s3  }
0xa9: {  	[dreg:$0x3] =	wrdreg s5  }
0xaa: {  	[dreg:$0x4] =	wrdreg $0xC0  }
0xab: {  	_ =	task [dreg:s7], $0x5FFFF  }
0xac: {  	[dreg:$0x1] =	wrdreg $0xFFFFFFFF  }
0xad: {  	[dreg:$0x0] =	wrdreg $0x60  }
0xae: {  	[dreg:$0x2] =	wrdreg s2  }
0xaf: {  	[dreg:$0x3] =	wrdreg s24  }
0xb0: {  	[dreg:$0x4] =	wrdreg $0x148000  }
0xb1: {  	[dreg:$0x5] =	wrdreg $0x9  }
0xb2: {  	_ =	task.clear_ibuf [dreg:s7], $0x6FFFF;
	_ =	strace $0x9000004C  }
0xb3: {  	s29 =	simm.s32 $0x9;
	_ =	strace $0x8000004E  }
0xb4: {  	_ =	swait.ge [sflag:s29], $0x1  }
0xb5: {  	[sflag:s29] =	ssyncadd.s32 $0xFFFFFFFF  }
0xb6: {  	_ =	strace $0x9000004E  }
0xb7: {  	_ =	sfence  }
0xb8: {  	s30 =	sld [smem:$0x0];
	_ =	sdelay $0x2  }
0xb9: {  	s31 =	sshll.u32 s1, $0xD;
	s1 =	sshrl.u32 s1, $0x2  }
0xba: {  	s3 =	sand.u32 $0x4000, s31;
	s1 =	sadd.s32 s1, s30  }
0xbb: {  	s0 =	sor.u32 s3, s0;
	s1 =	sshll.u32 s1, $0x11  }
0xbc: {  	s0 =	sor.u32 s1, s0  }
0xbd: {  	s0 =	sadd.s32 $0x8F2B, s0  }
0xbe: {  	[sflag:s0] =	ssyncadd.remote.s32 $0x1  }
0xbf: {  	_ =	sfence.sel $0xFFFF  }
0xc0: {  	[dreg:$0x0] =	wrdreg $0xFFFFFFFF;
	(pc) =	sbr.abs _section_cstart, $3  }
0xc1: {  	[dreg:$0x1] =	wrdreg $0xFFFFFFFF  }
0xc2: {  	_ =	task.clear_ibuf [dreg:s7], $0x2FFFF;
	_ =	strace $0x9FFFFFFF  }
0xc3: {  	(tm) =	ssettm $0x7FFFFFFF  }
tec
execute0_lowered:
.L_overlay_start_1:
0x0: {  	(tag) =	ssettag $0x1  }
0x1: {  	s0 =	rddreg [dreg:$0x0]  }
0x2: {  	s1 =	rddreg [dreg:$0x1]  }
0x3: {  	s2 =	rddreg [dreg:$0x2];
	s11 =	stileid.u32;
	s3 =	simm.s32 $0x0  }
0x4: {  	s5 =	srdreg.scid;
	s12 =	simm.s32 $0x9;
	s16 =	simm.s32 $0x80  }
0x5: {  	s17 =	simm.s32 $0xA000;
	s18 =	simm.s32 $0xC000;
	s20 =	simm.s32 $0xE000  }
0x6: {  	s28 =	simm.s32 $0x5;
	s29 =	simm.s32 $0x6;
	s30 =	simm.s32 $0x7  }
0x7: {  	s31 =	simm.s32 $0x8;
	s13 =	simm.s32 $0x0;
	s19 =	simm.s32 $0x0  }
0x8: {  	s4 =	smul.u32 $0xA00, s11;
	[smem:$0x7FF] =	sst s3;
	s6 =	sand.u32 $0x1, s5  }
0x9: {  	s21 =	sadd.s32 $0x1A00, s1;
	s5 =	sadd.s32 $0x2E00, s1;
	s10 =	smul.u32 $0x28000, s11  }
0xa: {  	s25 =	sshll.u32 s11, $0x6;
	_ =	strace $0x8000004D;
	[dreg:$0x4] =	wrdreg s21  }
0xb: {  	s7 =	ssub.s32 $0x2, s6;
	s8 =	sshll.u32 s6, $0x3;
	s6 =	smul.u32 $0x13880, s6  }
0xc: {  	s21 =	simm.s32 $0x12800;
	s4 =	sadd.s32 s4, s1;
	s9 =	sshrl.u32 s7, $0x1  }
0xd: {  	s1 =	sadd.s32 s8, s1;
	s23 =	sshrl.u32 s10, $0x2;
	s8 =	smul.u32 $0x280, s11  }
0xe: {  	s7 =	ssub.s32 s7, s9;
	s22 =	sadd.s32 $0xC200, s4;
	s4 =	sadd.s32 $0x16200, s4  }
0xf: {  	s9 =	sadd.s32 s0, s6;
	s10 =	sadd.s32 $0x20200, s1;
	s0 =	sor.u32 $0x1C09, s25  }
0x10: {  	s25 =	simm.s32 $0x3;
	s1 =	simm.s32 $0x40;
	[dreg:$0x5] =	wrdreg s22  }
0x11: {  	[dreg:$0x6] =	wrdreg s4;
	s4 =	sadd.s32 s23, s2;
	s24 =	smax.u32 s7, $0x1  }
0x12: {  	[dreg:$0x8] =	wrdreg s0;
	s22 =	simm.s32 $0x10000;
	s23 =	simm.s32 $0x1  }
0x13: {  	s0 =	simm.s32 $0x12000;
	[dreg:$0x7] =	wrdreg s24;
	s26 =	sshrl.u32 s4, $0x3  }
0x14: {  	s24 =	simm.s32 $0x2;
	[dreg:$0x9] =	wrdreg s26;
	s26 =	simm.s32 $0x4  }
.LBB2_1:
0x15: {  	s4 =	rddreg [dreg:$0x5]  }
0x16: {  	[tilespmem:s3], [sflag:$0x9] =	stream.linear.gather [hbm4b:s4+s3], $0x5000, $0x38;
	[tilespmem:$0x1E800] =	vst v63  }
0x17: {  	_ =	swait.ge [sflag:s12], $0x5000  }
0x18: {  	[sflag:s12] =	ssyncset.done $0x0  }
0x19: {  	s6 =	simm.s32 $0x5000;
	s11 =	rddreg [dreg:$0x6];
	[sflag:s12] =	ssyncadd.s32 $0xFFFFB000  }
0x1a: {  	[tilespmem:s6], [sflag:$0x9] =	stream.linear.gather [hbm4b:s11+s3], $0x5000, $0x38;
	[tilespmem:$0x1E800] =	vst v63  }
0x1b: {  	_ =	swait.ge [sflag:s12], $0x5000  }
0x1c: {  	s14 =	rddreg [dreg:$0x4]  }
0x1d: {  	[sflag:s12] =	ssyncset.done $0x0;
	s15 =	rddreg [dreg:$0x8]  }
0x1e: {  	s7 =	rddreg [dreg:$0x9];
	[sflag:s12] =	ssyncadd.s32 $0xFFFFB000  }
0x1f: {  	[spmem:s7], [sflag:s15] =	dma.local [hbm:s14], $0x1400  }
0x20: {  	_ =	swait.ge [sflag:s12], $0x1400  }
0x21: {  	[sflag:s12] =	ssyncset.done $0x0  }
0x22: {  	[sflag:s12] =	ssyncadd.s32 $0xFFFFEC00  }
0x23: {  	[bflag:$0x0] =	sbarrier.arrive $0xFFFF  }
0x24: {  	[tilespmem:s17], [sflag:$0x1] =	stream.indirect.gather [hbm4b:s9+s16], $0x40, s3, s16, $0xb8;
	[tilespmem:$0x1E800] =	vst v63  }
0x25: {  	_ = 	snop  }
0x26: {  	[tilespmem:s18], [sflag:$0x2] =	stream.indirect.gather [hbm4b:s9+s16], $0x40, s16, s16, $0xb8;
	[tilespmem:$0x1E800] =	vst v63  }
0x27: {  	s7 =	simm.s32 $0x100  }
0x28: {  	[tilespmem:s20], [sflag:$0x3] =	stream.indirect.gather [hbm4b:s9+s16], $0x40, s7, s16, $0xb8;
	[tilespmem:$0x1E800] =	vst v63  }
0x29: {  	s11 =	simm.s32 $0x180  }
0x2a: {  	[tilespmem:s22], [sflag:$0x4] =	stream.indirect.gather [hbm4b:s9+s16], $0x40, s11, s16, $0xb8;
	[tilespmem:$0x1E800] =	vst v63  }
0x2b: {  	_ =	swait.ge [sflag:s23], $0x2000  }
0x2c: {  	[sflag:s23] =	ssyncset.done $0x0  }
0x2d: {  	s14 =	simm.s32 $0x5000;
	[sflag:s23] =	ssyncadd.s32 $0xFFFFE000  }
0x2e: {  	[spmem:s2] =	stream.indirect.scatter.add.f32 [tilespmem:s17], [sflag:$0x5], $0x40, s14, s16, $0xb8;
	[tilespmem:$0x1E800] =	vst v63  }
0x2f: {  	_ =	swait.ge [sflag:s24], $0x2000  }
0x30: {  	[sflag:s24] =	ssyncset.done $0x0  }
0x31: {  	s15 =	simm.s32 $0x5080;
	[sflag:s24] =	ssyncadd.s32 $0xFFFFE000  }
0x32: {  	[spmem:s2] =	stream.indirect.scatter.add.f32 [tilespmem:s18], [sflag:$0x6], $0x40, s15, s16, $0xb8;
	[tilespmem:$0x1E800] =	vst v63  }
0x33: {  	_ =	swait.ge [sflag:s25], $0x2000  }
0x34: {  	[sflag:s25] =	ssyncset.done $0x0  }
0x35: {  	s6 =	simm.s32 $0x5100;
	[sflag:s25] =	ssyncadd.s32 $0xFFFFE000  }
0x36: {  	[spmem:s2] =	stream.indirect.scatter.add.f32 [tilespmem:s20], [sflag:$0x7], $0x40, s6, s16, $0xb8;
	[tilespmem:$0x1E800] =	vst v63  }
0x37: {  	_ =	swait.ge [sflag:s26], $0x2000  }
0x38: {  	[sflag:s26] =	ssyncset.done $0x0  }
0x39: {  	s7 =	simm.s32 $0x5180;
	[sflag:s26] =	ssyncadd.s32 $0xFFFFE000  }
0x3a: {  	[spmem:s2] =	stream.indirect.scatter.add.f32 [tilespmem:s22], [sflag:$0x8], $0x40, s7, s16, $0xb8;
	[tilespmem:$0x1E800] =	vst v63  }
0x3b: {  	_ =	swait.ge [sflag:s28], $0x2000  }
0x3c: {  	[sflag:s28] =	ssyncset.done $0x0  }
0x3d: {  	s11 =	simm.s32 $0x200;
	[sflag:s28] =	ssyncadd.s32 $0xFFFFE000  }
0x3e: {  	[tilespmem:s17], [sflag:$0x1] =	stream.indirect.gather [hbm4b:s9+s16], $0x40, s11, s16, $0xb8;
	[tilespmem:$0x1E800] =	vst v63  }
0x3f: {  	_ =	swait.ge [sflag:s29], $0x2000  }
0x40: {  	[sflag:s29] =	ssyncset.done $0x0  }
0x41: {  	s14 =	simm.s32 $0x280;
	[sflag:s29] =	ssyncadd.s32 $0xFFFFE000  }
0x42: {  	[tilespmem:s18], [sflag:$0x2] =	stream.indirect.gather [hbm4b:s9+s16], $0x40, s14, s16, $0xb8;
	[tilespmem:$0x1E800] =	vst v63  }
0x43: {  	_ =	swait.ge [sflag:s30], $0x2000  }
0x44: {  	[sflag:s30] =	ssyncset.done $0x0  }
0x45: {  	s15 =	simm.s32 $0x300;
	[sflag:s30] =	ssyncadd.s32 $0xFFFFE000  }
0x46: {  	[tilespmem:s20], [sflag:$0x3] =	stream.indirect.gather [hbm4b:s9+s16], $0x40, s15, s16, $0xb8;
	[tilespmem:$0x1E800] =	vst v63  }
0x47: {  	_ =	swait.ge [sflag:s31], $0x2000  }
0x48: {  	[sflag:s31] =	ssyncset.done $0x0  }
0x49: {  	s4 =	simm.s32 $0x800;
	s6 =	simm.s32 $0x380;
	[sflag:s31] =	ssyncadd.s32 $0xFFFFE000  }
.LBB2_2:
0x4a: {  	[tilespmem:s22], [sflag:$0x4] =	stream.indirect.gather [hbm4b:s9+s16], $0x40, s6, s16, $0xb8;
	[tilespmem:$0x1E800] =	vst v63  }
0x4b: {  	s6 =	smov.u32 s4  }
0x4c: {  	p0 =	sne.s32 s4, $0x13000;
	s4 =	sadd.s32 $0x800, s4;
	_ =	swait.ge [sflag:s23], $0x2000  }
0x4d: {  	s6 =	sshra.s32 s6, $0x2;
	[sflag:s23] =	ssyncset.done $0x0  }
0x4e: {  	s7 =	sadd.s32 $0x5000, s6;
	[sflag:s23] =	ssyncadd.s32 $0xFFFFE000  }
0x4f: {  	[spmem:s2] =	stream.indirect.scatter.add.f32 [tilespmem:s17], [sflag:$0x5], $0x40, s7, s16, $0xb8;
	[tilespmem:$0x1E800] =	vst v63  }
0x50: {  	_ =	swait.ge [sflag:s24], $0x2000  }
0x51: {  	[sflag:s24] =	ssyncset.done $0x0  }
0x52: {  	s7 =	sadd.s32 $0x5080, s6;
	[sflag:s24] =	ssyncadd.s32 $0xFFFFE000  }
0x53: {  	[spmem:s2] =	stream.indirect.scatter.add.f32 [tilespmem:s18], [sflag:$0x6], $0x40, s7, s16, $0xb8;
	[tilespmem:$0x1E800] =	vst v63  }
0x54: {  	_ =	swait.ge [sflag:s25], $0x2000  }
0x55: {  	[sflag:s25] =	ssyncset.done $0x0  }
0x56: {  	s7 =	sadd.s32 $0x5100, s6;
	[sflag:s25] =	ssyncadd.s32 $0xFFFFE000  }
0x57: {  	[spmem:s2] =	stream.indirect.scatter.add.f32 [tilespmem:s20], [sflag:$0x7], $0x40, s7, s16, $0xb8;
	[tilespmem:$0x1E800] =	vst v63  }
0x58: {  	_ =	swait.ge [sflag:s26], $0x2000  }
0x59: {  	[sflag:s26] =	ssyncset.done $0x0  }
0x5a: {  	s7 =	sadd.s32 $0x5180, s6;
	[sflag:s26] =	ssyncadd.s32 $0xFFFFE000  }
0x5b: {  	[spmem:s2] =	stream.indirect.scatter.add.f32 [tilespmem:s22], [sflag:$0x8], $0x40, s7, s16, $0xb8;
	[tilespmem:$0x1E800] =	vst v63  }
0x5c: {  	_ =	swait.ge [sflag:s28], $0x2000  }
0x5d: {  	[sflag:s28] =	ssyncset.done $0x0  }
0x5e: {  	s7 =	sadd.s32 $0x200, s6;
	[sflag:s28] =	ssyncadd.s32 $0xFFFFE000  }
0x5f: {  	[tilespmem:s17], [sflag:$0x1] =	stream.indirect.gather [hbm4b:s9+s16], $0x40, s7, s16, $0xb8;
	[tilespmem:$0x1E800] =	vst v63  }
0x60: {  	_ =	swait.ge [sflag:s29], $0x2000  }
0x61: {  	[sflag:s29] =	ssyncset.done $0x0  }
0x62: {  	s7 =	sadd.s32 $0x280, s6;
	[sflag:s29] =	ssyncadd.s32 $0xFFFFE000  }
0x63: {  	[tilespmem:s18], [sflag:$0x2] =	stream.indirect.gather [hbm4b:s9+s16], $0x40, s7, s16, $0xb8;
	[tilespmem:$0x1E800] =	vst v63  }
0x64: {  	_ =	swait.ge [sflag:s30], $0x2000  }
0x65: {  	[sflag:s30] =	ssyncset.done $0x0  }
.Ltmp0:
0x66: {  	s7 =	sadd.s32 $0x300, s6;
	[sflag:s30] =	ssyncadd.s32 $0xFFFFE000;
	(pc) =	sbr.rel @p0 .LBB2_2-.Ltmp0, $4  }
0x67: {  	[tilespmem:s20], [sflag:$0x3] =	stream.indirect.gather [hbm4b:s9+s16], $0x40, s7, s16, $0xb8;
	[tilespmem:$0x1E800] =	vst v63  }
0x68: {  	_ =	swait.ge [sflag:s31], $0x2000  }
0x69: {  	[sflag:s31] =	ssyncset.done $0x0  }
0x6a: {  	s6 =	sadd.s32 $0x380, s6;
	[sflag:s31] =	ssyncadd.s32 $0xFFFFE000  }
0x6b: {  	[tilespmem:s22], [sflag:$0x4] =	stream.indirect.gather [hbm4b:s9+s16], $0x40, s6, s16, $0xb8;
	[tilespmem:$0x1E800] =	vst v63  }
0x6c: {  	_ =	swait.ge [sflag:s23], $0x2000  }
0x6d: {  	[sflag:s23] =	ssyncset.done $0x0  }
0x6e: {  	s4 =	simm.s32 $0x9E00;
	[sflag:s23] =	ssyncadd.s32 $0xFFFFE000  }
0x6f: {  	[spmem:s2] =	stream.indirect.scatter.add.f32 [tilespmem:s17], [sflag:$0x5], $0x40, s4, s16, $0xb8;
	[tilespmem:$0x1E800] =	vst v63  }
0x70: {  	_ =	swait.ge [sflag:s24], $0x2000  }
0x71: {  	[sflag:s24] =	ssyncset.done $0x0  }
0x72: {  	s11 =	simm.s32 $0x9E80;
	[sflag:s24] =	ssyncadd.s32 $0xFFFFE000  }
0x73: {  	[spmem:s2] =	stream.indirect.scatter.add.f32 [tilespmem:s18], [sflag:$0x6], $0x40, s11, s16, $0xb8;
	[tilespmem:$0x1E800] =	vst v63  }
0x74: {  	_ =	swait.ge [sflag:s25], $0x2000  }
0x75: {  	[sflag:s25] =	ssyncset.done $0x0  }
0x76: {  	s14 =	simm.s32 $0x9F00;
	[sflag:s25] =	ssyncadd.s32 $0xFFFFE000  }
0x77: {  	[spmem:s2] =	stream.indirect.scatter.add.f32 [tilespmem:s20], [sflag:$0x7], $0x40, s14, s16, $0xb8;
	[tilespmem:$0x1E800] =	vst v63  }
0x78: {  	_ =	swait.ge [sflag:s26], $0x2000  }
0x79: {  	[sflag:s26] =	ssyncset.done $0x0  }
0x7a: {  	s15 =	simm.s32 $0x9F80;
	[sflag:s26] =	ssyncadd.s32 $0xFFFFE000  }
0x7b: {  	[spmem:s2] =	stream.indirect.scatter.add.f32 [tilespmem:s22], [sflag:$0x8], $0x40, s15, s16, $0xb8;
	[tilespmem:$0x1E800] =	vst v63  }
0x7c: {  	_ =	swait.ge [sflag:s28], $0x2000  }
0x7d: {  	[sflag:s28] =	ssyncset.done $0x0  }
0x7e: {  	[sflag:s28] =	ssyncadd.s32 $0xFFFFE000  }
0x7f: {  	_ =	swait.ge [sflag:s29], $0x2000  }
0x80: {  	[sflag:s29] =	ssyncset.done $0x0  }
0x81: {  	[sflag:s29] =	ssyncadd.s32 $0xFFFFE000  }
0x82: {  	_ =	swait.ge [sflag:s30], $0x2000  }
0x83: {  	[sflag:s30] =	ssyncset.done $0x0  }
0x84: {  	[sflag:s30] =	ssyncadd.s32 $0xFFFFE000  }
0x85: {  	_ =	swait.ge [sflag:s31], $0x2000  }
0x86: {  	[sflag:s31] =	ssyncset.done $0x0  }
0x87: {  	[sflag:s31] =	ssyncadd.s32 $0xFFFFE000  }
0x88: {  	s4 =	simm.s32 $0x0;
	[bflag:$0x0] =	sbarrier.arrive $0xFFFF  }
.LBB2_4:
0x89: {  	s6 =	sshll.u32 s4, $0x7  }
0x8a: {  	s6 =	sadd.s32 s8, s6  }
0x8b: {  	s7 =	sshll.u32 s6, $0x6  }
0x8c: {  	s7 =	sand.u32 $0x3FFFFFC0, s7  }
0x8d: {  	s7 =	sadd.s32 s7, s2  }
0x8e: {  	[tilespmem:s21], [sflag:$0x9] =	stream.linear.gather [spmem:s7], $0x2000, $0x38;
	[tilespmem:$0x1E800] =	vst v63  }
0x8f: {  	_ =	swait.ge [sflag:s12], $0x2000  }
0x90: {  	s15 =	sshll.u32 s6, $0x1;
	[sflag:s12] =	ssyncset.done $0x0  }
0x91: {  	s7 =	sadd.s32 s5, s15;
	[sflag:s12] =	ssyncadd.s32 $0xFFFFE000  }
0x92: {  	[tilespmem:s0], [sflag:$0x9] =	stream.linear.gather [hbm4b:s7+s19], $0x800, $0x38;
	[tilespmem:$0x1E800] =	vst v63  }
0x93: {  	_ =	swait.ge [sflag:s12], $0x800  }
0x94: {  	[sflag:s12] =	ssyncset.done $0x0  }
0x95: {  	s7 =	simm.s32 $0x12820;
	[sflag:s12] =	ssyncadd.s32 $0xFFFFF800  }
0x96: {  	v0 =	vld [tilespmem:s7+$0x10]  }
0x97: {  	s11 =	simm.s32 $0x0;
	v1 =	vld [tilespmem:s7+$0xFFFFFFE0]  }
0x98: {  	v2 =	vld [tilespmem:s11+$0x12000]  }
0x99: {  	v3 =	vld [tilespmem:s7+$0xFFFFFFF0]  }
0x9a: {  	v4 =	vld [tilespmem:s7+$0x0];
	_ =	sdelay $0x2  }
0x9b: {  	v5 =	vmul.f32 v1, v2;
	v6 =	vmul.f32 v0, v2  }
0x9c: {  	v1 =	vmul.f32 v3, v2  }
0x9d: {  	s14 =	simm.s32 $0x12820;
	s11 =	simm.s32 $0x40;
	v2 =	vmul.f32 v4, v2;
	v0 =	vmax.f32 v5, $0.0e+00;
	v3 =	vmax.f32 v6, $0.0e+00  }
.LBB2_5:
0x9e: {  	p0 =	sne.s32 s11, $0x1FC0  }
0x9f: {  	v1 =	vmax.f32 v1, $0.0e+00;
	v2 =	vmax.f32 v2, $0.0e+00;
	[tilespmem:s7+$0x10] =	vst v3;
	s14 =	sadd.s32 $0x40, s14;
	s15 =	smov.u32 s11;
	s11 =	sadd.s32 $0x40, s11  }
0xa0: {  	v3 =	vld [tilespmem:s14+$0xFFFFFFF0];
	[tilespmem:s7+$0xFFFFFFE0] =	vst v0  }
0xa1: {  	v0 =	vld [tilespmem:s14+$0x10];
	[tilespmem:s7+$0xFFFFFFF0] =	vst v1  }
0xa2: {  	s15 =	sshra.s32 s15, $0x2;
	v1 =	vld [tilespmem:s14+$0xFFFFFFE0];
	[tilespmem:s7+$0x0] =	vst v2;
	s7 =	smov.u32 s14  }
0xa3: {  	v2 =	vld [tilespmem:s15+$0x12000]  }
0xa4: {  	v4 =	vld [tilespmem:s14+$0x0];
	_ =	sdelay $0x1  }
.Ltmp1:
0xa5: {  	(pc) =	sbr.rel @p0 .LBB2_5-.Ltmp1, $4  }
0xa6: {  	_ = 	snop  }
0xa7: {  	v5 =	vmul.f32 v1, v2;
	v6 =	vmul.f32 v0, v2  }
0xa8: {  	v1 =	vmul.f32 v3, v2;
	v2 =	vmul.f32 v4, v2  }
0xa9: {  	v0 =	vmax.f32 v5, $0.0e+00;
	v3 =	vmax.f32 v6, $0.0e+00  }
0xaa: {  	[tilespmem:s7+$0x10] =	vst v3  }
0xab: {  	v1 =	vmax.f32 v1, $0.0e+00;
	[tilespmem:s7+$0xFFFFFFE0] =	vst v0;
	s4 =	sadd.s32 $0x1, s4  }
0xac: {  	v63 =	vmax.f32 v2, $0.0e+00;
	s6 =	sshll.u32 s6, $0x4;
	[tilespmem:s7+$0xFFFFFFF0] =	vst v1;
	p0 =	sne.s32 s4, $0x5  }
.Ltmp2:
0xad: {  	[tilespmem:s7+$0x0] =	vst v63;
	s6 =	sadd.s32 s6, s10;
	(pc) =	sbr.rel @p0 .LBB2_4-.Ltmp2, $4  }
0xae: {  	[hbm4b:s6+s1] =	stream.strided.scatter [tilespmem:s21], [sflag:$0x9], $0x2000, s16, s1, $0x38;
	[tilespmem:$0x1E800] =	vst v63  }
0xaf: {  	_ =	swait.ge [sflag:s12], $0x2000  }
0xb0: {  	[sflag:s12] =	ssyncset.done $0x0  }
0xb1: {  	[sflag:s12] =	ssyncadd.s32 $0xFFFFE000  }
0xb2: {  	s13 =	sadd.s32 $0x1, s13;
	s4 =	rddreg [dreg:$0x7]  }
0xb3: {  	p0 =	sne.s32 s13, s4  }
.Ltmp3:
0xb4: {  	_ = 	snop;
	(pc) =	sbr.rel @p0 .LBB2_1-.Ltmp3, $1  }
0xb5: {  	_ =	sdelay $0x3  }
0xb6: {  	_ =	sfence.sel $0x180000  }
0xb7: {  	[bflag:$0x0] =	sbarrier.arrive $0xFFFF  }
0xb8: {  	_ =	strace $0x9000004D  }
0xb9: {  	s0 =	stileid.u32;
	[bflag:$0x2] =	sbarrier.arrive $0xFFFF  }
0xba: {  	p0 =	sne.s32 s0, $0x0;
	s0 =	rddreg [dreg:$0x3]  }
0xbb: {  	s0 =	sadd.s32 @!p0 $0x100000, s0  }
0xbc: {  	[sflag:s0] =	ssyncadd.tile.s32 @!p0 $0x1;
	_ =	shalt  }
.Lfunc_end2:
_tile_overlayer_lowered:
.L_overlay_start_2:
0xbd: {  	(tag) =	ssettag $0x2  }
0xbe: {  	s0 =	rddreg [dreg:$0x0];
	s2 =	stileid.u32  }
0xbf: {  	s1 =	rddreg [dreg:$0x1];
	p0 =	sne.s32 s2, $0x0  }
0xc0: {  	s3 =	rddreg [dreg:$0x2];
	[bflag:$0x3] =	sbarrier.arrive $0xFFFF;
	s2 =	simm.s32 @!p0 $0x1C09  }
0xc1: {  	[timem:s3], [sflag:s2] =	dma.local @!p0 [hbm:s0], s1  }
0xc2: {  	s0 =	simm.s32 @!p0 $0x9  }
0xc3: {  	_ =	swait.ge @!p0 [sflag:s0], s1  }
0xc4: {  	s1 =	ssub.s32 @!p0 $0x0, s1;
	[sflag:s0] =	ssyncset.done @!p0 $0x0  }
0xc5: {  	[sflag:s0] =	ssyncadd.s32 @!p0 s1  }
0xc6: {  	[bflag:$0x3] =	sbarrier.arrive $0xFFFF  }
0xc7: {  	_ =	shalt  }

// kernel: kernel.7.cloned.1.call-start
scs
__scs_entry_jumppad:
0x0: {  	(pc) =	sbr.rel $0x88, $3  }
0x1: {  	(tag) =	ssettag $0x0;
	lr =	simm.s32 $0x1  }
0x2: {  	[smem:$0x3F9B] =	sst lr;
	_ =	strace $0xD0000000  }
0x3: {  	_ = 	snop  }
0x4: {  	_ = 	snop  }
0x5: {  	_ = 	snop  }
0x6: {  	_ = 	snop  }
0x7: {  	_ = 	snop  }
__scs_overlays_trampoline_lowered:
0x8: {  	[smem:$0x3FAA] =	sst s0  }
0x9: {  	[smem:$0x3FAB] =	sst s1  }
0xa: {  	[smem:$0x3FAC] =	sst s2  }
0xb: {  	[smem:$0x3FAD] =	sst s3  }
0xc: {  	[smem:$0x3FAE] =	sst s4  }
0xd: {  	[smem:$0x3FAF] =	sst s5  }
0xe: {  	[smem:$0x3FB0] =	sst s6  }
0xf: {  	[smem:$0x3FB1] =	sst s7  }
0x10: {  	[smem:$0x3FB2] =	sst s8  }
0x11: {  	[smem:$0x3FB3] =	sst s9;
	s0 =	simm.s32 @!p0 $0x0  }
0x12: {  	s1 =	sld [smem:$0x3F99];
	s0 =	simm.s32 @p0 $0x1  }
0x13: {  	[smem:$0x3FB4] =	sst s0;
	s0 =	simm.s32 @!p1 $0x0  }
0x14: {  	s2 =	sld [smem:$0x3F98];
	s0 =	simm.s32 @p1 $0x1  }
0x15: {  	[smem:$0x3FB5] =	sst s0;
	s0 =	simm.s32 @!p2 $0x0  }
0x16: {  	s3 =	sld [smem:$0x3FDB];
	s0 =	simm.s32 @p2 $0x1  }
0x17: {  	s4 =	simm.s32 $0x1BF5;
	[smem:$0x3FB7] =	sst s0  }
0x18: {  	s0 =	sld [smem:$0x3F9A];
	_ =	swait.ge [sflag:s4], $0x0  }
0x19: {  	s7 =	sld [smem:$0x3F9B]  }
0x1a: {  	s8 =	sadd.s32 $0xFFFFE003, lr  }
0x1b: {  	s9 =	sadd.s32 $0xFFFFFEF7, lr;
	s5 =	simm.s32 $0xFFFFFFFF;
	p2 =	slt.u32 s8, $0xFFFFF086  }
0x1c: {  	p1 =	slt.u32 s9, $0xF7A;
	s5 =	simm.s32 @!p2 $0x0  }
0x1d: {  	s5 =	simm.s32 @p1 $0x1;
	p0 =	seq.s32 s7, s2  }
0x1e: {  	s7 =	smul.u32 @!p0 $0xF7A, s2;
	p2 =	seq.s32 @!p0 s5, $0x0  }
0x1f: {  	s9 =	smul.u32 $0xF7A, s1;
	s8 =	simm.s32 @!p0 $0x1BF5;
	p2 =	por !p2, p0  }
0x20: {  	[sflag:s8] =	ssyncset.s32 @!p0 $0xFFFFF086;
	s6 =	sadd.s32 @!p0 s3, s7;
	s7 =	simm.s32 @!p0 $0x108  }
0x21: {  	s3 =	sadd.s32 s3, s9;
	s6 =	sadd.s32 @!p0 $0x88, s6;
	s7 =	simm.s32 @p2 $0x1082  }
0x22: {  	[simem:s7], [sflag:s8] =	dma.local @!p0 [hbm:s6], $0xF7A  }
0x23: {  	s9 =	sor.u32 $0xD0000000, s2;
	s6 =	simm.s32 $0x108;
	_ =	swait.ge @!p0 [sflag:s8], $0x0  }
0x24: {  	s3 =	sadd.s32 $0x88, s3;
	s6 =	simm.s32 @!p1 $0x1082;
	[sflag:s4] =	ssyncset.s32 $0xFFFFF086  }
0x25: {  	[simem:s6], [sflag:s4] =	dma.local [hbm:s3], $0xF7A  }
0x26: {  	[smem:$0x3F9B] =	sst s1;
	(tag) =	ssettag s2;
	_ =	strace s9  }
0x27: {  	s1 =	sld [smem:$0x3FAB]  }
0x28: {  	s2 =	sld [smem:$0x3FAC]  }
0x29: {  	s4 =	sld [smem:$0x3FAE]  }
0x2a: {  	p0 =	seq.s32 s5, $0x0;
	s5 =	sld [smem:$0x3FAF]  }
0x2b: {  	s6 =	sld [smem:$0x3FB0]  }
0x2c: {  	s7 =	sld [smem:$0x3FB1]  }
0x2d: {  	s3 =	simm.s32 $0x108;
	s8 =	sld [smem:$0x3FB2]  }
0x2e: {  	s3 =	simm.s32 @!p0 $0x1082;
	s9 =	sld [smem:$0x3FB3]  }
0x2f: {  	lr =	sadd.s32 s0, s3;
	s0 =	sld [smem:$0x3FAA]  }
0x30: {  	s3 =	sld [smem:$0x3FAD]  }
0x31: {  	[smem:$0x3FB6] =	sst s10  }
0x32: {  	s10 =	sld [smem:$0x3FB4];
	_ =	sdelay $0x3  }
0x33: {  	p0 =	seq.s32 s10, $0x1;
	s10 =	sld [smem:$0x3FB6];
	_ =	sdelay $0x3  }
0x34: {  	[smem:$0x3FB6] =	sst s10  }
0x35: {  	s10 =	sld [smem:$0x3FB5];
	_ =	sdelay $0x3  }
0x36: {  	p1 =	seq.s32 s10, $0x1;
	s10 =	sld [smem:$0x3FB6];
	_ =	sdelay $0x3  }
0x37: {  	[smem:$0x3FB6] =	sst s10  }
0x38: {  	s10 =	sld [smem:$0x3FB7]  }
0x39: {  	_ = 	snop;
	(pc) =	sbr.ind lr, $3  }
0x3a: {  	_ = 	snop  }
0x3b: {  	_ = 	snop  }
0x3c: {  	p2 =	seq.s32 s10, $0x1;
	s10 =	sld [smem:$0x3FB6]  }
0x3d: {  	_ =	shalt  }
0x3e: {  	_ =	shalt  }
0x3f: {  	_ =	shalt  }
0x40: {  	_ =	shalt  }
0x41: {  	_ =	shalt  }
0x42: {  	_ =	shalt  }
0x43: {  	_ =	shalt  }
0x44: {  	_ =	shalt  }
0x45: {  	_ =	shalt  }
0x46: {  	_ =	shalt  }
0x47: {  	_ =	shalt  }
0x48: {  	_ =	shalt  }
0x49: {  	_ =	shalt  }
0x4a: {  	_ =	shalt  }
0x4b: {  	_ =	shalt  }
0x4c: {  	_ =	shalt  }
0x4d: {  	_ =	shalt  }
0x4e: {  	_ =	shalt  }
0x4f: {  	_ =	shalt  }
0x50: {  	_ =	shalt  }
0x51: {  	_ =	shalt  }
0x52: {  	_ =	shalt  }
0x53: {  	_ =	shalt  }
0x54: {  	_ =	shalt  }
0x55: {  	_ =	shalt  }
0x56: {  	_ =	shalt  }
0x57: {  	_ =	shalt  }
0x58: {  	_ =	shalt  }
0x59: {  	_ =	shalt  }
0x5a: {  	_ =	shalt  }
0x5b: {  	_ =	shalt  }
0x5c: {  	_ =	shalt  }
0x5d: {  	_ =	shalt  }
0x5e: {  	_ =	shalt  }
0x5f: {  	_ =	shalt  }
0x60: {  	_ =	shalt  }
0x61: {  	_ =	shalt  }
0x62: {  	_ =	shalt  }
0x63: {  	_ =	shalt  }
0x64: {  	_ =	shalt  }
0x65: {  	_ =	shalt  }
0x66: {  	_ =	shalt  }
0x67: {  	_ =	shalt  }
0x68: {  	_ =	shalt  }
0x69: {  	_ =	shalt  }
0x6a: {  	_ =	shalt  }
0x6b: {  	_ =	shalt  }
0x6c: {  	_ =	shalt  }
0x6d: {  	_ =	shalt  }
0x6e: {  	_ =	shalt  }
0x6f: {  	_ =	shalt  }
0x70: {  	_ =	shalt  }
0x71: {  	_ =	shalt  }
0x72: {  	_ =	shalt  }
0x73: {  	_ =	shalt  }
0x74: {  	_ =	shalt  }
0x75: {  	_ =	shalt  }
0x76: {  	_ =	shalt  }
0x77: {  	_ =	shalt  }
0x78: {  	_ =	shalt  }
0x79: {  	_ =	shalt  }
0x7a: {  	_ =	shalt  }
0x7b: {  	_ =	shalt  }
0x7c: {  	_ =	shalt  }
0x7d: {  	_ =	shalt  }
0x7e: {  	_ =	shalt  }
0x7f: {  	_ =	shalt  }
0x80: {  	_ =	shalt  }
0x81: {  	_ =	shalt  }
0x82: {  	_ =	shalt  }
0x83: {  	_ =	shalt  }
0x84: {  	_ =	shalt  }
0x85: {  	_ =	shalt  }
0x86: {  	_ =	shalt  }
0x87: {  	_ =	shalt  }
.Lfunc_end0:
.L_simem_size_0:
called_computation_lowered:
.L_overlay_start_0:
0x88: {  	s2 =	sld [smem:$0x3FD9]  }
0x89: {  	s3 =	sld [smem:$0x3FFE];
	_ =	sdelay $0x1  }
0x8a: {  	s1 =	srdreg.scid  }
0x8b: {  	s0 =	sand.u32 $0x1, s1  }
0x8c: {  	s17 =	sshll.u32 s0, $0xA;
	s2 =	sadd.s32 s3, s2  }
0x8d: {  	s2 =	sadd.s32 s2, s17  }
0x8e: {  	[smem:$0x3FC2] =	sst s2  }
0x8f: {  	_ = 	snop  }
0x90: {  	s2 =	sld [smem:$0x3FD0];
	(tm) =	ssettm $0x1  }
0x91: {  	s18 =	sld [smem:$0x3FFB];
	_ =	sdelay $0x3  }
0x92: {  	_ =	strace s18  }
0x93: {  	s3 =	sld [smem:$0x3FFC];
	_ =	sdelay $0x3  }
0x94: {  	_ =	strace s3  }
0x95: {  	s3 =	sld [smem:$0x3FFD];
	_ =	sdelay $0x3  }
0x96: {  	_ =	strace s3  }
0x97: {  	_ =	strace $0x8FFFFFFF  }
0x98: {  	s19 =	sld [smem:$0x3FDB];
	_ =	sdelay $0x1  }
0x99: {  	s4 =	simm.s32 $_scs_section_size  }
0x9a: {  	s5 =	simm.s32 $_size__tile_overlayer_lowered;
	s6 =	simm.s32 $_tile_overlayer_lowered  }
0x9b: {  	s22 =	simm.s32 $0x1BFF;
	s21 =	sshll.u32 s6, $0x1;
	s3 =	sadd.s32 s4, s19  }
0x9c: {  	s7 =	simm.s32 $0x0;
	s20 =	sshll.u32 s5, $0x1;
	s5 =	sadd.s32 s21, s3  }
0x9d: {  	[timem:s7], [sflag:s22] =	dma.local [hbm:s5], s20  }
0x9e: {  	_ =	swait.ge [sflag:s22], s20  }
0x9f: {  	s4 =	ssub.s32 $0x0, s20;
	[sflag:s22] =	ssyncset.done $0x0  }
0xa0: {  	[sflag:s22] =	ssyncadd.s32 s4;
	_ =	sdelay $0x1  }
0xa1: {  	s23 =	simm.s32 $0x1B8B  }
0xa2: {  	_ =	swait.ge [sflag:s23], $0x1  }
0xa3: {  	[sflag:s23] =	ssyncset.done $0x0  }
0xa4: {  	s25 =	simm.s32 $0x1B8E;
	s24 =	sld [smem:$0x3FFE];
	[sflag:s23] =	ssyncadd.s32 $0xFFFFFFFF  }
0xa5: {  	s26 =	simm.s32 $execute0_lowered;
	[smem:$0x3FD2] =	sst s25  }
0xa6: {  	s5 =	sshll.u32 s26, $0x1;
	_ =	strace $0x80000046;
	[dreg:$0x1] =	wrdreg $0xFFFFFFFF  }
0xa7: {  	s28 =	simm.s32 $_size_execute0_lowered;
	s3 =	sadd.s32 s3, s5;
	[dreg:$0x0] =	wrdreg $0x0  }
0xa8: {  	s5 =	sshll.u32 s28, $0x1;
	[dreg:$0x2] =	wrdreg s3  }
0xa9: {  	[dreg:$0x3] =	wrdreg s5  }
0xaa: {  	[dreg:$0x4] =	wrdreg $0xC0  }
0xab: {  	_ =	task [dreg:s7], $0x5FFFF  }
0xac: {  	[dreg:$0x1] =	wrdreg $0xFFFFFFFF  }
0xad: {  	[dreg:$0x0] =	wrdreg $0x60  }
0xae: {  	[dreg:$0x2] =	wrdreg s2  }
0xaf: {  	[dreg:$0x3] =	wrdreg s24  }
0xb0: {  	[dreg:$0x4] =	wrdreg $0x53200  }
0xb1: {  	[dreg:$0x5] =	wrdreg $0x9  }
0xb2: {  	_ =	task.clear_ibuf [dreg:s7], $0x6FFFF;
	_ =	strace $0x90000046  }
0xb3: {  	s29 =	simm.s32 $0x9;
	_ =	strace $0x80000048  }
0xb4: {  	_ =	swait.ge [sflag:s29], $0x1  }
0xb5: {  	[sflag:s29] =	ssyncadd.s32 $0xFFFFFFFF  }
0xb6: {  	_ =	strace $0x90000048  }
0xb7: {  	_ =	sfence  }
0xb8: {  	s30 =	sld [smem:$0x0];
	_ =	sdelay $0x2  }
0xb9: {  	s31 =	sshll.u32 s1, $0xD;
	s1 =	sshrl.u32 s1, $0x2  }
0xba: {  	s3 =	sand.u32 $0x4000, s31;
	s1 =	sadd.s32 s1, s30  }
0xbb: {  	s0 =	sor.u32 s3, s0;
	s1 =	sshll.u32 s1, $0x11  }
0xbc: {  	s0 =	sor.u32 s1, s0  }
0xbd: {  	s0 =	sadd.s32 $0x8F2B, s0  }
0xbe: {  	[sflag:s0] =	ssyncadd.remote.s32 $0x1  }
0xbf: {  	_ =	sfence.sel $0xFFFF  }
0xc0: {  	[dreg:$0x0] =	wrdreg $0xFFFFFFFF;
	(pc) =	sbr.abs _section_cstart, $3  }
0xc1: {  	[dreg:$0x1] =	wrdreg $0xFFFFFFFF  }
0xc2: {  	_ =	task.clear_ibuf [dreg:s7], $0x2FFFF;
	_ =	strace $0x9FFFFFFF  }
0xc3: {  	(tm) =	ssettm $0x7FFFFFFF  }
tec
execute0_lowered:
.L_overlay_start_1:
0x0: {  	(tag) =	ssettag $0x1  }
0x1: {  	s6 =	rddreg [dreg:$0x0]  }
0x2: {  	s7 =	rddreg [dreg:$0x1];
	s1 =	srdreg.scid  }
0x3: {  	s0 =	stileid.u32;
	s2 =	rddreg [dreg:$0x2];
	s3 =	simm.s32 $0x0  }
0x4: {  	s14 =	simm.s32 $0x1;
	s15 =	simm.s32 $0x2;
	s16 =	simm.s32 $0x3  }
0x5: {  	s17 =	simm.s32 $0x4;
	s18 =	simm.s32 $0x5;
	s19 =	simm.s32 $0x6  }
0x6: {  	s20 =	simm.s32 $0x7;
	s21 =	simm.s32 $0x8;
	s22 =	simm.s32 $0x9  }
0x7: {  	s23 =	simm.s32 $0xA;
	s24 =	simm.s32 $0x0;
	s9 =	smul.u32 $0x2800, s0  }
0x8: {  	s8 =	sand.u32 $0x1, s1;
	s1 =	rddreg [dreg:$0x3];
	s12 =	smul.u32 $0x4E20, s0  }
0x9: {  	[smem:$0x7FF] =	sst s3;
	s4 =	sadd.s32 $0x1A00, s7;
	s10 =	smul.u32 $0x28000, s8  }
0xa: {  	s5 =	sadd.s32 $0x1C00, s7;
	s11 =	smul.u32 $0x4E200, s8;
	s8 =	ssub.s32 $0x2, s8  }
0xb: {  	s31 =	sshll.u32 s0, $0x6;
	_ =	strace $0x80000047;
	s13 =	sshrl.u32 s8, $0x1  }
0xc: {  	s30 =	sadd.s32 s9, s2;
	s10 =	sadd.s32 s9, s10;
	s11 =	sadd.s32 s12, s11  }
0xd: {  	s8 =	ssub.s32 s8, s13;
	s9 =	simm.s32 $0xB;
	s12 =	sshrl.u32 s30, $0x3  }
0xe: {  	s13 =	simm.s32 $0x50;
	s10 =	sshrl.u32 s10, $0x3;
	s29 =	sshrl.u32 s11, $0x3  }
0xf: {  	s8 =	smax.u32 s8, $0x1;
	s11 =	sor.u32 $0x1C0B, s31;
	s7 =	sadd.s32 s10, s7  }
0x10: {  	s6 =	sadd.s32 s6, s29;
	s10 =	simm.s32 $0x4E20;
	s7 =	sadd.s32 $0x2200, s7  }
.LBB2_1:
0x11: {  	[tilespmem:s3], [sflag:$0xB] =	stream.linear.gather [hbm4b:s6+s3], $0x4E20, $0x38;
	[tilespmem:$0x7B20] =	vst v63  }
0x12: {  	_ =	swait.ge [sflag:s9], $0x4E20  }
0x13: {  	[sflag:s9] =	ssyncset.done $0x0  }
0x14: {  	[sflag:s9] =	ssyncadd.s32 $0xFFFFB1E0  }
0x15: {  	[tilespmem:s10], [sflag:$0xB] =	stream.linear.gather [hbm4b:s4+s3], $0x500, $0x38;
	[tilespmem:$0x7B20] =	vst v63  }
0x16: {  	_ =	swait.ge [sflag:s9], $0x500  }
0x17: {  	[sflag:s9] =	ssyncset.done $0x0  }
0x18: {  	[sflag:s9] =	ssyncadd.s32 $0xFFFFFB00  }
0x19: {  	[spmem:s12], [sflag:s11] =	dma.local [hbm:s5], $0x500  }
0x1a: {  	_ =	swait.ge [sflag:s9], $0x500  }
0x1b: {  	[sflag:s9] =	ssyncset.done $0x0  }
0x1c: {  	[sflag:s9] =	ssyncadd.s32 $0xFFFFFB00  }
0x1d: {  	s25 =	simm.s32 $0x0;
	[bflag:$0x0] =	sbarrier.arrive $0xFFFF  }
0x1e: {  	[spmem:s2] =	stream.indirect.scatter.add.f32 [tilespmem:s10], [sflag:$0x1], $0x10, s25, s13, $0xb8;
	[tilespmem:$0x7B20] =	vst v63  }
0x1f: {  	s31 =	simm.s32 $0x50  }
0x20: {  	[spmem:s2] =	stream.indirect.scatter.add.f32 [tilespmem:s10], [sflag:$0x2], $0x10, s31, s13, $0xb8;
	[tilespmem:$0x7B20] =	vst v63  }
0x21: {  	s26 =	simm.s32 $0xA0  }
0x22: {  	[spmem:s2] =	stream.indirect.scatter.add.f32 [tilespmem:s10], [sflag:$0x3], $0x10, s26, s13, $0xb8;
	[tilespmem:$0x7B20] =	vst v63  }
0x23: {  	s29 =	simm.s32 $0xF0  }
0x24: {  	[spmem:s2] =	stream.indirect.scatter.add.f32 [tilespmem:s10], [sflag:$0x4], $0x10, s29, s13, $0xb8;
	[tilespmem:$0x7B20] =	vst v63  }
0x25: {  	s30 =	simm.s32 $0x140  }
0x26: {  	[spmem:s2] =	stream.indirect.scatter.add.f32 [tilespmem:s10], [sflag:$0x5], $0x10, s30, s13, $0xb8;
	[tilespmem:$0x7B20] =	vst v63  }
0x27: {  	s31 =	simm.s32 $0x190  }
0x28: {  	[spmem:s2] =	stream.indirect.scatter.add.f32 [tilespmem:s10], [sflag:$0x6], $0x10, s31, s13, $0xb8;
	[tilespmem:$0x7B20] =	vst v63  }
0x29: {  	s26 =	simm.s32 $0x1E0  }
0x2a: {  	[spmem:s2] =	stream.indirect.scatter.add.f32 [tilespmem:s10], [sflag:$0x7], $0x10, s26, s13, $0xb8;
	[tilespmem:$0x7B20] =	vst v63  }
0x2b: {  	s29 =	simm.s32 $0x230  }
0x2c: {  	[spmem:s2] =	stream.indirect.scatter.add.f32 [tilespmem:s10], [sflag:$0x8], $0x10, s29, s13, $0xb8;
	[tilespmem:$0x7B20] =	vst v63  }
0x2d: {  	s30 =	simm.s32 $0x280  }
0x2e: {  	[spmem:s2] =	stream.indirect.scatter.add.f32 [tilespmem:s10], [sflag:$0x9], $0x10, s30, s13, $0xb8;
	[tilespmem:$0x7B20] =	vst v63  }
0x2f: {  	s31 =	simm.s32 $0x2D0  }
0x30: {  	[spmem:s2] =	stream.indirect.scatter.add.f32 [tilespmem:s10], [sflag:$0xA], $0x10, s31, s13, $0xb8;
	[tilespmem:$0x7B20] =	vst v63  }
0x31: {  	_ =	swait.ge [sflag:s14], $0x500  }
0x32: {  	[sflag:s14] =	ssyncset.done $0x0  }
0x33: {  	[sflag:s14] =	ssyncadd.s32 $0xFFFFFB00  }
0x34: {  	_ =	swait.ge [sflag:s15], $0x500  }
0x35: {  	[sflag:s15] =	ssyncset.done $0x0  }
0x36: {  	[sflag:s15] =	ssyncadd.s32 $0xFFFFFB00  }
0x37: {  	_ =	swait.ge [sflag:s16], $0x500  }
0x38: {  	[sflag:s16] =	ssyncset.done $0x0  }
0x39: {  	[sflag:s16] =	ssyncadd.s32 $0xFFFFFB00  }
0x3a: {  	_ =	swait.ge [sflag:s17], $0x500  }
0x3b: {  	[sflag:s17] =	ssyncset.done $0x0  }
0x3c: {  	[sflag:s17] =	ssyncadd.s32 $0xFFFFFB00  }
0x3d: {  	_ =	swait.ge [sflag:s18], $0x500  }
0x3e: {  	[sflag:s18] =	ssyncset.done $0x0  }
0x3f: {  	[sflag:s18] =	ssyncadd.s32 $0xFFFFFB00  }
0x40: {  	_ =	swait.ge [sflag:s19], $0x500  }
0x41: {  	[sflag:s19] =	ssyncset.done $0x0  }
0x42: {  	[sflag:s19] =	ssyncadd.s32 $0xFFFFFB00  }
0x43: {  	_ =	swait.ge [sflag:s20], $0x500  }
0x44: {  	[sflag:s20] =	ssyncset.done $0x0  }
0x45: {  	[sflag:s20] =	ssyncadd.s32 $0xFFFFFB00  }
0x46: {  	_ =	swait.ge [sflag:s21], $0x500  }
0x47: {  	[sflag:s21] =	ssyncset.done $0x0  }
0x48: {  	[sflag:s21] =	ssyncadd.s32 $0xFFFFFB00  }
0x49: {  	_ =	swait.ge [sflag:s22], $0x500  }
0x4a: {  	[sflag:s22] =	ssyncset.done $0x0  }
0x4b: {  	[sflag:s22] =	ssyncadd.s32 $0xFFFFFB00  }
0x4c: {  	_ =	swait.ge [sflag:s23], $0x500  }
0x4d: {  	s28 =	simm.s32 $0x1900;
	s25 =	simm.s32 $0xC80;
	[sflag:s23] =	ssyncset.done $0x0  }
.LBB2_2:
0x4e: {  	s29 =	sshra.s32 s25, $0x2  }
0x4f: {  	[sflag:s23] =	ssyncadd.s32 $0xFFFFFB00;
	s25 =	smov.u32 s28;
	s26 =	sadd.s32 $0xC80, s28  }
0x50: {  	[spmem:s2] =	stream.indirect.scatter.add.f32 [tilespmem:s10], [sflag:$0x1], $0x10, s29, s13, $0xb8;
	[tilespmem:$0x7B20] =	vst v63  }
0x51: {  	p0 =	sne.s32 s28, $0x12C00;
	s28 =	sadd.s32 $0x50, s29  }
0x52: {  	[spmem:s2] =	stream.indirect.scatter.add.f32 [tilespmem:s10], [sflag:$0x2], $0x10, s28, s13, $0xb8;
	[tilespmem:$0x7B20] =	vst v63  }
0x53: {  	s28 =	sadd.s32 $0xA0, s29  }
0x54: {  	[spmem:s2] =	stream.indirect.scatter.add.f32 [tilespmem:s10], [sflag:$0x3], $0x10, s28, s13, $0xb8;
	[tilespmem:$0x7B20] =	vst v63  }
0x55: {  	s28 =	sadd.s32 $0xF0, s29  }
0x56: {  	[spmem:s2] =	stream.indirect.scatter.add.f32 [tilespmem:s10], [sflag:$0x4], $0x10, s28, s13, $0xb8;
	[tilespmem:$0x7B20] =	vst v63  }
0x57: {  	s28 =	sadd.s32 $0x140, s29  }
0x58: {  	[spmem:s2] =	stream.indirect.scatter.add.f32 [tilespmem:s10], [sflag:$0x5], $0x10, s28, s13, $0xb8;
	[tilespmem:$0x7B20] =	vst v63  }
0x59: {  	s28 =	sadd.s32 $0x190, s29  }
0x5a: {  	[spmem:s2] =	stream.indirect.scatter.add.f32 [tilespmem:s10], [sflag:$0x6], $0x10, s28, s13, $0xb8;
	[tilespmem:$0x7B20] =	vst v63  }
0x5b: {  	s28 =	sadd.s32 $0x1E0, s29  }
0x5c: {  	[spmem:s2] =	stream.indirect.scatter.add.f32 [tilespmem:s10], [sflag:$0x7], $0x10, s28, s13, $0xb8;
	[tilespmem:$0x7B20] =	vst v63  }
0x5d: {  	s28 =	sadd.s32 $0x230, s29  }
0x5e: {  	[spmem:s2] =	stream.indirect.scatter.add.f32 [tilespmem:s10], [sflag:$0x8], $0x10, s28, s13, $0xb8;
	[tilespmem:$0x7B20] =	vst v63  }
0x5f: {  	s28 =	sadd.s32 $0x280, s29  }
0x60: {  	[spmem:s2] =	stream.indirect.scatter.add.f32 [tilespmem:s10], [sflag:$0x9], $0x10, s28, s13, $0xb8;
	[tilespmem:$0x7B20] =	vst v63  }
0x61: {  	s28 =	sadd.s32 $0x2D0, s29  }
0x62: {  	[spmem:s2] =	stream.indirect.scatter.add.f32 [tilespmem:s10], [sflag:$0xA], $0x10, s28, s13, $0xb8;
	[tilespmem:$0x7B20] =	vst v63  }
0x63: {  	_ =	swait.ge [sflag:s14], $0x500  }
0x64: {  	[sflag:s14] =	ssyncset.done $0x0  }
0x65: {  	[sflag:s14] =	ssyncadd.s32 $0xFFFFFB00  }
0x66: {  	_ =	swait.ge [sflag:s15], $0x500  }
0x67: {  	[sflag:s15] =	ssyncset.done $0x0  }
0x68: {  	[sflag:s15] =	ssyncadd.s32 $0xFFFFFB00  }
0x69: {  	_ =	swait.ge [sflag:s16], $0x500  }
0x6a: {  	[sflag:s16] =	ssyncset.done $0x0  }
0x6b: {  	[sflag:s16] =	ssyncadd.s32 $0xFFFFFB00  }
0x6c: {  	_ =	swait.ge [sflag:s17], $0x500  }
0x6d: {  	[sflag:s17] =	ssyncset.done $0x0  }
0x6e: {  	[sflag:s17] =	ssyncadd.s32 $0xFFFFFB00  }
0x6f: {  	_ =	swait.ge [sflag:s18], $0x500  }
0x70: {  	[sflag:s18] =	ssyncset.done $0x0  }
0x71: {  	[sflag:s18] =	ssyncadd.s32 $0xFFFFFB00  }
0x72: {  	_ =	swait.ge [sflag:s19], $0x500  }
0x73: {  	[sflag:s19] =	ssyncset.done $0x0  }
0x74: {  	[sflag:s19] =	ssyncadd.s32 $0xFFFFFB00  }
0x75: {  	_ =	swait.ge [sflag:s20], $0x500  }
0x76: {  	[sflag:s20] =	ssyncset.done $0x0  }
0x77: {  	[sflag:s20] =	ssyncadd.s32 $0xFFFFFB00  }
0x78: {  	_ =	swait.ge [sflag:s21], $0x500  }
0x79: {  	[sflag:s21] =	ssyncset.done $0x0  }
0x7a: {  	[sflag:s21] =	ssyncadd.s32 $0xFFFFFB00  }
.Ltmp0:
0x7b: {  	_ =	swait.ge [sflag:s22], $0x500;
	(pc) =	sbr.rel @p0 .LBB2_2-.Ltmp0, $4  }
0x7c: {  	[sflag:s22] =	ssyncset.done $0x0  }
0x7d: {  	[sflag:s22] =	ssyncadd.s32 $0xFFFFFB00  }
0x7e: {  	_ =	swait.ge [sflag:s23], $0x500  }
0x7f: {  	s28 =	smov.u32 s26;
	[sflag:s23] =	ssyncset.done $0x0  }
0x80: {  	s25 =	sshra.s32 s25, $0x2;
	[sflag:s23] =	ssyncadd.s32 $0xFFFFFB00  }
0x81: {  	[spmem:s2] =	stream.indirect.scatter.add.f32 [tilespmem:s10], [sflag:$0x1], $0x10, s25, s13, $0xb8;
	[tilespmem:$0x7B20] =	vst v63  }
0x82: {  	s26 =	sadd.s32 $0x50, s25  }
0x83: {  	[spmem:s2] =	stream.indirect.scatter.add.f32 [tilespmem:s10], [sflag:$0x2], $0x10, s26, s13, $0xb8;
	[tilespmem:$0x7B20] =	vst v63  }
0x84: {  	s29 =	sadd.s32 $0xA0, s25  }
0x85: {  	[spmem:s2] =	stream.indirect.scatter.add.f32 [tilespmem:s10], [sflag:$0x3], $0x10, s29, s13, $0xb8;
	[tilespmem:$0x7B20] =	vst v63  }
0x86: {  	s30 =	sadd.s32 $0xF0, s25  }
0x87: {  	[spmem:s2] =	stream.indirect.scatter.add.f32 [tilespmem:s10], [sflag:$0x4], $0x10, s30, s13, $0xb8;
	[tilespmem:$0x7B20] =	vst v63  }
0x88: {  	s31 =	sadd.s32 $0x140, s25  }
0x89: {  	[spmem:s2] =	stream.indirect.scatter.add.f32 [tilespmem:s10], [sflag:$0x5], $0x10, s31, s13, $0xb8;
	[tilespmem:$0x7B20] =	vst v63  }
0x8a: {  	s28 =	sadd.s32 $0x190, s25  }
0x8b: {  	[spmem:s2] =	stream.indirect.scatter.add.f32 [tilespmem:s10], [sflag:$0x6], $0x10, s28, s13, $0xb8;
	[tilespmem:$0x7B20] =	vst v63  }
0x8c: {  	s29 =	sadd.s32 $0x1E0, s25  }
0x8d: {  	[spmem:s2] =	stream.indirect.scatter.add.f32 [tilespmem:s10], [sflag:$0x7], $0x10, s29, s13, $0xb8;
	[tilespmem:$0x7B20] =	vst v63  }
0x8e: {  	s30 =	sadd.s32 $0x230, s25  }
0x8f: {  	[spmem:s2] =	stream.indirect.scatter.add.f32 [tilespmem:s10], [sflag:$0x8], $0x10, s30, s13, $0xb8;
	[tilespmem:$0x7B20] =	vst v63  }
0x90: {  	s31 =	sadd.s32 $0x280, s25  }
0x91: {  	[spmem:s2] =	stream.indirect.scatter.add.f32 [tilespmem:s10], [sflag:$0x9], $0x10, s31, s13, $0xb8;
	[tilespmem:$0x7B20] =	vst v63  }
0x92: {  	s25 =	sadd.s32 $0x2D0, s25  }
0x93: {  	[spmem:s2] =	stream.indirect.scatter.add.f32 [tilespmem:s10], [sflag:$0xA], $0x10, s25, s13, $0xb8;
	[tilespmem:$0x7B20] =	vst v63  }
0x94: {  	_ =	swait.ge [sflag:s14], $0x500  }
0x95: {  	[sflag:s14] =	ssyncset.done $0x0  }
0x96: {  	[sflag:s14] =	ssyncadd.s32 $0xFFFFFB00  }
0x97: {  	_ =	swait.ge [sflag:s15], $0x500  }
0x98: {  	[sflag:s15] =	ssyncset.done $0x0  }
0x99: {  	[sflag:s15] =	ssyncadd.s32 $0xFFFFFB00  }
0x9a: {  	_ =	swait.ge [sflag:s16], $0x500  }
0x9b: {  	[sflag:s16] =	ssyncset.done $0x0  }
0x9c: {  	[sflag:s16] =	ssyncadd.s32 $0xFFFFFB00  }
0x9d: {  	_ =	swait.ge [sflag:s17], $0x500  }
0x9e: {  	[sflag:s17] =	ssyncset.done $0x0  }
0x9f: {  	[sflag:s17] =	ssyncadd.s32 $0xFFFFFB00  }
0xa0: {  	_ =	swait.ge [sflag:s18], $0x500  }
0xa1: {  	[sflag:s18] =	ssyncset.done $0x0  }
0xa2: {  	[sflag:s18] =	ssyncadd.s32 $0xFFFFFB00  }
0xa3: {  	_ =	swait.ge [sflag:s19], $0x500  }
0xa4: {  	[sflag:s19] =	ssyncset.done $0x0  }
0xa5: {  	[sflag:s19] =	ssyncadd.s32 $0xFFFFFB00  }
0xa6: {  	_ =	swait.ge [sflag:s20], $0x500  }
0xa7: {  	[sflag:s20] =	ssyncset.done $0x0  }
0xa8: {  	[sflag:s20] =	ssyncadd.s32 $0xFFFFFB00  }
0xa9: {  	_ =	swait.ge [sflag:s21], $0x500  }
0xaa: {  	[sflag:s21] =	ssyncset.done $0x0  }
0xab: {  	[sflag:s21] =	ssyncadd.s32 $0xFFFFFB00  }
0xac: {  	_ =	swait.ge [sflag:s22], $0x500  }
0xad: {  	[sflag:s22] =	ssyncset.done $0x0  }
0xae: {  	[sflag:s22] =	ssyncadd.s32 $0xFFFFFB00  }
0xaf: {  	_ =	swait.ge [sflag:s23], $0x500  }
0xb0: {  	s24 =	sadd.s32 $0x1, s24;
	[sflag:s23] =	ssyncset.done $0x0  }
0xb1: {  	p0 =	sne.s32 s24, s8;
	[sflag:s23] =	ssyncadd.s32 $0xFFFFFB00  }
.Ltmp1:
0xb2: {  	[bflag:$0x0] =	sbarrier.arrive $0xFFFF;
	(pc) =	sbr.rel @p0 .LBB2_1-.Ltmp1, $4  }
0xb3: {  	[hbm:s7], [sflag:s11] =	dma.local [spmem:s12], $0x500  }
0xb4: {  	_ =	swait.ge [sflag:s9], $0x500  }
0xb5: {  	[sflag:s9] =	ssyncset.done $0x0  }
0xb6: {  	[sflag:s9] =	ssyncadd.s32 $0xFFFFFB00  }
0xb7: {  	_ =	sfence.sel $0x180000  }
0xb8: {  	[bflag:$0x0] =	sbarrier.arrive $0xFFFF  }
0xb9: {  	p0 =	sne.s32 s0, $0x0;
	_ =	strace $0x90000047  }
0xba: {  	s0 =	sadd.s32 @!p0 $0x100000, s1;
	[bflag:$0x2] =	sbarrier.arrive $0xFFFF  }
0xbb: {  	[sflag:s0] =	ssyncadd.tile.s32 @!p0 $0x1;
	_ =	shalt  }
.Lfunc_end2:
_tile_overlayer_lowered:
.L_overlay_start_2:
0xbc: {  	(tag) =	ssettag $0x2  }
0xbd: {  	s0 =	rddreg [dreg:$0x0];
	s2 =	stileid.u32  }
0xbe: {  	s1 =	rddreg [dreg:$0x1];
	p0 =	sne.s32 s2, $0x0  }
0xbf: {  	s3 =	rddreg [dreg:$0x2];
	[bflag:$0x3] =	sbarrier.arrive $0xFFFF;
	s2 =	simm.s32 @!p0 $0x1C0B  }
0xc0: {  	[timem:s3], [sflag:s2] =	dma.local @!p0 [hbm:s0], s1  }
0xc1: {  	s0 =	simm.s32 @!p0 $0xB  }
0xc2: {  	_ =	swait.ge @!p0 [sflag:s0], s1  }
0xc3: {  	s1 =	ssub.s32 @!p0 $0x0, s1;
	[sflag:s0] =	ssyncset.done @!p0 $0x0  }
0xc4: {  	[sflag:s0] =	ssyncadd.s32 @!p0 s1  }
0xc5: {  	[bflag:$0x3] =	sbarrier.arrive $0xFFFF  }
0xc6: {  	_ =	shalt  }

</sc_bundles>
